<compile_context>
chip_gen: v7x
topology: tpu7x:2x2x1
jax: 0.10.2.dev20260603
libtpu: 0.0.44.dev20260713+nightly
codegen_flags: <defaults>
</compile_context>

<pallas_src>
import functools

import jax
import jax.numpy as jnp
from jax import lax
from jax.experimental import pallas as pl
from jax.experimental.pallas import tpu as pltpu
from jax.experimental.pallas import tpu_sc as plsc

N = 10000
E = 320000
F = 128

NUM_SC = 2
NUM_TILES = 16
NW = NUM_SC * NUM_TILES
EDGES_PER_W = E // NW
CHUNK = 80
NCHUNKS = EDGES_PER_W // CHUNK
NPAD = 10240
ROWS_PER_TILE = NPAD // NUM_TILES


def _sc_segment_sum(x, edges_flat, zeros_blk):
    mesh = plsc.VectorSubcoreMesh(core_axis_name="c", subcore_axis_name="s")

    @functools.partial(
        pl.kernel,
        out_type=[jax.ShapeDtypeStruct((NPAD, F), jnp.float32),
                  jax.ShapeDtypeStruct((NPAD, F), jnp.float32)],
        mesh=mesh,
        scratch_types=(
            [pltpu.VMEM((CHUNK,), jnp.int32)] * 6
            + [pltpu.VMEM((CHUNK, F), jnp.float32)] * 3
            + [pltpu.VMEM_SHARED((NPAD, F), jnp.float32)]
            + [pltpu.SemaphoreType.DMA] * 12
        ),
    )
    def seg_sum(x_hbm, e_hbm, z_hbm, out0_hbm, out1_hbm,
                idx_s0, idx_s1, idx_s2, idx_d0, idx_d1, idx_d2,
                rows0, rows1, rows2, acc,
                isem0, isem1, isem2, dsem0, dsem1, dsem2,
                gsem0, gsem1, gsem2, ssem0, ssem1, ssem2):
        c = lax.axis_index("c")
        s = lax.axis_index("s")
        wid = c * NUM_TILES + s
        idx_s = (idx_s0, idx_s1, idx_s2)
        idx_d = (idx_d0, idx_d1, idx_d2)
        rows = (rows0, rows1, rows2)
        isem = (isem0, isem1, isem2)
        dsem = (dsem0, dsem1, dsem2)
        gsem = (gsem0, gsem1, gsem2)
        ssem = (ssem0, ssem1, ssem2)

        row0 = s * ROWS_PER_TILE
        pltpu.sync_copy(z_hbm, rows0)
        for t in range(ROWS_PER_TILE // CHUNK):
            pltpu.sync_copy(rows0, acc.at[pl.ds(row0 + t * CHUNK, CHUNK)])
        plsc.subcore_barrier()

        ebase = wid * EDGES_PER_W

        def start_src(i, b):
            pltpu.async_copy(e_hbm.at[pl.ds(ebase + i * CHUNK, CHUNK)],
                             idx_s[b], isem[b])

        def start_dst(i, b):
            pltpu.async_copy(e_hbm.at[pl.ds(E + ebase + i * CHUNK, CHUNK)],
                             idx_d[b], dsem[b])

        def wait_src(b):
            pltpu.make_async_copy(e_hbm.at[pl.ds(0, CHUNK)], idx_s[b], isem[b]).wait()

        def wait_dst(b):
            pltpu.make_async_copy(e_hbm.at[pl.ds(0, CHUNK)], idx_d[b], dsem[b]).wait()

        def start_gather(b):
            pltpu.async_copy(x_hbm.at[idx_s[b]], rows[b], gsem[b])

        def wait_gather(b):
            pltpu.make_async_copy(x_hbm.at[idx_s[b]], rows[b], gsem[b]).wait()

        def start_scatter(b):
            pltpu.async_copy(rows[b], acc.at[idx_d[b]], ssem[b], add=True)

        def wait_scatter(b):
            pltpu.make_async_copy(rows[b], acc.at[idx_d[b]], ssem[b]).wait()

        def steady(i, b, k_pred=None, skip_c_wait=False):
            bp = (b + 2) % 3
            if not skip_c_wait:
                wait_scatter(b)
            start_dst(i, b)
            wait_src(b)
            start_gather(b)
            wait_gather(bp)
            if k_pred is None:
                start_src(i + 2, bp)
            else:
                @pl.when(k_pred)
                def _():
                    start_src(i + 2, bp)
            wait_dst(bp)
            start_scatter(bp)

        start_src(0, 0)
        start_dst(0, 0)
        start_src(1, 1)
        start_dst(1, 1)
        start_src(2, 2)
        wait_src(0)
        start_gather(0)
        wait_src(1)
        start_gather(1)
        wait_gather(0)
        start_src(3, 0)
        wait_dst(0)
        start_scatter(0)

        steady(2, 2, skip_c_wait=True)
        steady(3, 0)
        steady(4, 1)

        def body(k, carry):
            i0 = 5 + 3 * k
            steady(i0, 2)
            steady(i0 + 1, 0, k_pred=(k < (NCHUNKS - 5) // 3 - 1))
            steady(i0 + 2, 1, k_pred=(k < (NCHUNKS - 5) // 3 - 1))
            return carry

        lax.fori_loop(0, (NCHUNKS - 5) // 3, body, 0, unroll=False)

        wait_gather(1)
        wait_dst(1)
        start_scatter(1)
        wait_scatter(2)
        wait_scatter(0)
        wait_scatter(1)

        plsc.subcore_barrier()
        stripe = pl.ds(row0, ROWS_PER_TILE)

        @pl.when(c == 0)
        def _():
            pltpu.sync_copy(acc.at[stripe], out0_hbm.at[stripe])

        @pl.when(c == 1)
        def _():
            pltpu.sync_copy(acc.at[stripe], out1_hbm.at[stripe])

    return seg_sum(x, edges_flat, zeros_blk)


_TC_BLK = 2000
_ROW_SPEC = pl.BlockSpec((_TC_BLK, F), lambda i: (i, 0))
_W_SPEC = pl.BlockSpec((F, F), lambda i: (0, 0))
_B_SPEC = pl.BlockSpec((1, F), lambda i: (0, 0))
_GRID = (N // _TC_BLK,)


def _tc_layer(x, p0, p1, w_self, w_nbr, b, residual=None):
    def body(*refs):
        if residual is None:
            x_r, p0_r, p1_r, ws_r, wn_r, b_r, o_r = refs
        else:
            x_r, p0_r, p1_r, ws_r, wn_r, b_r, res_r, o_r = refs
        agg = p0_r[...] + p1_r[...]
        acc = jnp.dot(x_r[...], ws_r[...], preferred_element_type=jnp.float32)
        acc = acc + jnp.dot(agg, wn_r[...], preferred_element_type=jnp.float32)
        acc = jnp.maximum(acc + b_r[...], 0.0)
        if residual is not None:
            acc = acc + res_r[...]
        o_r[...] = acc

    in_specs = [_ROW_SPEC, _ROW_SPEC, _ROW_SPEC, _W_SPEC, _W_SPEC, _B_SPEC]
    args = [x, p0, p1, w_self, w_nbr, b.reshape(1, F)]
    if residual is not None:
        in_specs.append(_ROW_SPEC)
        args.append(residual)

    return pl.pallas_call(
        body,
        grid=_GRID,
        in_specs=in_specs,
        out_specs=_ROW_SPEC,
        out_shape=jax.ShapeDtypeStruct((N, F), jnp.float32),
    )(*args)


def kernel(lv, edge_index1, edge_index2, W_self1, W_nbr1, b1, W_self2, W_nbr2, b2):
    e1 = edge_index1.reshape(2 * E)
    e2 = edge_index2.reshape(2 * E)
    zeros_blk = jnp.zeros((CHUNK, F), jnp.float32)

    p0, p1 = _sc_segment_sum(lv, e1, zeros_blk)
    h = _tc_layer(lv, p0, p1, W_self1, W_nbr1, b1)
    q0, q1 = _sc_segment_sum(h, e2, zeros_blk)
    out = _tc_layer(h, q0, q1, W_self2, W_nbr2, b2, residual=lv)
    return out

# --- scband reference (transcript-rebuilt; emitter-appended) ---
"""Pipeline reference for scband-resnet-block-conv-relu-lattice-28664611733902 (READ-ONLY COPY).

The authoritative reference and input builder live on the scoring server;
editing this copy changes nothing except your own understanding.
"""

import jax, jax.numpy as jnp
import numpy as np

N = 10000
E = 320000
F = 128


def setup_inputs(seed: int = 0) -> dict:
    key = jax.random.key(seed)
    ks = jax.random.split(key, 10)
    lv = jax.random.normal(ks[0], (N, F), dtype=jnp.float32)
    edge_index1 = jax.random.randint(ks[1], (2, E), 0, N, dtype=jnp.int32)
    edge_index2 = jax.random.randint(ks[2], (2, E), 0, N, dtype=jnp.int32)
    scale = 1.0 / np.sqrt(F)
    W_self1 = jax.random.normal(ks[3], (F, F), dtype=jnp.float32) * scale
    W_nbr1 = jax.random.normal(ks[4], (F, F), dtype=jnp.float32) * scale
    b1 = jnp.zeros((F,), dtype=jnp.float32)
    W_self2 = jax.random.normal(ks[5], (F, F), dtype=jnp.float32) * scale
    W_nbr2 = jax.random.normal(ks[6], (F, F), dtype=jnp.float32) * scale
    b2 = jnp.zeros((F,), dtype=jnp.float32)
    return {
        "lv": lv,
        "edge_index1": edge_index1,
        "edge_index2": edge_index2,
        "W_self1": W_self1,
        "W_nbr1": W_nbr1,
        "b1": b1,
        "W_self2": W_self2,
        "W_nbr2": W_nbr2,
        "b2": b2,
    }


def _conv_relu(x, edge_index, W_self, W_nbr, b):
    # ConvLatticeModule(neighbourhood_size=1, dilation=d) modeled as lattice-graph
    # message passing: gather neighbor values along dilation-specific edges,
    # scatter-add to destination lattice vertices, then linear combine with
    # the center (self) contribution, followed by ReLU (ConvRelu.forward).
    src = edge_index[0]
    dst = edge_index[1]
    msgs = jnp.take(x, src, axis=0)  # gather: [E, F]
    agg = jax.ops.segment_sum(msgs, dst, num_segments=N)  # scatter-add: [N, F]
    out = x @ W_self + agg @ W_nbr + b
    return jax.nn.relu(out)


def reference(lv, edge_index1, edge_index2, W_self1, W_nbr1, b1, W_self2, W_nbr2, b2):
    # ResnetBlockConvReluLattice.forward
    identity = lv
    h = _conv_relu(lv, edge_index1, W_self1, W_nbr1, b1)   # conv1 (dilation=1)
    h = _conv_relu(h, edge_index2, W_self2, W_nbr2, b2)    # conv2 (dilation=2)
    out = h + identity  # lv += identity
    return out

if __name__ == "__main__":
    import jax
    _d = setup_inputs()
    print(jax.jit(kernel)(*tuple(_d.values())))

</pallas_src>

<mosaic_0001>
#map = affine_map<(d0, d1) -> (0, 0)>
#map1 = affine_map<(d0, d1) -> (0)>
module attributes {stable_mosaic.version = 14 : i64} {
  func.func @seg_sum(%arg0: i32, %arg1: i32, %arg2: memref<10000x128xf32, #tpu.memory_space<hbm>>, %arg3: memref<640000xi32, #tpu.memory_space<hbm>>, %arg4: memref<80x128xf32, #tpu.memory_space<hbm>>, %arg5: memref<10240x128xf32, #tpu.memory_space<hbm>>, %arg6: memref<10240x128xf32, #tpu.memory_space<hbm>>, %arg7: memref<80xi32, #tpu.memory_space<vmem>>, %arg8: memref<80xi32, #tpu.memory_space<vmem>>, %arg9: memref<80xi32, #tpu.memory_space<vmem>>, %arg10: memref<80xi32, #tpu.memory_space<vmem>>, %arg11: memref<80xi32, #tpu.memory_space<vmem>>, %arg12: memref<80xi32, #tpu.memory_space<vmem>>, %arg13: memref<80x128xf32, #tpu.memory_space<vmem>>, %arg14: memref<80x128xf32, #tpu.memory_space<vmem>>, %arg15: memref<80x128xf32, #tpu.memory_space<vmem>>, %arg16: memref<10240x128xf32, #tpu.memory_space<vmem_shared>>, %arg17: memref<!tpu.dma_semaphore, #tpu.memory_space<semaphore_mem>>, %arg18: memref<!tpu.dma_semaphore, #tpu.memory_space<semaphore_mem>>, %arg19: memref<!tpu.dma_semaphore, #tpu.memory_space<semaphore_mem>>, %arg20: memref<!tpu.dma_semaphore, #tpu.memory_space<semaphore_mem>>, %arg21: memref<!tpu.dma_semaphore, #tpu.memory_space<semaphore_mem>>, %arg22: memref<!tpu.dma_semaphore, #tpu.memory_space<semaphore_mem>>, %arg23: memref<!tpu.dma_semaphore, #tpu.memory_space<semaphore_mem>>, %arg24: memref<!tpu.dma_semaphore, #tpu.memory_space<semaphore_mem>>, %arg25: memref<!tpu.dma_semaphore, #tpu.memory_space<semaphore_mem>>, %arg26: memref<!tpu.dma_semaphore, #tpu.memory_space<semaphore_mem>>, %arg27: memref<!tpu.dma_semaphore, #tpu.memory_space<semaphore_mem>>, %arg28: memref<!tpu.dma_semaphore, #tpu.memory_space<semaphore_mem>>) attributes {dimension_semantics = [#tpu.dimension_semantics<core_parallel>, #tpu.dimension_semantics<subcore_parallel>], iteration_bounds = array<i64: 2, 16>, scalar_prefetch = 0 : i64, scratch_operands = 22 : i64, tpu.core_type = #tpu.core_type<sc_vector_subcore>, window_params = [{transform_indices = #map}, {transform_indices = #map1}, {transform_indices = #map}, {transform_indices = #map}, {transform_indices = #map}]} {
    %mul3A = arith.constant 16 : i32
    %mul3A_0 = arith.muli %arg0, %mul3A : i32
    %add3A = arith.addi %mul3A_0, %arg1 : i32
    %mul3A_1 = arith.constant 640 : i32
    %mul3A_2 = arith.muli %arg1, %mul3A_1 : i32
    "tpu.region"() ({
      %run_scoped3A = tpu.sem_alloc : memref<!tpu.dma_semaphore, #tpu.memory_space<semaphore_mem>>
      tpu.enqueue_dma source(%arg4 : memref<80x128xf32, #tpu.memory_space<hbm>>) target(%arg13 : memref<80x128xf32, #tpu.memory_space<vmem>>) target_semaphore(%run_scoped3A : memref<!tpu.dma_semaphore, #tpu.memory_space<semaphore_mem>>)
      tpu.wait_dma2 semaphore(%run_scoped3A : memref<!tpu.dma_semaphore, #tpu.memory_space<semaphore_mem>>) src(%arg4 : memref<80x128xf32, #tpu.memory_space<hbm>>) dst(%arg13 : memref<80x128xf32, #tpu.memory_space<vmem>>)
      tpu.yield
    }) : () -> ()
    %add3A_3 = arith.constant 0 : i32
    %add3A_4 = arith.addi %mul3A_2, %add3A_3 : i32
    "tpu.region"() ({
      %run_scoped3A = tpu.sem_alloc : memref<!tpu.dma_semaphore, #tpu.memory_space<semaphore_mem>>
      %dma_start3A_190 = arith.constant 0 : i32
      %dma_start3A_191 = tpu.memref_slice %arg16[%add3A_4, %dma_start3A_190] : memref<10240x128xf32, #tpu.memory_space<vmem_shared>> -> memref<80x128xf32, #tpu.memory_space<vmem_shared>>
      %dma_start3A_192 = arith.constant 0 : i32
      %dma_start3A_193 = tpu.memref_slice %arg16[%add3A_4, %dma_start3A_192] : memref<10240x128xf32, #tpu.memory_space<vmem_shared>> -> memref<80x128xf32, #tpu.memory_space<vmem_shared>>
      tpu.enqueue_dma source(%arg13 : memref<80x128xf32, #tpu.memory_space<vmem>>) target(%dma_start3A_193 : memref<80x128xf32, #tpu.memory_space<vmem_shared>>) target_semaphore(%run_scoped3A : memref<!tpu.dma_semaphore, #tpu.memory_space<semaphore_mem>>)
      %dma_wait3A_194 = arith.constant 0 : i32
      %dma_wait3A_195 = tpu.memref_slice %arg16[%add3A_4, %dma_wait3A_194] : memref<10240x128xf32, #tpu.memory_space<vmem_shared>> -> memref<80x128xf32, #tpu.memory_space<vmem_shared>>
      %dma_wait3A_196 = arith.constant 0 : i32
      %dma_wait3A_197 = tpu.memref_slice %arg16[%add3A_4, %dma_wait3A_196] : memref<10240x128xf32, #tpu.memory_space<vmem_shared>> -> memref<80x128xf32, #tpu.memory_space<vmem_shared>>
      tpu.wait_dma2 semaphore(%run_scoped3A : memref<!tpu.dma_semaphore, #tpu.memory_space<semaphore_mem>>) src(%arg13 : memref<80x128xf32, #tpu.memory_space<vmem>>) dst(%dma_wait3A_197 : memref<80x128xf32, #tpu.memory_space<vmem_shared>>)
      tpu.yield
    }) : () -> ()
    %add3A_5 = arith.constant 80 : i32
    %add3A_6 = arith.addi %mul3A_2, %add3A_5 : i32
    "tpu.region"() ({
      %run_scoped3A = tpu.sem_alloc : memref<!tpu.dma_semaphore, #tpu.memory_space<semaphore_mem>>
      %dma_start3A_190 = arith.constant 0 : i32
      %dma_start3A_191 = tpu.memref_slice %arg16[%add3A_6, %dma_start3A_190] : memref<10240x128xf32, #tpu.memory_space<vmem_shared>> -> memref<80x128xf32, #tpu.memory_space<vmem_shared>>
      %dma_start3A_192 = arith.constant 0 : i32
      %dma_start3A_193 = tpu.memref_slice %arg16[%add3A_6, %dma_start3A_192] : memref<10240x128xf32, #tpu.memory_space<vmem_shared>> -> memref<80x128xf32, #tpu.memory_space<vmem_shared>>
      tpu.enqueue_dma source(%arg13 : memref<80x128xf32, #tpu.memory_space<vmem>>) target(%dma_start3A_193 : memref<80x128xf32, #tpu.memory_space<vmem_shared>>) target_semaphore(%run_scoped3A : memref<!tpu.dma_semaphore, #tpu.memory_space<semaphore_mem>>)
      %dma_wait3A_194 = arith.constant 0 : i32
      %dma_wait3A_195 = tpu.memref_slice %arg16[%add3A_6, %dma_wait3A_194] : memref<10240x128xf32, #tpu.memory_space<vmem_shared>> -> memref<80x128xf32, #tpu.memory_space<vmem_shared>>
      %dma_wait3A_196 = arith.constant 0 : i32
      %dma_wait3A_197 = tpu.memref_slice %arg16[%add3A_6, %dma_wait3A_196] : memref<10240x128xf32, #tpu.memory_space<vmem_shared>> -> memref<80x128xf32, #tpu.memory_space<vmem_shared>>
      tpu.wait_dma2 semaphore(%run_scoped3A : memref<!tpu.dma_semaphore, #tpu.memory_space<semaphore_mem>>) src(%arg13 : memref<80x128xf32, #tpu.memory_space<vmem>>) dst(%dma_wait3A_197 : memref<80x128xf32, #tpu.memory_space<vmem_shared>>)
      tpu.yield
    }) : () -> ()
    %add3A_7 = arith.constant 160 : i32
    %add3A_8 = arith.addi %mul3A_2, %add3A_7 : i32
    "tpu.region"() ({
      %run_scoped3A = tpu.sem_alloc : memref<!tpu.dma_semaphore, #tpu.memory_space<semaphore_mem>>
      %dma_start3A_190 = arith.constant 0 : i32
      %dma_start3A_191 = tpu.memref_slice %arg16[%add3A_8, %dma_start3A_190] : memref<10240x128xf32, #tpu.memory_space<vmem_shared>> -> memref<80x128xf32, #tpu.memory_space<vmem_shared>>
      %dma_start3A_192 = arith.constant 0 : i32
      %dma_start3A_193 = tpu.memref_slice %arg16[%add3A_8, %dma_start3A_192] : memref<10240x128xf32, #tpu.memory_space<vmem_shared>> -> memref<80x128xf32, #tpu.memory_space<vmem_shared>>
      tpu.enqueue_dma source(%arg13 : memref<80x128xf32, #tpu.memory_space<vmem>>) target(%dma_start3A_193 : memref<80x128xf32, #tpu.memory_space<vmem_shared>>) target_semaphore(%run_scoped3A : memref<!tpu.dma_semaphore, #tpu.memory_space<semaphore_mem>>)
      %dma_wait3A_194 = arith.constant 0 : i32
      %dma_wait3A_195 = tpu.memref_slice %arg16[%add3A_8, %dma_wait3A_194] : memref<10240x128xf32, #tpu.memory_space<vmem_shared>> -> memref<80x128xf32, #tpu.memory_space<vmem_shared>>
      %dma_wait3A_196 = arith.constant 0 : i32
      %dma_wait3A_197 = tpu.memref_slice %arg16[%add3A_8, %dma_wait3A_196] : memref<10240x128xf32, #tpu.memory_space<vmem_shared>> -> memref<80x128xf32, #tpu.memory_space<vmem_shared>>
      tpu.wait_dma2 semaphore(%run_scoped3A : memref<!tpu.dma_semaphore, #tpu.memory_space<semaphore_mem>>) src(%arg13 : memref<80x128xf32, #tpu.memory_space<vmem>>) dst(%dma_wait3A_197 : memref<80x128xf32, #tpu.memory_space<vmem_shared>>)
      tpu.yield
    }) : () -> ()
    %add3A_9 = arith.constant 240 : i32
    %add3A_10 = arith.addi %mul3A_2, %add3A_9 : i32
    "tpu.region"() ({
      %run_scoped3A = tpu.sem_alloc : memref<!tpu.dma_semaphore, #tpu.memory_space<semaphore_mem>>
      %dma_start3A_190 = arith.constant 0 : i32
      %dma_start3A_191 = tpu.memref_slice %arg16[%add3A_10, %dma_start3A_190] : memref<10240x128xf32, #tpu.memory_space<vmem_shared>> -> memref<80x128xf32, #tpu.memory_space<vmem_shared>>
      %dma_start3A_192 = arith.constant 0 : i32
      %dma_start3A_193 = tpu.memref_slice %arg16[%add3A_10, %dma_start3A_192] : memref<10240x128xf32, #tpu.memory_space<vmem_shared>> -> memref<80x128xf32, #tpu.memory_space<vmem_shared>>
      tpu.enqueue_dma source(%arg13 : memref<80x128xf32, #tpu.memory_space<vmem>>) target(%dma_start3A_193 : memref<80x128xf32, #tpu.memory_space<vmem_shared>>) target_semaphore(%run_scoped3A : memref<!tpu.dma_semaphore, #tpu.memory_space<semaphore_mem>>)
      %dma_wait3A_194 = arith.constant 0 : i32
      %dma_wait3A_195 = tpu.memref_slice %arg16[%add3A_10, %dma_wait3A_194] : memref<10240x128xf32, #tpu.memory_space<vmem_shared>> -> memref<80x128xf32, #tpu.memory_space<vmem_shared>>
      %dma_wait3A_196 = arith.constant 0 : i32
      %dma_wait3A_197 = tpu.memref_slice %arg16[%add3A_10, %dma_wait3A_196] : memref<10240x128xf32, #tpu.memory_space<vmem_shared>> -> memref<80x128xf32, #tpu.memory_space<vmem_shared>>
      tpu.wait_dma2 semaphore(%run_scoped3A : memref<!tpu.dma_semaphore, #tpu.memory_space<semaphore_mem>>) src(%arg13 : memref<80x128xf32, #tpu.memory_space<vmem>>) dst(%dma_wait3A_197 : memref<80x128xf32, #tpu.memory_space<vmem_shared>>)
      tpu.yield
    }) : () -> ()
    %add3A_11 = arith.constant 320 : i32
    %add3A_12 = arith.addi %mul3A_2, %add3A_11 : i32
    "tpu.region"() ({
      %run_scoped3A = tpu.sem_alloc : memref<!tpu.dma_semaphore, #tpu.memory_space<semaphore_mem>>
      %dma_start3A_190 = arith.constant 0 : i32
      %dma_start3A_191 = tpu.memref_slice %arg16[%add3A_12, %dma_start3A_190] : memref<10240x128xf32, #tpu.memory_space<vmem_shared>> -> memref<80x128xf32, #tpu.memory_space<vmem_shared>>
      %dma_start3A_192 = arith.constant 0 : i32
      %dma_start3A_193 = tpu.memref_slice %arg16[%add3A_12, %dma_start3A_192] : memref<10240x128xf32, #tpu.memory_space<vmem_shared>> -> memref<80x128xf32, #tpu.memory_space<vmem_shared>>
      tpu.enqueue_dma source(%arg13 : memref<80x128xf32, #tpu.memory_space<vmem>>) target(%dma_start3A_193 : memref<80x128xf32, #tpu.memory_space<vmem_shared>>) target_semaphore(%run_scoped3A : memref<!tpu.dma_semaphore, #tpu.memory_space<semaphore_mem>>)
      %dma_wait3A_194 = arith.constant 0 : i32
      %dma_wait3A_195 = tpu.memref_slice %arg16[%add3A_12, %dma_wait3A_194] : memref<10240x128xf32, #tpu.memory_space<vmem_shared>> -> memref<80x128xf32, #tpu.memory_space<vmem_shared>>
      %dma_wait3A_196 = arith.constant 0 : i32
      %dma_wait3A_197 = tpu.memref_slice %arg16[%add3A_12, %dma_wait3A_196] : memref<10240x128xf32, #tpu.memory_space<vmem_shared>> -> memref<80x128xf32, #tpu.memory_space<vmem_shared>>
      tpu.wait_dma2 semaphore(%run_scoped3A : memref<!tpu.dma_semaphore, #tpu.memory_space<semaphore_mem>>) src(%arg13 : memref<80x128xf32, #tpu.memory_space<vmem>>) dst(%dma_wait3A_197 : memref<80x128xf32, #tpu.memory_space<vmem_shared>>)
      tpu.yield
    }) : () -> ()
    %add3A_13 = arith.constant 400 : i32
    %add3A_14 = arith.addi %mul3A_2, %add3A_13 : i32
    "tpu.region"() ({
      %run_scoped3A = tpu.sem_alloc : memref<!tpu.dma_semaphore, #tpu.memory_space<semaphore_mem>>
      %dma_start3A_190 = arith.constant 0 : i32
      %dma_start3A_191 = tpu.memref_slice %arg16[%add3A_14, %dma_start3A_190] : memref<10240x128xf32, #tpu.memory_space<vmem_shared>> -> memref<80x128xf32, #tpu.memory_space<vmem_shared>>
      %dma_start3A_192 = arith.constant 0 : i32
      %dma_start3A_193 = tpu.memref_slice %arg16[%add3A_14, %dma_start3A_192] : memref<10240x128xf32, #tpu.memory_space<vmem_shared>> -> memref<80x128xf32, #tpu.memory_space<vmem_shared>>
      tpu.enqueue_dma source(%arg13 : memref<80x128xf32, #tpu.memory_space<vmem>>) target(%dma_start3A_193 : memref<80x128xf32, #tpu.memory_space<vmem_shared>>) target_semaphore(%run_scoped3A : memref<!tpu.dma_semaphore, #tpu.memory_space<semaphore_mem>>)
      %dma_wait3A_194 = arith.constant 0 : i32
      %dma_wait3A_195 = tpu.memref_slice %arg16[%add3A_14, %dma_wait3A_194] : memref<10240x128xf32, #tpu.memory_space<vmem_shared>> -> memref<80x128xf32, #tpu.memory_space<vmem_shared>>
      %dma_wait3A_196 = arith.constant 0 : i32
      %dma_wait3A_197 = tpu.memref_slice %arg16[%add3A_14, %dma_wait3A_196] : memref<10240x128xf32, #tpu.memory_space<vmem_shared>> -> memref<80x128xf32, #tpu.memory_space<vmem_shared>>
      tpu.wait_dma2 semaphore(%run_scoped3A : memref<!tpu.dma_semaphore, #tpu.memory_space<semaphore_mem>>) src(%arg13 : memref<80x128xf32, #tpu.memory_space<vmem>>) dst(%dma_wait3A_197 : memref<80x128xf32, #tpu.memory_space<vmem_shared>>)
      tpu.yield
    }) : () -> ()
    %add3A_15 = arith.constant 480 : i32
    %add3A_16 = arith.addi %mul3A_2, %add3A_15 : i32
    "tpu.region"() ({
      %run_scoped3A = tpu.sem_alloc : memref<!tpu.dma_semaphore, #tpu.memory_space<semaphore_mem>>
      %dma_start3A_190 = arith.constant 0 : i32
      %dma_start3A_191 = tpu.memref_slice %arg16[%add3A_16, %dma_start3A_190] : memref<10240x128xf32, #tpu.memory_space<vmem_shared>> -> memref<80x128xf32, #tpu.memory_space<vmem_shared>>
      %dma_start3A_192 = arith.constant 0 : i32
      %dma_start3A_193 = tpu.memref_slice %arg16[%add3A_16, %dma_start3A_192] : memref<10240x128xf32, #tpu.memory_space<vmem_shared>> -> memref<80x128xf32, #tpu.memory_space<vmem_shared>>
      tpu.enqueue_dma source(%arg13 : memref<80x128xf32, #tpu.memory_space<vmem>>) target(%dma_start3A_193 : memref<80x128xf32, #tpu.memory_space<vmem_shared>>) target_semaphore(%run_scoped3A : memref<!tpu.dma_semaphore, #tpu.memory_space<semaphore_mem>>)
      %dma_wait3A_194 = arith.constant 0 : i32
      %dma_wait3A_195 = tpu.memref_slice %arg16[%add3A_16, %dma_wait3A_194] : memref<10240x128xf32, #tpu.memory_space<vmem_shared>> -> memref<80x128xf32, #tpu.memory_space<vmem_shared>>
      %dma_wait3A_196 = arith.constant 0 : i32
      %dma_wait3A_197 = tpu.memref_slice %arg16[%add3A_16, %dma_wait3A_196] : memref<10240x128xf32, #tpu.memory_space<vmem_shared>> -> memref<80x128xf32, #tpu.memory_space<vmem_shared>>
      tpu.wait_dma2 semaphore(%run_scoped3A : memref<!tpu.dma_semaphore, #tpu.memory_space<semaphore_mem>>) src(%arg13 : memref<80x128xf32, #tpu.memory_space<vmem>>) dst(%dma_wait3A_197 : memref<80x128xf32, #tpu.memory_space<vmem_shared>>)
      tpu.yield
    }) : () -> ()
    %add3A_17 = arith.constant 560 : i32
    %add3A_18 = arith.addi %mul3A_2, %add3A_17 : i32
    "tpu.region"() ({
      %run_scoped3A = tpu.sem_alloc : memref<!tpu.dma_semaphore, #tpu.memory_space<semaphore_mem>>
      %dma_start3A_190 = arith.constant 0 : i32
      %dma_start3A_191 = tpu.memref_slice %arg16[%add3A_18, %dma_start3A_190] : memref<10240x128xf32, #tpu.memory_space<vmem_shared>> -> memref<80x128xf32, #tpu.memory_space<vmem_shared>>
      %dma_start3A_192 = arith.constant 0 : i32
      %dma_start3A_193 = tpu.memref_slice %arg16[%add3A_18, %dma_start3A_192] : memref<10240x128xf32, #tpu.memory_space<vmem_shared>> -> memref<80x128xf32, #tpu.memory_space<vmem_shared>>
      tpu.enqueue_dma source(%arg13 : memref<80x128xf32, #tpu.memory_space<vmem>>) target(%dma_start3A_193 : memref<80x128xf32, #tpu.memory_space<vmem_shared>>) target_semaphore(%run_scoped3A : memref<!tpu.dma_semaphore, #tpu.memory_space<semaphore_mem>>)
      %dma_wait3A_194 = arith.constant 0 : i32
      %dma_wait3A_195 = tpu.memref_slice %arg16[%add3A_18, %dma_wait3A_194] : memref<10240x128xf32, #tpu.memory_space<vmem_shared>> -> memref<80x128xf32, #tpu.memory_space<vmem_shared>>
      %dma_wait3A_196 = arith.constant 0 : i32
      %dma_wait3A_197 = tpu.memref_slice %arg16[%add3A_18, %dma_wait3A_196] : memref<10240x128xf32, #tpu.memory_space<vmem_shared>> -> memref<80x128xf32, #tpu.memory_space<vmem_shared>>
      tpu.wait_dma2 semaphore(%run_scoped3A : memref<!tpu.dma_semaphore, #tpu.memory_space<semaphore_mem>>) src(%arg13 : memref<80x128xf32, #tpu.memory_space<vmem>>) dst(%dma_wait3A_197 : memref<80x128xf32, #tpu.memory_space<vmem_shared>>)
      tpu.yield
    }) : () -> ()
    %barrier3A = arith.constant 0 : index
    tpu.barrier barrier_id(%barrier3A)
    %mul3A_19 = arith.constant 10000 : i32
    %mul3A_20 = arith.muli %add3A, %mul3A_19 : i32
    %add3A_21 = arith.constant 0 : i32
    %add3A_22 = arith.addi %mul3A_20, %add3A_21 : i32
    %dma_start3A = tpu.memref_slice %arg3[%add3A_22] : memref<640000xi32, #tpu.memory_space<hbm>> -> memref<80xi32, #tpu.memory_space<hbm>>
    %dma_start3A_23 = tpu.memref_slice %arg3[%add3A_22] : memref<640000xi32, #tpu.memory_space<hbm>> -> memref<80xi32, #tpu.memory_space<hbm>>
    tpu.enqueue_dma source(%dma_start3A_23 : memref<80xi32, #tpu.memory_space<hbm>>) target(%arg7 : memref<80xi32, #tpu.memory_space<vmem>>) target_semaphore(%arg17 : memref<!tpu.dma_semaphore, #tpu.memory_space<semaphore_mem>>)
    %add3A_24 = arith.constant 320000 : i32
    %add3A_25 = arith.addi %add3A_24, %mul3A_20 : i32
    %add3A_26 = arith.constant 0 : i32
    %add3A_27 = arith.addi %add3A_25, %add3A_26 : i32
    %dma_start3A_28 = tpu.memref_slice %arg3[%add3A_27] : memref<640000xi32, #tpu.memory_space<hbm>> -> memref<80xi32, #tpu.memory_space<hbm>>
    %dma_start3A_29 = tpu.memref_slice %arg3[%add3A_27] : memref<640000xi32, #tpu.memory_space<hbm>> -> memref<80xi32, #tpu.memory_space<hbm>>
    tpu.enqueue_dma source(%dma_start3A_29 : memref<80xi32, #tpu.memory_space<hbm>>) target(%arg10 : memref<80xi32, #tpu.memory_space<vmem>>) target_semaphore(%arg20 : memref<!tpu.dma_semaphore, #tpu.memory_space<semaphore_mem>>)
    %add3A_30 = arith.constant 80 : i32
    %add3A_31 = arith.addi %mul3A_20, %add3A_30 : i32
    %dma_start3A_32 = tpu.memref_slice %arg3[%add3A_31] : memref<640000xi32, #tpu.memory_space<hbm>> -> memref<80xi32, #tpu.memory_space<hbm>>
    %dma_start3A_33 = tpu.memref_slice %arg3[%add3A_31] : memref<640000xi32, #tpu.memory_space<hbm>> -> memref<80xi32, #tpu.memory_space<hbm>>
    tpu.enqueue_dma source(%dma_start3A_33 : memref<80xi32, #tpu.memory_space<hbm>>) target(%arg8 : memref<80xi32, #tpu.memory_space<vmem>>) target_semaphore(%arg18 : memref<!tpu.dma_semaphore, #tpu.memory_space<semaphore_mem>>)
    %add3A_34 = arith.constant 320000 : i32
    %add3A_35 = arith.addi %add3A_34, %mul3A_20 : i32
    %add3A_36 = arith.constant 80 : i32
    %add3A_37 = arith.addi %add3A_35, %add3A_36 : i32
    %dma_start3A_38 = tpu.memref_slice %arg3[%add3A_37] : memref<640000xi32, #tpu.memory_space<hbm>> -> memref<80xi32, #tpu.memory_space<hbm>>
    %dma_start3A_39 = tpu.memref_slice %arg3[%add3A_37] : memref<640000xi32, #tpu.memory_space<hbm>> -> memref<80xi32, #tpu.memory_space<hbm>>
    tpu.enqueue_dma source(%dma_start3A_39 : memref<80xi32, #tpu.memory_space<hbm>>) target(%arg11 : memref<80xi32, #tpu.memory_space<vmem>>) target_semaphore(%arg21 : memref<!tpu.dma_semaphore, #tpu.memory_space<semaphore_mem>>)
    %add3A_40 = arith.constant 160 : i32
    %add3A_41 = arith.addi %mul3A_20, %add3A_40 : i32
    %dma_start3A_42 = tpu.memref_slice %arg3[%add3A_41] : memref<640000xi32, #tpu.memory_space<hbm>> -> memref<80xi32, #tpu.memory_space<hbm>>
    %dma_start3A_43 = tpu.memref_slice %arg3[%add3A_41] : memref<640000xi32, #tpu.memory_space<hbm>> -> memref<80xi32, #tpu.memory_space<hbm>>
    tpu.enqueue_dma source(%dma_start3A_43 : memref<80xi32, #tpu.memory_space<hbm>>) target(%arg9 : memref<80xi32, #tpu.memory_space<vmem>>) target_semaphore(%arg19 : memref<!tpu.dma_semaphore, #tpu.memory_space<semaphore_mem>>)
    %dma_wait3A = arith.constant 0 : i32
    %dma_wait3A_44 = tpu.memref_slice %arg3[%dma_wait3A] : memref<640000xi32, #tpu.memory_space<hbm>> -> memref<80xi32, #tpu.memory_space<hbm>>
    %dma_wait3A_45 = arith.constant 0 : i32
    %dma_wait3A_46 = tpu.memref_slice %arg3[%dma_wait3A_45] : memref<640000xi32, #tpu.memory_space<hbm>> -> memref<80xi32, #tpu.memory_space<hbm>>
    tpu.wait_dma2 semaphore(%arg17 : memref<!tpu.dma_semaphore, #tpu.memory_space<semaphore_mem>>) src(%dma_wait3A_46 : memref<80xi32, #tpu.memory_space<hbm>>) dst(%arg7 : memref<80xi32, #tpu.memory_space<vmem>>)
    %dma_start3A_47 = arith.constant 0 : i32
    %dma_start3A_48 = arith.constant 0 : i32
    %dma_start3A_49 = tpu.memref_slice %arg2[%dma_start3A_47, %dma_start3A_48] : memref<10000x128xf32, #tpu.memory_space<hbm>> -> memref<10000x128xf32, #tpu.memory_space<hbm>>
    tpu.enqueue_indirect_dma source(%dma_start3A_49 : memref<10000x128xf32, #tpu.memory_space<hbm>>) target(%arg13 : memref<80x128xf32, #tpu.memory_space<vmem>>) offsets(%arg7 : memref<80xi32, #tpu.memory_space<vmem>>) semaphore(%arg23 : memref<!tpu.dma_semaphore, #tpu.memory_space<semaphore_mem>>)
    %dma_wait3A_50 = arith.constant 0 : i32
    %dma_wait3A_51 = tpu.memref_slice %arg3[%dma_wait3A_50] : memref<640000xi32, #tpu.memory_space<hbm>> -> memref<80xi32, #tpu.memory_space<hbm>>
    %dma_wait3A_52 = arith.constant 0 : i32
    %dma_wait3A_53 = tpu.memref_slice %arg3[%dma_wait3A_52] : memref<640000xi32, #tpu.memory_space<hbm>> -> memref<80xi32, #tpu.memory_space<hbm>>
    tpu.wait_dma2 semaphore(%arg18 : memref<!tpu.dma_semaphore, #tpu.memory_space<semaphore_mem>>) src(%dma_wait3A_53 : memref<80xi32, #tpu.memory_space<hbm>>) dst(%arg8 : memref<80xi32, #tpu.memory_space<vmem>>)
    %dma_start3A_54 = arith.constant 0 : i32
    %dma_start3A_55 = arith.constant 0 : i32
    %dma_start3A_56 = tpu.memref_slice %arg2[%dma_start3A_54, %dma_start3A_55] : memref<10000x128xf32, #tpu.memory_space<hbm>> -> memref<10000x128xf32, #tpu.memory_space<hbm>>
    tpu.enqueue_indirect_dma source(%dma_start3A_56 : memref<10000x128xf32, #tpu.memory_space<hbm>>) target(%arg14 : memref<80x128xf32, #tpu.memory_space<vmem>>) offsets(%arg8 : memref<80xi32, #tpu.memory_space<vmem>>) semaphore(%arg24 : memref<!tpu.dma_semaphore, #tpu.memory_space<semaphore_mem>>)
    %dma_wait3A_57 = arith.constant 0 : i32
    %dma_wait3A_58 = arith.constant 0 : i32
    %dma_wait3A_59 = tpu.memref_slice %arg2[%dma_wait3A_57, %dma_wait3A_58] : memref<10000x128xf32, #tpu.memory_space<hbm>> -> memref<10000x128xf32, #tpu.memory_space<hbm>>
    tpu.wait_indirect_dma semaphore(%arg23 : memref<!tpu.dma_semaphore, #tpu.memory_space<semaphore_mem>>) src(%dma_wait3A_59 : memref<10000x128xf32, #tpu.memory_space<hbm>>) dst(%arg13 : memref<80x128xf32, #tpu.memory_space<vmem>>)
    %add3A_60 = arith.constant 240 : i32
    %add3A_61 = arith.addi %mul3A_20, %add3A_60 : i32
    %dma_start3A_62 = tpu.memref_slice %arg3[%add3A_61] : memref<640000xi32, #tpu.memory_space<hbm>> -> memref<80xi32, #tpu.memory_space<hbm>>
    %dma_start3A_63 = tpu.memref_slice %arg3[%add3A_61] : memref<640000xi32, #tpu.memory_space<hbm>> -> memref<80xi32, #tpu.memory_space<hbm>>
    tpu.enqueue_dma source(%dma_start3A_63 : memref<80xi32, #tpu.memory_space<hbm>>) target(%arg7 : memref<80xi32, #tpu.memory_space<vmem>>) target_semaphore(%arg17 : memref<!tpu.dma_semaphore, #tpu.memory_space<semaphore_mem>>)
    %dma_wait3A_64 = arith.constant 0 : i32
    %dma_wait3A_65 = tpu.memref_slice %arg3[%dma_wait3A_64] : memref<640000xi32, #tpu.memory_space<hbm>> -> memref<80xi32, #tpu.memory_space<hbm>>
    %dma_wait3A_66 = arith.constant 0 : i32
    %dma_wait3A_67 = tpu.memref_slice %arg3[%dma_wait3A_66] : memref<640000xi32, #tpu.memory_space<hbm>> -> memref<80xi32, #tpu.memory_space<hbm>>
    tpu.wait_dma2 semaphore(%arg20 : memref<!tpu.dma_semaphore, #tpu.memory_space<semaphore_mem>>) src(%dma_wait3A_67 : memref<80xi32, #tpu.memory_space<hbm>>) dst(%arg10 : memref<80xi32, #tpu.memory_space<vmem>>)
    %dma_start3A_68 = arith.constant 0 : i32
    %dma_start3A_69 = arith.constant 0 : i32
    %dma_start3A_70 = tpu.memref_slice %arg16[%dma_start3A_68, %dma_start3A_69] : memref<10240x128xf32, #tpu.memory_space<vmem_shared>> -> memref<10240x128xf32, #tpu.memory_space<vmem_shared>>
    tpu.enqueue_indirect_dma source(%arg13 : memref<80x128xf32, #tpu.memory_space<vmem>>) target(%dma_start3A_70 : memref<10240x128xf32, #tpu.memory_space<vmem_shared>>) offsets(%arg10 : memref<80xi32, #tpu.memory_space<vmem>>) semaphore(%arg26 : memref<!tpu.dma_semaphore, #tpu.memory_space<semaphore_mem>>) {add = true}
    %add3A_71 = arith.constant 320000 : i32
    %add3A_72 = arith.addi %add3A_71, %mul3A_20 : i32
    %add3A_73 = arith.constant 160 : i32
    %add3A_74 = arith.addi %add3A_72, %add3A_73 : i32
    %dma_start3A_75 = tpu.memref_slice %arg3[%add3A_74] : memref<640000xi32, #tpu.memory_space<hbm>> -> memref<80xi32, #tpu.memory_space<hbm>>
    %dma_start3A_76 = tpu.memref_slice %arg3[%add3A_74] : memref<640000xi32, #tpu.memory_space<hbm>> -> memref<80xi32, #tpu.memory_space<hbm>>
    tpu.enqueue_dma source(%dma_start3A_76 : memref<80xi32, #tpu.memory_space<hbm>>) target(%arg12 : memref<80xi32, #tpu.memory_space<vmem>>) target_semaphore(%arg22 : memref<!tpu.dma_semaphore, #tpu.memory_space<semaphore_mem>>)
    %dma_wait3A_77 = arith.constant 0 : i32
    %dma_wait3A_78 = tpu.memref_slice %arg3[%dma_wait3A_77] : memref<640000xi32, #tpu.memory_space<hbm>> -> memref<80xi32, #tpu.memory_space<hbm>>
    %dma_wait3A_79 = arith.constant 0 : i32
    %dma_wait3A_80 = tpu.memref_slice %arg3[%dma_wait3A_79] : memref<640000xi32, #tpu.memory_space<hbm>> -> memref<80xi32, #tpu.memory_space<hbm>>
    tpu.wait_dma2 semaphore(%arg19 : memref<!tpu.dma_semaphore, #tpu.memory_space<semaphore_mem>>) src(%dma_wait3A_80 : memref<80xi32, #tpu.memory_space<hbm>>) dst(%arg9 : memref<80xi32, #tpu.memory_space<vmem>>)
    %dma_start3A_81 = arith.constant 0 : i32
    %dma_start3A_82 = arith.constant 0 : i32
    %dma_start3A_83 = tpu.memref_slice %arg2[%dma_start3A_81, %dma_start3A_82] : memref<10000x128xf32, #tpu.memory_space<hbm>> -> memref<10000x128xf32, #tpu.memory_space<hbm>>
    tpu.enqueue_indirect_dma source(%dma_start3A_83 : memref<10000x128xf32, #tpu.memory_space<hbm>>) target(%arg15 : memref<80x128xf32, #tpu.memory_space<vmem>>) offsets(%arg9 : memref<80xi32, #tpu.memory_space<vmem>>) semaphore(%arg25 : memref<!tpu.dma_semaphore, #tpu.memory_space<semaphore_mem>>)
    %dma_wait3A_84 = arith.constant 0 : i32
    %dma_wait3A_85 = arith.constant 0 : i32
    %dma_wait3A_86 = tpu.memref_slice %arg2[%dma_wait3A_84, %dma_wait3A_85] : memref<10000x128xf32, #tpu.memory_space<hbm>> -> memref<10000x128xf32, #tpu.memory_space<hbm>>
    tpu.wait_indirect_dma semaphore(%arg24 : memref<!tpu.dma_semaphore, #tpu.memory_space<semaphore_mem>>) src(%dma_wait3A_86 : memref<10000x128xf32, #tpu.memory_space<hbm>>) dst(%arg14 : memref<80x128xf32, #tpu.memory_space<vmem>>)
    %add3A_87 = arith.constant 320 : i32
    %add3A_88 = arith.addi %mul3A_20, %add3A_87 : i32
    %dma_start3A_89 = tpu.memref_slice %arg3[%add3A_88] : memref<640000xi32, #tpu.memory_space<hbm>> -> memref<80xi32, #tpu.memory_space<hbm>>
    %dma_start3A_90 = tpu.memref_slice %arg3[%add3A_88] : memref<640000xi32, #tpu.memory_space<hbm>> -> memref<80xi32, #tpu.memory_space<hbm>>
    tpu.enqueue_dma source(%dma_start3A_90 : memref<80xi32, #tpu.memory_space<hbm>>) target(%arg8 : memref<80xi32, #tpu.memory_space<vmem>>) target_semaphore(%arg18 : memref<!tpu.dma_semaphore, #tpu.memory_space<semaphore_mem>>)
    %dma_wait3A_91 = arith.constant 0 : i32
    %dma_wait3A_92 = tpu.memref_slice %arg3[%dma_wait3A_91] : memref<640000xi32, #tpu.memory_space<hbm>> -> memref<80xi32, #tpu.memory_space<hbm>>
    %dma_wait3A_93 = arith.constant 0 : i32
    %dma_wait3A_94 = tpu.memref_slice %arg3[%dma_wait3A_93] : memref<640000xi32, #tpu.memory_space<hbm>> -> memref<80xi32, #tpu.memory_space<hbm>>
    tpu.wait_dma2 semaphore(%arg21 : memref<!tpu.dma_semaphore, #tpu.memory_space<semaphore_mem>>) src(%dma_wait3A_94 : memref<80xi32, #tpu.memory_space<hbm>>) dst(%arg11 : memref<80xi32, #tpu.memory_space<vmem>>)
    %dma_start3A_95 = arith.constant 0 : i32
    %dma_start3A_96 = arith.constant 0 : i32
    %dma_start3A_97 = tpu.memref_slice %arg16[%dma_start3A_95, %dma_start3A_96] : memref<10240x128xf32, #tpu.memory_space<vmem_shared>> -> memref<10240x128xf32, #tpu.memory_space<vmem_shared>>
    tpu.enqueue_indirect_dma source(%arg14 : memref<80x128xf32, #tpu.memory_space<vmem>>) target(%dma_start3A_97 : memref<10240x128xf32, #tpu.memory_space<vmem_shared>>) offsets(%arg11 : memref<80xi32, #tpu.memory_space<vmem>>) semaphore(%arg27 : memref<!tpu.dma_semaphore, #tpu.memory_space<semaphore_mem>>) {add = true}
    %dma_wait3A_98 = arith.constant 0 : i32
    %dma_wait3A_99 = arith.constant 0 : i32
    %dma_wait3A_100 = tpu.memref_slice %arg16[%dma_wait3A_98, %dma_wait3A_99] : memref<10240x128xf32, #tpu.memory_space<vmem_shared>> -> memref<10240x128xf32, #tpu.memory_space<vmem_shared>>
    tpu.wait_indirect_dma semaphore(%arg26 : memref<!tpu.dma_semaphore, #tpu.memory_space<semaphore_mem>>) src(%arg13 : memref<80x128xf32, #tpu.memory_space<vmem>>) dst(%dma_wait3A_100 : memref<10240x128xf32, #tpu.memory_space<vmem_shared>>)
    %add3A_101 = arith.constant 320000 : i32
    %add3A_102 = arith.addi %add3A_101, %mul3A_20 : i32
    %add3A_103 = arith.constant 240 : i32
    %add3A_104 = arith.addi %add3A_102, %add3A_103 : i32
    %dma_start3A_105 = tpu.memref_slice %arg3[%add3A_104] : memref<640000xi32, #tpu.memory_space<hbm>> -> memref<80xi32, #tpu.memory_space<hbm>>
    %dma_start3A_106 = tpu.memref_slice %arg3[%add3A_104] : memref<640000xi32, #tpu.memory_space<hbm>> -> memref<80xi32, #tpu.memory_space<hbm>>
    tpu.enqueue_dma source(%dma_start3A_106 : memref<80xi32, #tpu.memory_space<hbm>>) target(%arg10 : memref<80xi32, #tpu.memory_space<vmem>>) target_semaphore(%arg20 : memref<!tpu.dma_semaphore, #tpu.memory_space<semaphore_mem>>)
    %dma_wait3A_107 = arith.constant 0 : i32
    %dma_wait3A_108 = tpu.memref_slice %arg3[%dma_wait3A_107] : memref<640000xi32, #tpu.memory_space<hbm>> -> memref<80xi32, #tpu.memory_space<hbm>>
    %dma_wait3A_109 = arith.constant 0 : i32
    %dma_wait3A_110 = tpu.memref_slice %arg3[%dma_wait3A_109] : memref<640000xi32, #tpu.memory_space<hbm>> -> memref<80xi32, #tpu.memory_space<hbm>>
    tpu.wait_dma2 semaphore(%arg17 : memref<!tpu.dma_semaphore, #tpu.memory_space<semaphore_mem>>) src(%dma_wait3A_110 : memref<80xi32, #tpu.memory_space<hbm>>) dst(%arg7 : memref<80xi32, #tpu.memory_space<vmem>>)
    %dma_start3A_111 = arith.constant 0 : i32
    %dma_start3A_112 = arith.constant 0 : i32
    %dma_start3A_113 = tpu.memref_slice %arg2[%dma_start3A_111, %dma_start3A_112] : memref<10000x128xf32, #tpu.memory_space<hbm>> -> memref<10000x128xf32, #tpu.memory_space<hbm>>
    tpu.enqueue_indirect_dma source(%dma_start3A_113 : memref<10000x128xf32, #tpu.memory_space<hbm>>) target(%arg13 : memref<80x128xf32, #tpu.memory_space<vmem>>) offsets(%arg7 : memref<80xi32, #tpu.memory_space<vmem>>) semaphore(%arg23 : memref<!tpu.dma_semaphore, #tpu.memory_space<semaphore_mem>>)
    %dma_wait3A_114 = arith.constant 0 : i32
    %dma_wait3A_115 = arith.constant 0 : i32
    %dma_wait3A_116 = tpu.memref_slice %arg2[%dma_wait3A_114, %dma_wait3A_115] : memref<10000x128xf32, #tpu.memory_space<hbm>> -> memref<10000x128xf32, #tpu.memory_space<hbm>>
    tpu.wait_indirect_dma semaphore(%arg25 : memref<!tpu.dma_semaphore, #tpu.memory_space<semaphore_mem>>) src(%dma_wait3A_116 : memref<10000x128xf32, #tpu.memory_space<hbm>>) dst(%arg15 : memref<80x128xf32, #tpu.memory_space<vmem>>)
    %add3A_117 = arith.constant 400 : i32
    %add3A_118 = arith.addi %mul3A_20, %add3A_117 : i32
    %dma_start3A_119 = tpu.memref_slice %arg3[%add3A_118] : memref<640000xi32, #tpu.memory_space<hbm>> -> memref<80xi32, #tpu.memory_space<hbm>>
    %dma_start3A_120 = tpu.memref_slice %arg3[%add3A_118] : memref<640000xi32, #tpu.memory_space<hbm>> -> memref<80xi32, #tpu.memory_space<hbm>>
    tpu.enqueue_dma source(%dma_start3A_120 : memref<80xi32, #tpu.memory_space<hbm>>) target(%arg9 : memref<80xi32, #tpu.memory_space<vmem>>) target_semaphore(%arg19 : memref<!tpu.dma_semaphore, #tpu.memory_space<semaphore_mem>>)
    %dma_wait3A_121 = arith.constant 0 : i32
    %dma_wait3A_122 = tpu.memref_slice %arg3[%dma_wait3A_121] : memref<640000xi32, #tpu.memory_space<hbm>> -> memref<80xi32, #tpu.memory_space<hbm>>
    %dma_wait3A_123 = arith.constant 0 : i32
    %dma_wait3A_124 = tpu.memref_slice %arg3[%dma_wait3A_123] : memref<640000xi32, #tpu.memory_space<hbm>> -> memref<80xi32, #tpu.memory_space<hbm>>
    tpu.wait_dma2 semaphore(%arg22 : memref<!tpu.dma_semaphore, #tpu.memory_space<semaphore_mem>>) src(%dma_wait3A_124 : memref<80xi32, #tpu.memory_space<hbm>>) dst(%arg12 : memref<80xi32, #tpu.memory_space<vmem>>)
    %dma_start3A_125 = arith.constant 0 : i32
    %dma_start3A_126 = arith.constant 0 : i32
    %dma_start3A_127 = tpu.memref_slice %arg16[%dma_start3A_125, %dma_start3A_126] : memref<10240x128xf32, #tpu.memory_space<vmem_shared>> -> memref<10240x128xf32, #tpu.memory_space<vmem_shared>>
    tpu.enqueue_indirect_dma source(%arg15 : memref<80x128xf32, #tpu.memory_space<vmem>>) target(%dma_start3A_127 : memref<10240x128xf32, #tpu.memory_space<vmem_shared>>) offsets(%arg12 : memref<80xi32, #tpu.memory_space<vmem>>) semaphore(%arg28 : memref<!tpu.dma_semaphore, #tpu.memory_space<semaphore_mem>>) {add = true}
    %dma_wait3A_128 = arith.constant 0 : i32
    %dma_wait3A_129 = arith.constant 0 : i32
    %dma_wait3A_130 = tpu.memref_slice %arg16[%dma_wait3A_128, %dma_wait3A_129] : memref<10240x128xf32, #tpu.memory_space<vmem_shared>> -> memref<10240x128xf32, #tpu.memory_space<vmem_shared>>
    tpu.wait_indirect_dma semaphore(%arg27 : memref<!tpu.dma_semaphore, #tpu.memory_space<semaphore_mem>>) src(%arg14 : memref<80x128xf32, #tpu.memory_space<vmem>>) dst(%dma_wait3A_130 : memref<10240x128xf32, #tpu.memory_space<vmem_shared>>)
    %add3A_131 = arith.constant 320000 : i32
    %add3A_132 = arith.addi %add3A_131, %mul3A_20 : i32
    %add3A_133 = arith.constant 320 : i32
    %add3A_134 = arith.addi %add3A_132, %add3A_133 : i32
    %dma_start3A_135 = tpu.memref_slice %arg3[%add3A_134] : memref<640000xi32, #tpu.memory_space<hbm>> -> memref<80xi32, #tpu.memory_space<hbm>>
    %dma_start3A_136 = tpu.memref_slice %arg3[%add3A_134] : memref<640000xi32, #tpu.memory_space<hbm>> -> memref<80xi32, #tpu.memory_space<hbm>>
    tpu.enqueue_dma source(%dma_start3A_136 : memref<80xi32, #tpu.memory_space<hbm>>) target(%arg11 : memref<80xi32, #tpu.memory_space<vmem>>) target_semaphore(%arg21 : memref<!tpu.dma_semaphore, #tpu.memory_space<semaphore_mem>>)
    %dma_wait3A_137 = arith.constant 0 : i32
    %dma_wait3A_138 = tpu.memref_slice %arg3[%dma_wait3A_137] : memref<640000xi32, #tpu.memory_space<hbm>> -> memref<80xi32, #tpu.memory_space<hbm>>
    %dma_wait3A_139 = arith.constant 0 : i32
    %dma_wait3A_140 = tpu.memref_slice %arg3[%dma_wait3A_139] : memref<640000xi32, #tpu.memory_space<hbm>> -> memref<80xi32, #tpu.memory_space<hbm>>
    tpu.wait_dma2 semaphore(%arg18 : memref<!tpu.dma_semaphore, #tpu.memory_space<semaphore_mem>>) src(%dma_wait3A_140 : memref<80xi32, #tpu.memory_space<hbm>>) dst(%arg8 : memref<80xi32, #tpu.memory_space<vmem>>)
    %dma_start3A_141 = arith.constant 0 : i32
    %dma_start3A_142 = arith.constant 0 : i32
    %dma_start3A_143 = tpu.memref_slice %arg2[%dma_start3A_141, %dma_start3A_142] : memref<10000x128xf32, #tpu.memory_space<hbm>> -> memref<10000x128xf32, #tpu.memory_space<hbm>>
    tpu.enqueue_indirect_dma source(%dma_start3A_143 : memref<10000x128xf32, #tpu.memory_space<hbm>>) target(%arg14 : memref<80x128xf32, #tpu.memory_space<vmem>>) offsets(%arg8 : memref<80xi32, #tpu.memory_space<vmem>>) semaphore(%arg24 : memref<!tpu.dma_semaphore, #tpu.memory_space<semaphore_mem>>)
    %dma_wait3A_144 = arith.constant 0 : i32
    %dma_wait3A_145 = arith.constant 0 : i32
    %dma_wait3A_146 = tpu.memref_slice %arg2[%dma_wait3A_144, %dma_wait3A_145] : memref<10000x128xf32, #tpu.memory_space<hbm>> -> memref<10000x128xf32, #tpu.memory_space<hbm>>
    tpu.wait_indirect_dma semaphore(%arg23 : memref<!tpu.dma_semaphore, #tpu.memory_space<semaphore_mem>>) src(%dma_wait3A_146 : memref<10000x128xf32, #tpu.memory_space<hbm>>) dst(%arg13 : memref<80x128xf32, #tpu.memory_space<vmem>>)
    %add3A_147 = arith.constant 480 : i32
    %add3A_148 = arith.addi %mul3A_20, %add3A_147 : i32
    %dma_start3A_149 = tpu.memref_slice %arg3[%add3A_148] : memref<640000xi32, #tpu.memory_space<hbm>> -> memref<80xi32, #tpu.memory_space<hbm>>
    %dma_start3A_150 = tpu.memref_slice %arg3[%add3A_148] : memref<640000xi32, #tpu.memory_space<hbm>> -> memref<80xi32, #tpu.memory_space<hbm>>
    tpu.enqueue_dma source(%dma_start3A_150 : memref<80xi32, #tpu.memory_space<hbm>>) target(%arg7 : memref<80xi32, #tpu.memory_space<vmem>>) target_semaphore(%arg17 : memref<!tpu.dma_semaphore, #tpu.memory_space<semaphore_mem>>)
    %dma_wait3A_151 = arith.constant 0 : i32
    %dma_wait3A_152 = tpu.memref_slice %arg3[%dma_wait3A_151] : memref<640000xi32, #tpu.memory_space<hbm>> -> memref<80xi32, #tpu.memory_space<hbm>>
    %dma_wait3A_153 = arith.constant 0 : i32
    %dma_wait3A_154 = tpu.memref_slice %arg3[%dma_wait3A_153] : memref<640000xi32, #tpu.memory_space<hbm>> -> memref<80xi32, #tpu.memory_space<hbm>>
    tpu.wait_dma2 semaphore(%arg20 : memref<!tpu.dma_semaphore, #tpu.memory_space<semaphore_mem>>) src(%dma_wait3A_154 : memref<80xi32, #tpu.memory_space<hbm>>) dst(%arg10 : memref<80xi32, #tpu.memory_space<vmem>>)
    %dma_start3A_155 = arith.constant 0 : i32
    %dma_start3A_156 = arith.constant 0 : i32
    %dma_start3A_157 = tpu.memref_slice %arg16[%dma_start3A_155, %dma_start3A_156] : memref<10240x128xf32, #tpu.memory_space<vmem_shared>> -> memref<10240x128xf32, #tpu.memory_space<vmem_shared>>
    tpu.enqueue_indirect_dma source(%arg13 : memref<80x128xf32, #tpu.memory_space<vmem>>) target(%dma_start3A_157 : memref<10240x128xf32, #tpu.memory_space<vmem_shared>>) offsets(%arg10 : memref<80xi32, #tpu.memory_space<vmem>>) semaphore(%arg26 : memref<!tpu.dma_semaphore, #tpu.memory_space<semaphore_mem>>) {add = true}
    %scan3A = arith.constant 0 : i32
    %scan3A_158 = arith.constant 0 : i32
    %scan3A_159 = arith.constant 40 : i32
    %scan3A_160 = arith.addi %scan3A_158, %scan3A_159 : i32
    %scan3A_161 = arith.constant 1 : i32
    scf.for %scan3A_190 = %scan3A_158 to %scan3A_160 step %scan3A_161  : i32 {
      %mul3A_191 = arith.constant 3 : i32
      %mul3A_192 = arith.muli %mul3A_191, %scan3A_190 : i32
      %add3A_193 = arith.constant 5 : i32
      %add3A_194 = arith.addi %add3A_193, %mul3A_192 : i32
      %dma_wait3A_195 = arith.constant 0 : i32
      %dma_wait3A_196 = arith.constant 0 : i32
      %dma_wait3A_197 = tpu.memref_slice %arg16[%dma_wait3A_195, %dma_wait3A_196] : memref<10240x128xf32, #tpu.memory_space<vmem_shared>> -> memref<10240x128xf32, #tpu.memory_space<vmem_shared>>
      tpu.wait_indirect_dma semaphore(%arg28 : memref<!tpu.dma_semaphore, #tpu.memory_space<semaphore_mem>>) src(%arg15 : memref<80x128xf32, #tpu.memory_space<vmem>>) dst(%dma_wait3A_197 : memref<10240x128xf32, #tpu.memory_space<vmem_shared>>)
      %add3A_198 = arith.constant 320000 : i32
      %add3A_199 = arith.addi %add3A_198, %mul3A_20 : i32
      %mul3A_200 = arith.constant 80 : i32
      %mul3A_201 = arith.muli %add3A_194, %mul3A_200 : i32
      %add3A_202 = arith.addi %add3A_199, %mul3A_201 : i32
      %dma_start3A_203 = tpu.memref_slice %arg3[%add3A_202] : memref<640000xi32, #tpu.memory_space<hbm>> -> memref<80xi32, #tpu.memory_space<hbm>>
      %dma_start3A_204 = tpu.memref_slice %arg3[%add3A_202] : memref<640000xi32, #tpu.memory_space<hbm>> -> memref<80xi32, #tpu.memory_space<hbm>>
      tpu.enqueue_dma source(%dma_start3A_204 : memref<80xi32, #tpu.memory_space<hbm>>) target(%arg12 : memref<80xi32, #tpu.memory_space<vmem>>) target_semaphore(%arg22 : memref<!tpu.dma_semaphore, #tpu.memory_space<semaphore_mem>>)
      %dma_wait3A_205 = arith.constant 0 : i32
      %dma_wait3A_206 = tpu.memref_slice %arg3[%dma_wait3A_205] : memref<640000xi32, #tpu.memory_space<hbm>> -> memref<80xi32, #tpu.memory_space<hbm>>
      %dma_wait3A_207 = arith.constant 0 : i32
      %dma_wait3A_208 = tpu.memref_slice %arg3[%dma_wait3A_207] : memref<640000xi32, #tpu.memory_space<hbm>> -> memref<80xi32, #tpu.memory_space<hbm>>
      tpu.wait_dma2 semaphore(%arg19 : memref<!tpu.dma_semaphore, #tpu.memory_space<semaphore_mem>>) src(%dma_wait3A_208 : memref<80xi32, #tpu.memory_space<hbm>>) dst(%arg9 : memref<80xi32, #tpu.memory_space<vmem>>)
      %dma_start3A_209 = arith.constant 0 : i32
      %dma_start3A_210 = arith.constant 0 : i32
      %dma_start3A_211 = tpu.memref_slice %arg2[%dma_start3A_209, %dma_start3A_210] : memref<10000x128xf32, #tpu.memory_space<hbm>> -> memref<10000x128xf32, #tpu.memory_space<hbm>>
      tpu.enqueue_indirect_dma source(%dma_start3A_211 : memref<10000x128xf32, #tpu.memory_space<hbm>>) target(%arg15 : memref<80x128xf32, #tpu.memory_space<vmem>>) offsets(%arg9 : memref<80xi32, #tpu.memory_space<vmem>>) semaphore(%arg25 : memref<!tpu.dma_semaphore, #tpu.memory_space<semaphore_mem>>)
      %dma_wait3A_212 = arith.constant 0 : i32
      %dma_wait3A_213 = arith.constant 0 : i32
      %dma_wait3A_214 = tpu.memref_slice %arg2[%dma_wait3A_212, %dma_wait3A_213] : memref<10000x128xf32, #tpu.memory_space<hbm>> -> memref<10000x128xf32, #tpu.memory_space<hbm>>
      tpu.wait_indirect_dma semaphore(%arg24 : memref<!tpu.dma_semaphore, #tpu.memory_space<semaphore_mem>>) src(%dma_wait3A_214 : memref<10000x128xf32, #tpu.memory_space<hbm>>) dst(%arg14 : memref<80x128xf32, #tpu.memory_space<vmem>>)
      %add3A_215 = arith.constant 2 : i32
      %add3A_216 = arith.addi %add3A_194, %add3A_215 : i32
      %mul3A_217 = arith.constant 80 : i32
      %mul3A_218 = arith.muli %add3A_216, %mul3A_217 : i32
      %add3A_219 = arith.addi %mul3A_20, %mul3A_218 : i32
      %dma_start3A_220 = tpu.memref_slice %arg3[%add3A_219] : memref<640000xi32, #tpu.memory_space<hbm>> -> memref<80xi32, #tpu.memory_space<hbm>>
      %dma_start3A_221 = tpu.memref_slice %arg3[%add3A_219] : memref<640000xi32, #tpu.memory_space<hbm>> -> memref<80xi32, #tpu.memory_space<hbm>>
      tpu.enqueue_dma source(%dma_start3A_221 : memref<80xi32, #tpu.memory_space<hbm>>) target(%arg8 : memref<80xi32, #tpu.memory_space<vmem>>) target_semaphore(%arg18 : memref<!tpu.dma_semaphore, #tpu.memory_space<semaphore_mem>>)
      %dma_wait3A_222 = arith.constant 0 : i32
      %dma_wait3A_223 = tpu.memref_slice %arg3[%dma_wait3A_222] : memref<640000xi32, #tpu.memory_space<hbm>> -> memref<80xi32, #tpu.memory_space<hbm>>
      %dma_wait3A_224 = arith.constant 0 : i32
      %dma_wait3A_225 = tpu.memref_slice %arg3[%dma_wait3A_224] : memref<640000xi32, #tpu.memory_space<hbm>> -> memref<80xi32, #tpu.memory_space<hbm>>
      tpu.wait_dma2 semaphore(%arg21 : memref<!tpu.dma_semaphore, #tpu.memory_space<semaphore_mem>>) src(%dma_wait3A_225 : memref<80xi32, #tpu.memory_space<hbm>>) dst(%arg11 : memref<80xi32, #tpu.memory_space<vmem>>)
      %dma_start3A_226 = arith.constant 0 : i32
      %dma_start3A_227 = arith.constant 0 : i32
      %dma_start3A_228 = tpu.memref_slice %arg16[%dma_start3A_226, %dma_start3A_227] : memref<10240x128xf32, #tpu.memory_space<vmem_shared>> -> memref<10240x128xf32, #tpu.memory_space<vmem_shared>>
      tpu.enqueue_indirect_dma source(%arg14 : memref<80x128xf32, #tpu.memory_space<vmem>>) target(%dma_start3A_228 : memref<10240x128xf32, #tpu.memory_space<vmem_shared>>) offsets(%arg11 : memref<80xi32, #tpu.memory_space<vmem>>) semaphore(%arg27 : memref<!tpu.dma_semaphore, #tpu.memory_space<semaphore_mem>>) {add = true}
      %add3A_229 = arith.constant 1 : i32
      %add3A_230 = arith.addi %add3A_194, %add3A_229 : i32
      %lt3A = arith.constant 39 : i32
      %lt3A_231 = arith.cmpi slt, %scan3A_190, %lt3A : i32
      %dma_wait3A_232 = arith.constant 0 : i32
      %dma_wait3A_233 = arith.constant 0 : i32
      %dma_wait3A_234 = tpu.memref_slice %arg16[%dma_wait3A_232, %dma_wait3A_233] : memref<10240x128xf32, #tpu.memory_space<vmem_shared>> -> memref<10240x128xf32, #tpu.memory_space<vmem_shared>>
      tpu.wait_indirect_dma semaphore(%arg26 : memref<!tpu.dma_semaphore, #tpu.memory_space<semaphore_mem>>) src(%arg13 : memref<80x128xf32, #tpu.memory_space<vmem>>) dst(%dma_wait3A_234 : memref<10240x128xf32, #tpu.memory_space<vmem_shared>>)
      %add3A_235 = arith.constant 320000 : i32
      %add3A_236 = arith.addi %add3A_235, %mul3A_20 : i32
      %mul3A_237 = arith.constant 80 : i32
      %mul3A_238 = arith.muli %add3A_230, %mul3A_237 : i32
      %add3A_239 = arith.addi %add3A_236, %mul3A_238 : i32
      %dma_start3A_240 = tpu.memref_slice %arg3[%add3A_239] : memref<640000xi32, #tpu.memory_space<hbm>> -> memref<80xi32, #tpu.memory_space<hbm>>
      %dma_start3A_241 = tpu.memref_slice %arg3[%add3A_239] : memref<640000xi32, #tpu.memory_space<hbm>> -> memref<80xi32, #tpu.memory_space<hbm>>
      tpu.enqueue_dma source(%dma_start3A_241 : memref<80xi32, #tpu.memory_space<hbm>>) target(%arg10 : memref<80xi32, #tpu.memory_space<vmem>>) target_semaphore(%arg20 : memref<!tpu.dma_semaphore, #tpu.memory_space<semaphore_mem>>)
      %dma_wait3A_242 = arith.constant 0 : i32
      %dma_wait3A_243 = tpu.memref_slice %arg3[%dma_wait3A_242] : memref<640000xi32, #tpu.memory_space<hbm>> -> memref<80xi32, #tpu.memory_space<hbm>>
      %dma_wait3A_244 = arith.constant 0 : i32
      %dma_wait3A_245 = tpu.memref_slice %arg3[%dma_wait3A_244] : memref<640000xi32, #tpu.memory_space<hbm>> -> memref<80xi32, #tpu.memory_space<hbm>>
      tpu.wait_dma2 semaphore(%arg17 : memref<!tpu.dma_semaphore, #tpu.memory_space<semaphore_mem>>) src(%dma_wait3A_245 : memref<80xi32, #tpu.memory_space<hbm>>) dst(%arg7 : memref<80xi32, #tpu.memory_space<vmem>>)
      %dma_start3A_246 = arith.constant 0 : i32
      %dma_start3A_247 = arith.constant 0 : i32
      %dma_start3A_248 = tpu.memref_slice %arg2[%dma_start3A_246, %dma_start3A_247] : memref<10000x128xf32, #tpu.memory_space<hbm>> -> memref<10000x128xf32, #tpu.memory_space<hbm>>
      tpu.enqueue_indirect_dma source(%dma_start3A_248 : memref<10000x128xf32, #tpu.memory_space<hbm>>) target(%arg13 : memref<80x128xf32, #tpu.memory_space<vmem>>) offsets(%arg7 : memref<80xi32, #tpu.memory_space<vmem>>) semaphore(%arg23 : memref<!tpu.dma_semaphore, #tpu.memory_space<semaphore_mem>>)
      %dma_wait3A_249 = arith.constant 0 : i32
      %dma_wait3A_250 = arith.constant 0 : i32
      %dma_wait3A_251 = tpu.memref_slice %arg2[%dma_wait3A_249, %dma_wait3A_250] : memref<10000x128xf32, #tpu.memory_space<hbm>> -> memref<10000x128xf32, #tpu.memory_space<hbm>>
      tpu.wait_indirect_dma semaphore(%arg25 : memref<!tpu.dma_semaphore, #tpu.memory_space<semaphore_mem>>) src(%dma_wait3A_251 : memref<10000x128xf32, #tpu.memory_space<hbm>>) dst(%arg15 : memref<80x128xf32, #tpu.memory_space<vmem>>)
      %convert_element_type3A_252 = arith.extui %lt3A_231 : i1 to i32
      %cond3A_253 = arith.constant 0 : i32
      %cond3A_254 = arith.cmpi ne, %convert_element_type3A_252, %cond3A_253 : i32
      scf.if %cond3A_254 {
        %add3A_296 = arith.constant 2 : i32
        %add3A_297 = arith.addi %add3A_230, %add3A_296 : i32
        %mul3A_298 = arith.constant 80 : i32
        %mul3A_299 = arith.muli %add3A_297, %mul3A_298 : i32
        %add3A_300 = arith.addi %mul3A_20, %mul3A_299 : i32
        %dma_start3A_301 = tpu.memref_slice %arg3[%add3A_300] : memref<640000xi32, #tpu.memory_space<hbm>> -> memref<80xi32, #tpu.memory_space<hbm>>
        %dma_start3A_302 = tpu.memref_slice %arg3[%add3A_300] : memref<640000xi32, #tpu.memory_space<hbm>> -> memref<80xi32, #tpu.memory_space<hbm>>
        tpu.enqueue_dma source(%dma_start3A_302 : memref<80xi32, #tpu.memory_space<hbm>>) target(%arg9 : memref<80xi32, #tpu.memory_space<vmem>>) target_semaphore(%arg19 : memref<!tpu.dma_semaphore, #tpu.memory_space<semaphore_mem>>)
      } else {
      }
      %dma_wait3A_255 = arith.constant 0 : i32
      %dma_wait3A_256 = tpu.memref_slice %arg3[%dma_wait3A_255] : memref<640000xi32, #tpu.memory_space<hbm>> -> memref<80xi32, #tpu.memory_space<hbm>>
      %dma_wait3A_257 = arith.constant 0 : i32
      %dma_wait3A_258 = tpu.memref_slice %arg3[%dma_wait3A_257] : memref<640000xi32, #tpu.memory_space<hbm>> -> memref<80xi32, #tpu.memory_space<hbm>>
      tpu.wait_dma2 semaphore(%arg22 : memref<!tpu.dma_semaphore, #tpu.memory_space<semaphore_mem>>) src(%dma_wait3A_258 : memref<80xi32, #tpu.memory_space<hbm>>) dst(%arg12 : memref<80xi32, #tpu.memory_space<vmem>>)
      %dma_start3A_259 = arith.constant 0 : i32
      %dma_start3A_260 = arith.constant 0 : i32
      %dma_start3A_261 = tpu.memref_slice %arg16[%dma_start3A_259, %dma_start3A_260] : memref<10240x128xf32, #tpu.memory_space<vmem_shared>> -> memref<10240x128xf32, #tpu.memory_space<vmem_shared>>
      tpu.enqueue_indirect_dma source(%arg15 : memref<80x128xf32, #tpu.memory_space<vmem>>) target(%dma_start3A_261 : memref<10240x128xf32, #tpu.memory_space<vmem_shared>>) offsets(%arg12 : memref<80xi32, #tpu.memory_space<vmem>>) semaphore(%arg28 : memref<!tpu.dma_semaphore, #tpu.memory_space<semaphore_mem>>) {add = true}
      %add3A_262 = arith.constant 2 : i32
      %add3A_263 = arith.addi %add3A_194, %add3A_262 : i32
      %lt3A_264 = arith.constant 39 : i32
      %lt3A_265 = arith.cmpi slt, %scan3A_190, %lt3A_264 : i32
      %dma_wait3A_266 = arith.constant 0 : i32
      %dma_wait3A_267 = arith.constant 0 : i32
      %dma_wait3A_268 = tpu.memref_slice %arg16[%dma_wait3A_266, %dma_wait3A_267] : memref<10240x128xf32, #tpu.memory_space<vmem_shared>> -> memref<10240x128xf32, #tpu.memory_space<vmem_shared>>
      tpu.wait_indirect_dma semaphore(%arg27 : memref<!tpu.dma_semaphore, #tpu.memory_space<semaphore_mem>>) src(%arg14 : memref<80x128xf32, #tpu.memory_space<vmem>>) dst(%dma_wait3A_268 : memref<10240x128xf32, #tpu.memory_space<vmem_shared>>)
      %add3A_269 = arith.constant 320000 : i32
      %add3A_270 = arith.addi %add3A_269, %mul3A_20 : i32
      %mul3A_271 = arith.constant 80 : i32
      %mul3A_272 = arith.muli %add3A_263, %mul3A_271 : i32
      %add3A_273 = arith.addi %add3A_270, %mul3A_272 : i32
      %dma_start3A_274 = tpu.memref_slice %arg3[%add3A_273] : memref<640000xi32, #tpu.memory_space<hbm>> -> memref<80xi32, #tpu.memory_space<hbm>>
      %dma_start3A_275 = tpu.memref_slice %arg3[%add3A_273] : memref<640000xi32, #tpu.memory_space<hbm>> -> memref<80xi32, #tpu.memory_space<hbm>>
      tpu.enqueue_dma source(%dma_start3A_275 : memref<80xi32, #tpu.memory_space<hbm>>) target(%arg11 : memref<80xi32, #tpu.memory_space<vmem>>) target_semaphore(%arg21 : memref<!tpu.dma_semaphore, #tpu.memory_space<semaphore_mem>>)
      %dma_wait3A_276 = arith.constant 0 : i32
      %dma_wait3A_277 = tpu.memref_slice %arg3[%dma_wait3A_276] : memref<640000xi32, #tpu.memory_space<hbm>> -> memref<80xi32, #tpu.memory_space<hbm>>
      %dma_wait3A_278 = arith.constant 0 : i32
      %dma_wait3A_279 = tpu.memref_slice %arg3[%dma_wait3A_278] : memref<640000xi32, #tpu.memory_space<hbm>> -> memref<80xi32, #tpu.memory_space<hbm>>
      tpu.wait_dma2 semaphore(%arg18 : memref<!tpu.dma_semaphore, #tpu.memory_space<semaphore_mem>>) src(%dma_wait3A_279 : memref<80xi32, #tpu.memory_space<hbm>>) dst(%arg8 : memref<80xi32, #tpu.memory_space<vmem>>)
      %dma_start3A_280 = arith.constant 0 : i32
      %dma_start3A_281 = arith.constant 0 : i32
      %dma_start3A_282 = tpu.memref_slice %arg2[%dma_start3A_280, %dma_start3A_281] : memref<10000x128xf32, #tpu.memory_space<hbm>> -> memref<10000x128xf32, #tpu.memory_space<hbm>>
      tpu.enqueue_indirect_dma source(%dma_start3A_282 : memref<10000x128xf32, #tpu.memory_space<hbm>>) target(%arg14 : memref<80x128xf32, #tpu.memory_space<vmem>>) offsets(%arg8 : memref<80xi32, #tpu.memory_space<vmem>>) semaphore(%arg24 : memref<!tpu.dma_semaphore, #tpu.memory_space<semaphore_mem>>)
      %dma_wait3A_283 = arith.constant 0 : i32
      %dma_wait3A_284 = arith.constant 0 : i32
      %dma_wait3A_285 = tpu.memref_slice %arg2[%dma_wait3A_283, %dma_wait3A_284] : memref<10000x128xf32, #tpu.memory_space<hbm>> -> memref<10000x128xf32, #tpu.memory_space<hbm>>
      tpu.wait_indirect_dma semaphore(%arg23 : memref<!tpu.dma_semaphore, #tpu.memory_space<semaphore_mem>>) src(%dma_wait3A_285 : memref<10000x128xf32, #tpu.memory_space<hbm>>) dst(%arg13 : memref<80x128xf32, #tpu.memory_space<vmem>>)
      %convert_element_type3A_286 = arith.extui %lt3A_265 : i1 to i32
      %cond3A_287 = arith.constant 0 : i32
      %cond3A_288 = arith.cmpi ne, %convert_element_type3A_286, %cond3A_287 : i32
      scf.if %cond3A_288 {
        %add3A_296 = arith.constant 2 : i32
        %add3A_297 = arith.addi %add3A_263, %add3A_296 : i32
        %mul3A_298 = arith.constant 80 : i32
        %mul3A_299 = arith.muli %add3A_297, %mul3A_298 : i32
        %add3A_300 = arith.addi %mul3A_20, %mul3A_299 : i32
        %dma_start3A_301 = tpu.memref_slice %arg3[%add3A_300] : memref<640000xi32, #tpu.memory_space<hbm>> -> memref<80xi32, #tpu.memory_space<hbm>>
        %dma_start3A_302 = tpu.memref_slice %arg3[%add3A_300] : memref<640000xi32, #tpu.memory_space<hbm>> -> memref<80xi32, #tpu.memory_space<hbm>>
        tpu.enqueue_dma source(%dma_start3A_302 : memref<80xi32, #tpu.memory_space<hbm>>) target(%arg7 : memref<80xi32, #tpu.memory_space<vmem>>) target_semaphore(%arg17 : memref<!tpu.dma_semaphore, #tpu.memory_space<semaphore_mem>>)
      } else {
      }
      %dma_wait3A_289 = arith.constant 0 : i32
      %dma_wait3A_290 = tpu.memref_slice %arg3[%dma_wait3A_289] : memref<640000xi32, #tpu.memory_space<hbm>> -> memref<80xi32, #tpu.memory_space<hbm>>
      %dma_wait3A_291 = arith.constant 0 : i32
      %dma_wait3A_292 = tpu.memref_slice %arg3[%dma_wait3A_291] : memref<640000xi32, #tpu.memory_space<hbm>> -> memref<80xi32, #tpu.memory_space<hbm>>
      tpu.wait_dma2 semaphore(%arg20 : memref<!tpu.dma_semaphore, #tpu.memory_space<semaphore_mem>>) src(%dma_wait3A_292 : memref<80xi32, #tpu.memory_space<hbm>>) dst(%arg10 : memref<80xi32, #tpu.memory_space<vmem>>)
      %dma_start3A_293 = arith.constant 0 : i32
      %dma_start3A_294 = arith.constant 0 : i32
      %dma_start3A_295 = tpu.memref_slice %arg16[%dma_start3A_293, %dma_start3A_294] : memref<10240x128xf32, #tpu.memory_space<vmem_shared>> -> memref<10240x128xf32, #tpu.memory_space<vmem_shared>>
      tpu.enqueue_indirect_dma source(%arg13 : memref<80x128xf32, #tpu.memory_space<vmem>>) target(%dma_start3A_295 : memref<10240x128xf32, #tpu.memory_space<vmem_shared>>) offsets(%arg10 : memref<80xi32, #tpu.memory_space<vmem>>) semaphore(%arg26 : memref<!tpu.dma_semaphore, #tpu.memory_space<semaphore_mem>>) {add = true}
    }
    %scan3A_162 = arith.constant 40 : i32
    %dma_wait3A_163 = arith.constant 0 : i32
    %dma_wait3A_164 = arith.constant 0 : i32
    %dma_wait3A_165 = tpu.memref_slice %arg2[%dma_wait3A_163, %dma_wait3A_164] : memref<10000x128xf32, #tpu.memory_space<hbm>> -> memref<10000x128xf32, #tpu.memory_space<hbm>>
    tpu.wait_indirect_dma semaphore(%arg24 : memref<!tpu.dma_semaphore, #tpu.memory_space<semaphore_mem>>) src(%dma_wait3A_165 : memref<10000x128xf32, #tpu.memory_space<hbm>>) dst(%arg14 : memref<80x128xf32, #tpu.memory_space<vmem>>)
    %dma_wait3A_166 = arith.constant 0 : i32
    %dma_wait3A_167 = tpu.memref_slice %arg3[%dma_wait3A_166] : memref<640000xi32, #tpu.memory_space<hbm>> -> memref<80xi32, #tpu.memory_space<hbm>>
    %dma_wait3A_168 = arith.constant 0 : i32
    %dma_wait3A_169 = tpu.memref_slice %arg3[%dma_wait3A_168] : memref<640000xi32, #tpu.memory_space<hbm>> -> memref<80xi32, #tpu.memory_space<hbm>>
    tpu.wait_dma2 semaphore(%arg21 : memref<!tpu.dma_semaphore, #tpu.memory_space<semaphore_mem>>) src(%dma_wait3A_169 : memref<80xi32, #tpu.memory_space<hbm>>) dst(%arg11 : memref<80xi32, #tpu.memory_space<vmem>>)
    %dma_start3A_170 = arith.constant 0 : i32
    %dma_start3A_171 = arith.constant 0 : i32
    %dma_start3A_172 = tpu.memref_slice %arg16[%dma_start3A_170, %dma_start3A_171] : memref<10240x128xf32, #tpu.memory_space<vmem_shared>> -> memref<10240x128xf32, #tpu.memory_space<vmem_shared>>
    tpu.enqueue_indirect_dma source(%arg14 : memref<80x128xf32, #tpu.memory_space<vmem>>) target(%dma_start3A_172 : memref<10240x128xf32, #tpu.memory_space<vmem_shared>>) offsets(%arg11 : memref<80xi32, #tpu.memory_space<vmem>>) semaphore(%arg27 : memref<!tpu.dma_semaphore, #tpu.memory_space<semaphore_mem>>) {add = true}
    %dma_wait3A_173 = arith.constant 0 : i32
    %dma_wait3A_174 = arith.constant 0 : i32
    %dma_wait3A_175 = tpu.memref_slice %arg16[%dma_wait3A_173, %dma_wait3A_174] : memref<10240x128xf32, #tpu.memory_space<vmem_shared>> -> memref<10240x128xf32, #tpu.memory_space<vmem_shared>>
    tpu.wait_indirect_dma semaphore(%arg28 : memref<!tpu.dma_semaphore, #tpu.memory_space<semaphore_mem>>) src(%arg15 : memref<80x128xf32, #tpu.memory_space<vmem>>) dst(%dma_wait3A_175 : memref<10240x128xf32, #tpu.memory_space<vmem_shared>>)
    %dma_wait3A_176 = arith.constant 0 : i32
    %dma_wait3A_177 = arith.constant 0 : i32
    %dma_wait3A_178 = tpu.memref_slice %arg16[%dma_wait3A_176, %dma_wait3A_177] : memref<10240x128xf32, #tpu.memory_space<vmem_shared>> -> memref<10240x128xf32, #tpu.memory_space<vmem_shared>>
    tpu.wait_indirect_dma semaphore(%arg26 : memref<!tpu.dma_semaphore, #tpu.memory_space<semaphore_mem>>) src(%arg13 : memref<80x128xf32, #tpu.memory_space<vmem>>) dst(%dma_wait3A_178 : memref<10240x128xf32, #tpu.memory_space<vmem_shared>>)
    %dma_wait3A_179 = arith.constant 0 : i32
    %dma_wait3A_180 = arith.constant 0 : i32
    %dma_wait3A_181 = tpu.memref_slice %arg16[%dma_wait3A_179, %dma_wait3A_180] : memref<10240x128xf32, #tpu.memory_space<vmem_shared>> -> memref<10240x128xf32, #tpu.memory_space<vmem_shared>>
    tpu.wait_indirect_dma semaphore(%arg27 : memref<!tpu.dma_semaphore, #tpu.memory_space<semaphore_mem>>) src(%arg14 : memref<80x128xf32, #tpu.memory_space<vmem>>) dst(%dma_wait3A_181 : memref<10240x128xf32, #tpu.memory_space<vmem_shared>>)
    %barrier3A_182 = arith.constant 0 : index
    tpu.barrier barrier_id(%barrier3A_182)
    %eq3A = arith.constant 0 : i32
    %eq3A_183 = arith.cmpi eq, %arg0, %eq3A : i32
    %convert_element_type3A = arith.extui %eq3A_183 : i1 to i32
    %cond3A = arith.constant 0 : i32
    %cond3A_184 = arith.cmpi ne, %convert_element_type3A, %cond3A : i32
    scf.if %cond3A_184 {
      "tpu.region"() ({
        %run_scoped3A = tpu.sem_alloc : memref<!tpu.dma_semaphore, #tpu.memory_space<semaphore_mem>>
        %dma_start3A_190 = arith.constant 0 : i32
        %dma_start3A_191 = tpu.memref_slice %arg5[%mul3A_2, %dma_start3A_190] : memref<10240x128xf32, #tpu.memory_space<hbm>> -> memref<640x128xf32, #tpu.memory_space<hbm>>
        %dma_start3A_192 = arith.constant 0 : i32
        %dma_start3A_193 = tpu.memref_slice %arg16[%mul3A_2, %dma_start3A_192] : memref<10240x128xf32, #tpu.memory_space<vmem_shared>> -> memref<640x128xf32, #tpu.memory_space<vmem_shared>>
        tpu.enqueue_dma source(%dma_start3A_193 : memref<640x128xf32, #tpu.memory_space<vmem_shared>>) target(%dma_start3A_191 : memref<640x128xf32, #tpu.memory_space<hbm>>) target_semaphore(%run_scoped3A : memref<!tpu.dma_semaphore, #tpu.memory_space<semaphore_mem>>)
        %dma_wait3A_194 = arith.constant 0 : i32
        %dma_wait3A_195 = tpu.memref_slice %arg5[%mul3A_2, %dma_wait3A_194] : memref<10240x128xf32, #tpu.memory_space<hbm>> -> memref<640x128xf32, #tpu.memory_space<hbm>>
        %dma_wait3A_196 = arith.constant 0 : i32
        %dma_wait3A_197 = tpu.memref_slice %arg16[%mul3A_2, %dma_wait3A_196] : memref<10240x128xf32, #tpu.memory_space<vmem_shared>> -> memref<640x128xf32, #tpu.memory_space<vmem_shared>>
        tpu.wait_dma2 semaphore(%run_scoped3A : memref<!tpu.dma_semaphore, #tpu.memory_space<semaphore_mem>>) src(%dma_wait3A_197 : memref<640x128xf32, #tpu.memory_space<vmem_shared>>) dst(%dma_wait3A_195 : memref<640x128xf32, #tpu.memory_space<hbm>>)
        tpu.yield
      }) : () -> ()
    } else {
    }
    %eq3A_185 = arith.constant 1 : i32
    %eq3A_186 = arith.cmpi eq, %arg0, %eq3A_185 : i32
    %convert_element_type3A_187 = arith.extui %eq3A_186 : i1 to i32
    %cond3A_188 = arith.constant 0 : i32
    %cond3A_189 = arith.cmpi ne, %convert_element_type3A_187, %cond3A_188 : i32
    scf.if %cond3A_189 {
      "tpu.region"() ({
        %run_scoped3A = tpu.sem_alloc : memref<!tpu.dma_semaphore, #tpu.memory_space<semaphore_mem>>
        %dma_start3A_190 = arith.constant 0 : i32
        %dma_start3A_191 = tpu.memref_slice %arg6[%mul3A_2, %dma_start3A_190] : memref<10240x128xf32, #tpu.memory_space<hbm>> -> memref<640x128xf32, #tpu.memory_space<hbm>>
        %dma_start3A_192 = arith.constant 0 : i32
        %dma_start3A_193 = tpu.memref_slice %arg16[%mul3A_2, %dma_start3A_192] : memref<10240x128xf32, #tpu.memory_space<vmem_shared>> -> memref<640x128xf32, #tpu.memory_space<vmem_shared>>
        tpu.enqueue_dma source(%dma_start3A_193 : memref<640x128xf32, #tpu.memory_space<vmem_shared>>) target(%dma_start3A_191 : memref<640x128xf32, #tpu.memory_space<hbm>>) target_semaphore(%run_scoped3A : memref<!tpu.dma_semaphore, #tpu.memory_space<semaphore_mem>>)
        %dma_wait3A_194 = arith.constant 0 : i32
        %dma_wait3A_195 = tpu.memref_slice %arg6[%mul3A_2, %dma_wait3A_194] : memref<10240x128xf32, #tpu.memory_space<hbm>> -> memref<640x128xf32, #tpu.memory_space<hbm>>
        %dma_wait3A_196 = arith.constant 0 : i32
        %dma_wait3A_197 = tpu.memref_slice %arg16[%mul3A_2, %dma_wait3A_196] : memref<10240x128xf32, #tpu.memory_space<vmem_shared>> -> memref<640x128xf32, #tpu.memory_space<vmem_shared>>
        tpu.wait_dma2 semaphore(%run_scoped3A : memref<!tpu.dma_semaphore, #tpu.memory_space<semaphore_mem>>) src(%dma_wait3A_197 : memref<640x128xf32, #tpu.memory_space<vmem_shared>>) dst(%dma_wait3A_195 : memref<640x128xf32, #tpu.memory_space<hbm>>)
        tpu.yield
      }) : () -> ()
    } else {
    }
    return
  }
}

#map = affine_map<(d0, d1) -> (0, 0)>
#map1 = affine_map<(d0, d1) -> (0)>
module attributes {stable_mosaic.version = 14 : i64} {
  func.func @seg_sum(%arg0: i32, %arg1: i32, %arg2: memref<10000x128xf32, #tpu.memory_space<hbm>>, %arg3: memref<640000xi32, #tpu.memory_space<hbm>>, %arg4: memref<80x128xf32, #tpu.memory_space<hbm>>, %arg5: memref<10240x128xf32, #tpu.memory_space<hbm>>, %arg6: memref<10240x128xf32, #tpu.memory_space<hbm>>, %arg7: memref<80xi32, #tpu.memory_space<vmem>>, %arg8: memref<80xi32, #tpu.memory_space<vmem>>, %arg9: memref<80xi32, #tpu.memory_space<vmem>>, %arg10: memref<80xi32, #tpu.memory_space<vmem>>, %arg11: memref<80xi32, #tpu.memory_space<vmem>>, %arg12: memref<80xi32, #tpu.memory_space<vmem>>, %arg13: memref<80x128xf32, #tpu.memory_space<vmem>>, %arg14: memref<80x128xf32, #tpu.memory_space<vmem>>, %arg15: memref<80x128xf32, #tpu.memory_space<vmem>>, %arg16: memref<10240x128xf32, #tpu.memory_space<vmem_shared>>, %arg17: memref<!tpu.dma_semaphore, #tpu.memory_space<semaphore_mem>>, %arg18: memref<!tpu.dma_semaphore, #tpu.memory_space<semaphore_mem>>, %arg19: memref<!tpu.dma_semaphore, #tpu.memory_space<semaphore_mem>>, %arg20: memref<!tpu.dma_semaphore, #tpu.memory_space<semaphore_mem>>, %arg21: memref<!tpu.dma_semaphore, #tpu.memory_space<semaphore_mem>>, %arg22: memref<!tpu.dma_semaphore, #tpu.memory_space<semaphore_mem>>, %arg23: memref<!tpu.dma_semaphore, #tpu.memory_space<semaphore_mem>>, %arg24: memref<!tpu.dma_semaphore, #tpu.memory_space<semaphore_mem>>, %arg25: memref<!tpu.dma_semaphore, #tpu.memory_space<semaphore_mem>>, %arg26: memref<!tpu.dma_semaphore, #tpu.memory_space<semaphore_mem>>, %arg27: memref<!tpu.dma_semaphore, #tpu.memory_space<semaphore_mem>>, %arg28: memref<!tpu.dma_semaphore, #tpu.memory_space<semaphore_mem>>) attributes {dimension_semantics = [#tpu.dimension_semantics<core_parallel>, #tpu.dimension_semantics<subcore_parallel>], iteration_bounds = array<i64: 2, 16>, scalar_prefetch = 0 : i64, scratch_operands = 22 : i64, tpu.core_type = #tpu.core_type<sc_vector_subcore>, window_params = [{transform_indices = #map}, {transform_indices = #map1}, {transform_indices = #map}, {transform_indices = #map}, {transform_indices = #map}]} {
    %mul3A = arith.constant 16 : i32
    %mul3A_0 = arith.muli %arg0, %mul3A : i32
    %add3A = arith.addi %mul3A_0, %arg1 : i32
    %mul3A_1 = arith.constant 640 : i32
    %mul3A_2 = arith.muli %arg1, %mul3A_1 : i32
    "tpu.region"() ({
      %run_scoped3A = tpu.sem_alloc : memref<!tpu.dma_semaphore, #tpu.memory_space<semaphore_mem>>
      tpu.enqueue_dma source(%arg4 : memref<80x128xf32, #tpu.memory_space<hbm>>) target(%arg13 : memref<80x128xf32, #tpu.memory_space<vmem>>) target_semaphore(%run_scoped3A : memref<!tpu.dma_semaphore, #tpu.memory_space<semaphore_mem>>)
      tpu.wait_dma2 semaphore(%run_scoped3A : memref<!tpu.dma_semaphore, #tpu.memory_space<semaphore_mem>>) src(%arg4 : memref<80x128xf32, #tpu.memory_space<hbm>>) dst(%arg13 : memref<80x128xf32, #tpu.memory_space<vmem>>)
      tpu.yield
    }) : () -> ()
    %add3A_3 = arith.constant 0 : i32
    %add3A_4 = arith.addi %mul3A_2, %add3A_3 : i32
    "tpu.region"() ({
      %run_scoped3A = tpu.sem_alloc : memref<!tpu.dma_semaphore, #tpu.memory_space<semaphore_mem>>
      %dma_start3A_190 = arith.constant 0 : i32
      %dma_start3A_191 = tpu.memref_slice %arg16[%add3A_4, %dma_start3A_190] : memref<10240x128xf32, #tpu.memory_space<vmem_shared>> -> memref<80x128xf32, #tpu.memory_space<vmem_shared>>
      %dma_start3A_192 = arith.constant 0 : i32
      %dma_start3A_193 = tpu.memref_slice %arg16[%add3A_4, %dma_start3A_192] : memref<10240x128xf32, #tpu.memory_space<vmem_shared>> -> memref<80x128xf32, #tpu.memory_space<vmem_shared>>
      tpu.enqueue_dma source(%arg13 : memref<80x128xf32, #tpu.memory_space<vmem>>) target(%dma_start3A_193 : memref<80x128xf32, #tpu.memory_space<vmem_shared>>) target_semaphore(%run_scoped3A : memref<!tpu.dma_semaphore, #tpu.memory_space<semaphore_mem>>)
      %dma_wait3A_194 = arith.constant 0 : i32
      %dma_wait3A_195 = tpu.memref_slice %arg16[%add3A_4, %dma_wait3A_194] : memref<10240x128xf32, #tpu.memory_space<vmem_shared>> -> memref<80x128xf32, #tpu.memory_space<vmem_shared>>
      %dma_wait3A_196 = arith.constant 0 : i32
      %dma_wait3A_197 = tpu.memref_slice %arg16[%add3A_4, %dma_wait3A_196] : memref<10240x128xf32, #tpu.memory_space<vmem_shared>> -> memref<80x128xf32, #tpu.memory_space<vmem_shared>>
      tpu.wait_dma2 semaphore(%run_scoped3A : memref<!tpu.dma_semaphore, #tpu.memory_space<semaphore_mem>>) src(%arg13 : memref<80x128xf32, #tpu.memory_space<vmem>>) dst(%dma_wait3A_197 : memref<80x128xf32, #tpu.memory_space<vmem_shared>>)
      tpu.yield
    }) : () -> ()
    %add3A_5 = arith.constant 80 : i32
    %add3A_6 = arith.addi %mul3A_2, %add3A_5 : i32
    "tpu.region"() ({
      %run_scoped3A = tpu.sem_alloc : memref<!tpu.dma_semaphore, #tpu.memory_space<semaphore_mem>>
      %dma_start3A_190 = arith.constant 0 : i32
      %dma_start3A_191 = tpu.memref_slice %arg16[%add3A_6, %dma_start3A_190] : memref<10240x128xf32, #tpu.memory_space<vmem_shared>> -> memref<80x128xf32, #tpu.memory_space<vmem_shared>>
      %dma_start3A_192 = arith.constant 0 : i32
      %dma_start3A_193 = tpu.memref_slice %arg16[%add3A_6, %dma_start3A_192] : memref<10240x128xf32, #tpu.memory_space<vmem_shared>> -> memref<80x128xf32, #tpu.memory_space<vmem_shared>>
      tpu.enqueue_dma source(%arg13 : memref<80x128xf32, #tpu.memory_space<vmem>>) target(%dma_start3A_193 : memref<80x128xf32, #tpu.memory_space<vmem_shared>>) target_semaphore(%run_scoped3A : memref<!tpu.dma_semaphore, #tpu.memory_space<semaphore_mem>>)
      %dma_wait3A_194 = arith.constant 0 : i32
      %dma_wait3A_195 = tpu.memref_slice %arg16[%add3A_6, %dma_wait3A_194] : memref<10240x128xf32, #tpu.memory_space<vmem_shared>> -> memref<80x128xf32, #tpu.memory_space<vmem_shared>>
      %dma_wait3A_196 = arith.constant 0 : i32
      %dma_wait3A_197 = tpu.memref_slice %arg16[%add3A_6, %dma_wait3A_196] : memref<10240x128xf32, #tpu.memory_space<vmem_shared>> -> memref<80x128xf32, #tpu.memory_space<vmem_shared>>
      tpu.wait_dma2 semaphore(%run_scoped3A : memref<!tpu.dma_semaphore, #tpu.memory_space<semaphore_mem>>) src(%arg13 : memref<80x128xf32, #tpu.memory_space<vmem>>) dst(%dma_wait3A_197 : memref<80x128xf32, #tpu.memory_space<vmem_shared>>)
      tpu.yield
    }) : () -> ()
    %add3A_7 = arith.constant 160 : i32
    %add3A_8 = arith.addi %mul3A_2, %add3A_7 : i32
    "tpu.region"() ({
      %run_scoped3A = tpu.sem_alloc : memref<!tpu.dma_semaphore, #tpu.memory_space<semaphore_mem>>
      %dma_start3A_190 = arith.constant 0 : i32
      %dma_start3A_191 = tpu.memref_slice %arg16[%add3A_8, %dma_start3A_190] : memref<10240x128xf32, #tpu.memory_space<vmem_shared>> -> memref<80x128xf32, #tpu.memory_space<vmem_shared>>
      %dma_start3A_192 = arith.constant 0 : i32
      %dma_start3A_193 = tpu.memref_slice %arg16[%add3A_8, %dma_start3A_192] : memref<10240x128xf32, #tpu.memory_space<vmem_shared>> -> memref<80x128xf32, #tpu.memory_space<vmem_shared>>
      tpu.enqueue_dma source(%arg13 : memref<80x128xf32, #tpu.memory_space<vmem>>) target(%dma_start3A_193 : memref<80x128xf32, #tpu.memory_space<vmem_shared>>) target_semaphore(%run_scoped3A : memref<!tpu.dma_semaphore, #tpu.memory_space<semaphore_mem>>)
      %dma_wait3A_194 = arith.constant 0 : i32
      %dma_wait3A_195 = tpu.memref_slice %arg16[%add3A_8, %dma_wait3A_194] : memref<10240x128xf32, #tpu.memory_space<vmem_shared>> -> memref<80x128xf32, #tpu.memory_space<vmem_shared>>
      %dma_wait3A_196 = arith.constant 0 : i32
      %dma_wait3A_197 = tpu.memref_slice %arg16[%add3A_8, %dma_wait3A_196] : memref<10240x128xf32, #tpu.memory_space<vmem_shared>> -> memref<80x128xf32, #tpu.memory_space<vmem_shared>>
      tpu.wait_dma2 semaphore(%run_scoped3A : memref<!tpu.dma_semaphore, #tpu.memory_space<semaphore_mem>>) src(%arg13 : memref<80x128xf32, #tpu.memory_space<vmem>>) dst(%dma_wait3A_197 : memref<80x128xf32, #tpu.memory_space<vmem_shared>>)
      tpu.yield
    }) : () -> ()
    %add3A_9 = arith.constant 240 : i32
    %add3A_10 = arith.addi %mul3A_2, %add3A_9 : i32
    "tpu.region"() ({
      %run_scoped3A = tpu.sem_alloc : memref<!tpu.dma_semaphore, #tpu.memory_space<semaphore_mem>>
      %dma_start3A_190 = arith.constant 0 : i32
      %dma_start3A_191 = tpu.memref_slice %arg16[%add3A_10, %dma_start3A_190] : memref<10240x128xf32, #tpu.memory_space<vmem_shared>> -> memref<80x128xf32, #tpu.memory_space<vmem_shared>>
      %dma_start3A_192 = arith.constant 0 : i32
      %dma_start3A_193 = tpu.memref_slice %arg16[%add3A_10, %dma_start3A_192] : memref<10240x128xf32, #tpu.memory_space<vmem_shared>> -> memref<80x128xf32, #tpu.memory_space<vmem_shared>>
      tpu.enqueue_dma source(%arg13 : memref<80x128xf32, #tpu.memory_space<vmem>>) target(%dma_start3A_193 : memref<80x128xf32, #tpu.memory_space<vmem_shared>>) target_semaphore(%run_scoped3A : memref<!tpu.dma_semaphore, #tpu.memory_space<semaphore_mem>>)
      %dma_wait3A_194 = arith.constant 0 : i32
      %dma_wait3A_195 = tpu.memref_slice %arg16[%add3A_10, %dma_wait3A_194] : memref<10240x128xf32, #tpu.memory_space<vmem_shared>> -> memref<80x128xf32, #tpu.memory_space<vmem_shared>>
      %dma_wait3A_196 = arith.constant 0 : i32
      %dma_wait3A_197 = tpu.memref_slice %arg16[%add3A_10, %dma_wait3A_196] : memref<10240x128xf32, #tpu.memory_space<vmem_shared>> -> memref<80x128xf32, #tpu.memory_space<vmem_shared>>
      tpu.wait_dma2 semaphore(%run_scoped3A : memref<!tpu.dma_semaphore, #tpu.memory_space<semaphore_mem>>) src(%arg13 : memref<80x128xf32, #tpu.memory_space<vmem>>) dst(%dma_wait3A_197 : memref<80x128xf32, #tpu.memory_space<vmem_shared>>)
      tpu.yield
    }) : () -> ()
    %add3A_11 = arith.constant 320 : i32
    %add3A_12 = arith.addi %mul3A_2, %add3A_11 : i32
    "tpu.region"() ({
      %run_scoped3A = tpu.sem_alloc : memref<!tpu.dma_semaphore, #tpu.memory_space<semaphore_mem>>
      %dma_start3A_190 = arith.constant 0 : i32
      %dma_start3A_191 = tpu.memref_slice %arg16[%add3A_12, %dma_start3A_190] : memref<10240x128xf32, #tpu.memory_space<vmem_shared>> -> memref<80x128xf32, #tpu.memory_space<vmem_shared>>
      %dma_start3A_192 = arith.constant 0 : i32
      %dma_start3A_193 = tpu.memref_slice %arg16[%add3A_12, %dma_start3A_192] : memref<10240x128xf32, #tpu.memory_space<vmem_shared>> -> memref<80x128xf32, #tpu.memory_space<vmem_shared>>
      tpu.enqueue_dma source(%arg13 : memref<80x128xf32, #tpu.memory_space<vmem>>) target(%dma_start3A_193 : memref<80x128xf32, #tpu.memory_space<vmem_shared>>) target_semaphore(%run_scoped3A : memref<!tpu.dma_semaphore, #tpu.memory_space<semaphore_mem>>)
      %dma_wait3A_194 = arith.constant 0 : i32
      %dma_wait3A_195 = tpu.memref_slice %arg16[%add3A_12, %dma_wait3A_194] : memref<10240x128xf32, #tpu.memory_space<vmem_shared>> -> memref<80x128xf32, #tpu.memory_space<vmem_shared>>
      %dma_wait3A_196 = arith.constant 0 : i32
      %dma_wait3A_197 = tpu.memref_slice %arg16[%add3A_12, %dma_wait3A_196] : memref<10240x128xf32, #tpu.memory_space<vmem_shared>> -> memref<80x128xf32, #tpu.memory_space<vmem_shared>>
      tpu.wait_dma2 semaphore(%run_scoped3A : memref<!tpu.dma_semaphore, #tpu.memory_space<semaphore_mem>>) src(%arg13 : memref<80x128xf32, #tpu.memory_space<vmem>>) dst(%dma_wait3A_197 : memref<80x128xf32, #tpu.memory_space<vmem_shared>>)
      tpu.yield
    }) : () -> ()
    %add3A_13 = arith.constant 400 : i32
    %add3A_14 = arith.addi %mul3A_2, %add3A_13 : i32
    "tpu.region"() ({
      %run_scoped3A = tpu.sem_alloc : memref<!tpu.dma_semaphore, #tpu.memory_space<semaphore_mem>>
      %dma_start3A_190 = arith.constant 0 : i32
      %dma_start3A_191 = tpu.memref_slice %arg16[%add3A_14, %dma_start3A_190] : memref<10240x128xf32, #tpu.memory_space<vmem_shared>> -> memref<80x128xf32, #tpu.memory_space<vmem_shared>>
      %dma_start3A_192 = arith.constant 0 : i32
      %dma_start3A_193 = tpu.memref_slice %arg16[%add3A_14, %dma_start3A_192] : memref<10240x128xf32, #tpu.memory_space<vmem_shared>> -> memref<80x128xf32, #tpu.memory_space<vmem_shared>>
      tpu.enqueue_dma source(%arg13 : memref<80x128xf32, #tpu.memory_space<vmem>>) target(%dma_start3A_193 : memref<80x128xf32, #tpu.memory_space<vmem_shared>>) target_semaphore(%run_scoped3A : memref<!tpu.dma_semaphore, #tpu.memory_space<semaphore_mem>>)
      %dma_wait3A_194 = arith.constant 0 : i32
      %dma_wait3A_195 = tpu.memref_slice %arg16[%add3A_14, %dma_wait3A_194] : memref<10240x128xf32, #tpu.memory_space<vmem_shared>> -> memref<80x128xf32, #tpu.memory_space<vmem_shared>>
      %dma_wait3A_196 = arith.constant 0 : i32
      %dma_wait3A_197 = tpu.memref_slice %arg16[%add3A_14, %dma_wait3A_196] : memref<10240x128xf32, #tpu.memory_space<vmem_shared>> -> memref<80x128xf32, #tpu.memory_space<vmem_shared>>
      tpu.wait_dma2 semaphore(%run_scoped3A : memref<!tpu.dma_semaphore, #tpu.memory_space<semaphore_mem>>) src(%arg13 : memref<80x128xf32, #tpu.memory_space<vmem>>) dst(%dma_wait3A_197 : memref<80x128xf32, #tpu.memory_space<vmem_shared>>)
      tpu.yield
    }) : () -> ()
    %add3A_15 = arith.constant 480 : i32
    %add3A_16 = arith.addi %mul3A_2, %add3A_15 : i32
    "tpu.region"() ({
      %run_scoped3A = tpu.sem_alloc : memref<!tpu.dma_semaphore, #tpu.memory_space<semaphore_mem>>
      %dma_start3A_190 = arith.constant 0 : i32
      %dma_start3A_191 = tpu.memref_slice %arg16[%add3A_16, %dma_start3A_190] : memref<10240x128xf32, #tpu.memory_space<vmem_shared>> -> memref<80x128xf32, #tpu.memory_space<vmem_shared>>
      %dma_start3A_192 = arith.constant 0 : i32
      %dma_start3A_193 = tpu.memref_slice %arg16[%add3A_16, %dma_start3A_192] : memref<10240x128xf32, #tpu.memory_space<vmem_shared>> -> memref<80x128xf32, #tpu.memory_space<vmem_shared>>
      tpu.enqueue_dma source(%arg13 : memref<80x128xf32, #tpu.memory_space<vmem>>) target(%dma_start3A_193 : memref<80x128xf32, #tpu.memory_space<vmem_shared>>) target_semaphore(%run_scoped3A : memref<!tpu.dma_semaphore, #tpu.memory_space<semaphore_mem>>)
      %dma_wait3A_194 = arith.constant 0 : i32
      %dma_wait3A_195 = tpu.memref_slice %arg16[%add3A_16, %dma_wait3A_194] : memref<10240x128xf32, #tpu.memory_space<vmem_shared>> -> memref<80x128xf32, #tpu.memory_space<vmem_shared>>
      %dma_wait3A_196 = arith.constant 0 : i32
      %dma_wait3A_197 = tpu.memref_slice %arg16[%add3A_16, %dma_wait3A_196] : memref<10240x128xf32, #tpu.memory_space<vmem_shared>> -> memref<80x128xf32, #tpu.memory_space<vmem_shared>>
      tpu.wait_dma2 semaphore(%run_scoped3A : memref<!tpu.dma_semaphore, #tpu.memory_space<semaphore_mem>>) src(%arg13 : memref<80x128xf32, #tpu.memory_space<vmem>>) dst(%dma_wait3A_197 : memref<80x128xf32, #tpu.memory_space<vmem_shared>>)
      tpu.yield
    }) : () -> ()
    %add3A_17 = arith.constant 560 : i32
    %add3A_18 = arith.addi %mul3A_2, %add3A_17 : i32
    "tpu.region"() ({
      %run_scoped3A = tpu.sem_alloc : memref<!tpu.dma_semaphore, #tpu.memory_space<semaphore_mem>>
      %dma_start3A_190 = arith.constant 0 : i32
      %dma_start3A_191 = tpu.memref_slice %arg16[%add3A_18, %dma_start3A_190] : memref<10240x128xf32, #tpu.memory_space<vmem_shared>> -> memref<80x128xf32, #tpu.memory_space<vmem_shared>>
      %dma_start3A_192 = arith.constant 0 : i32
      %dma_start3A_193 = tpu.memref_slice %arg16[%add3A_18, %dma_start3A_192] : memref<10240x128xf32, #tpu.memory_space<vmem_shared>> -> memref<80x128xf32, #tpu.memory_space<vmem_shared>>
      tpu.enqueue_dma source(%arg13 : memref<80x128xf32, #tpu.memory_space<vmem>>) target(%dma_start3A_193 : memref<80x128xf32, #tpu.memory_space<vmem_shared>>) target_semaphore(%run_scoped3A : memref<!tpu.dma_semaphore, #tpu.memory_space<semaphore_mem>>)
      %dma_wait3A_194 = arith.constant 0 : i32
      %dma_wait3A_195 = tpu.memref_slice %arg16[%add3A_18, %dma_wait3A_194] : memref<10240x128xf32, #tpu.memory_space<vmem_shared>> -> memref<80x128xf32, #tpu.memory_space<vmem_shared>>
      %dma_wait3A_196 = arith.constant 0 : i32
      %dma_wait3A_197 = tpu.memref_slice %arg16[%add3A_18, %dma_wait3A_196] : memref<10240x128xf32, #tpu.memory_space<vmem_shared>> -> memref<80x128xf32, #tpu.memory_space<vmem_shared>>
      tpu.wait_dma2 semaphore(%run_scoped3A : memref<!tpu.dma_semaphore, #tpu.memory_space<semaphore_mem>>) src(%arg13 : memref<80x128xf32, #tpu.memory_space<vmem>>) dst(%dma_wait3A_197 : memref<80x128xf32, #tpu.memory_space<vmem_shared>>)
      tpu.yield
    }) : () -> ()
    %barrier3A = arith.constant 0 : index
    tpu.barrier barrier_id(%barrier3A)
    %mul3A_19 = arith.constant 10000 : i32
    %mul3A_20 = arith.muli %add3A, %mul3A_19 : i32
    %add3A_21 = arith.constant 0 : i32
    %add3A_22 = arith.addi %mul3A_20, %add3A_21 : i32
    %dma_start3A = tpu.memref_slice %arg3[%add3A_22] : memref<640000xi32, #tpu.memory_space<hbm>> -> memref<80xi32, #tpu.memory_space<hbm>>
    %dma_start3A_23 = tpu.memref_slice %arg3[%add3A_22] : memref<640000xi32, #tpu.memory_space<hbm>> -> memref<80xi32, #tpu.memory_space<hbm>>
    tpu.enqueue_dma source(%dma_start3A_23 : memref<80xi32, #tpu.memory_space<hbm>>) target(%arg7 : memref<80xi32, #tpu.memory_space<vmem>>) target_semaphore(%arg17 : memref<!tpu.dma_semaphore, #tpu.memory_space<semaphore_mem>>)
    %add3A_24 = arith.constant 320000 : i32
    %add3A_25 = arith.addi %add3A_24, %mul3A_20 : i32
    %add3A_26 = arith.constant 0 : i32
    %add3A_27 = arith.addi %add3A_25, %add3A_26 : i32
    %dma_start3A_28 = tpu.memref_slice %arg3[%add3A_27] : memref<640000xi32, #tpu.memory_space<hbm>> -> memref<80xi32, #tpu.memory_space<hbm>>
    %dma_start3A_29 = tpu.memref_slice %arg3[%add3A_27] : memref<640000xi32, #tpu.memory_space<hbm>> -> memref<80xi32, #tpu.memory_space<hbm>>
    tpu.enqueue_dma source(%dma_start3A_29 : memref<80xi32, #tpu.memory_space<hbm>>) target(%arg10 : memref<80xi32, #tpu.memory_space<vmem>>) target_semaphore(%arg20 : memref<!tpu.dma_semaphore, #tpu.memory_space<semaphore_mem>>)
    %add3A_30 = arith.constant 80 : i32
    %add3A_31 = arith.addi %mul3A_20, %add3A_30 : i32
    %dma_start3A_32 = tpu.memref_slice %arg3[%add3A_31] : memref<640000xi32, #tpu.memory_space<hbm>> -> memref<80xi32, #tpu.memory_space<hbm>>
    %dma_start3A_33 = tpu.memref_slice %arg3[%add3A_31] : memref<640000xi32, #tpu.memory_space<hbm>> -> memref<80xi32, #tpu.memory_space<hbm>>
    tpu.enqueue_dma source(%dma_start3A_33 : memref<80xi32, #tpu.memory_space<hbm>>) target(%arg8 : memref<80xi32, #tpu.memory_space<vmem>>) target_semaphore(%arg18 : memref<!tpu.dma_semaphore, #tpu.memory_space<semaphore_mem>>)
    %add3A_34 = arith.constant 320000 : i32
    %add3A_35 = arith.addi %add3A_34, %mul3A_20 : i32
    %add3A_36 = arith.constant 80 : i32
    %add3A_37 = arith.addi %add3A_35, %add3A_36 : i32
    %dma_start3A_38 = tpu.memref_slice %arg3[%add3A_37] : memref<640000xi32, #tpu.memory_space<hbm>> -> memref<80xi32, #tpu.memory_space<hbm>>
    %dma_start3A_39 = tpu.memref_slice %arg3[%add3A_37] : memref<640000xi32, #tpu.memory_space<hbm>> -> memref<80xi32, #tpu.memory_space<hbm>>
    tpu.enqueue_dma source(%dma_start3A_39 : memref<80xi32, #tpu.memory_space<hbm>>) target(%arg11 : memref<80xi32, #tpu.memory_space<vmem>>) target_semaphore(%arg21 : memref<!tpu.dma_semaphore, #tpu.memory_space<semaphore_mem>>)
    %add3A_40 = arith.constant 160 : i32
    %add3A_41 = arith.addi %mul3A_20, %add3A_40 : i32
    %dma_start3A_42 = tpu.memref_slice %arg3[%add3A_41] : memref<640000xi32, #tpu.memory_space<hbm>> -> memref<80xi32, #tpu.memory_space<hbm>>
    %dma_start3A_43 = tpu.memref_slice %arg3[%add3A_41] : memref<640000xi32, #tpu.memory_space<hbm>> -> memref<80xi32, #tpu.memory_space<hbm>>
    tpu.enqueue_dma source(%dma_start3A_43 : memref<80xi32, #tpu.memory_space<hbm>>) target(%arg9 : memref<80xi32, #tpu.memory_space<vmem>>) target_semaphore(%arg19 : memref<!tpu.dma_semaphore, #tpu.memory_space<semaphore_mem>>)
    %dma_wait3A = arith.constant 0 : i32
    %dma_wait3A_44 = tpu.memref_slice %arg3[%dma_wait3A] : memref<640000xi32, #tpu.memory_space<hbm>> -> memref<80xi32, #tpu.memory_space<hbm>>
    %dma_wait3A_45 = arith.constant 0 : i32
    %dma_wait3A_46 = tpu.memref_slice %arg3[%dma_wait3A_45] : memref<640000xi32, #tpu.memory_space<hbm>> -> memref<80xi32, #tpu.memory_space<hbm>>
    tpu.wait_dma2 semaphore(%arg17 : memref<!tpu.dma_semaphore, #tpu.memory_space<semaphore_mem>>) src(%dma_wait3A_46 : memref<80xi32, #tpu.memory_space<hbm>>) dst(%arg7 : memref<80xi32, #tpu.memory_space<vmem>>)
    %dma_start3A_47 = arith.constant 0 : i32
    %dma_start3A_48 = arith.constant 0 : i32
    %dma_start3A_49 = tpu.memref_slice %arg2[%dma_start3A_47, %dma_start3A_48] : memref<10000x128xf32, #tpu.memory_space<hbm>> -> memref<10000x128xf32, #tpu.memory_space<hbm>>
    tpu.enqueue_indirect_dma source(%dma_start3A_49 : memref<10000x128xf32, #tpu.memory_space<hbm>>) target(%arg13 : memref<80x128xf32, #tpu.memory_space<vmem>>) offsets(%arg7 : memref<80xi32, #tpu.memory_space<vmem>>) semaphore(%arg23 : memref<!tpu.dma_semaphore, #tpu.memory_space<semaphore_mem>>)
    %dma_wait3A_50 = arith.constant 0 : i32
    %dma_wait3A_51 = tpu.memref_slice %arg3[%dma_wait3A_50] : memref<640000xi32, #tpu.memory_space<hbm>> -> memref<80xi32, #tpu.memory_space<hbm>>
    %dma_wait3A_52 = arith.constant 0 : i32
    %dma_wait3A_53 = tpu.memref_slice %arg3[%dma_wait3A_52] : memref<640000xi32, #tpu.memory_space<hbm>> -> memref<80xi32, #tpu.memory_space<hbm>>
    tpu.wait_dma2 semaphore(%arg18 : memref<!tpu.dma_semaphore, #tpu.memory_space<semaphore_mem>>) src(%dma_wait3A_53 : memref<80xi32, #tpu.memory_space<hbm>>) dst(%arg8 : memref<80xi32, #tpu.memory_space<vmem>>)
    %dma_start3A_54 = arith.constant 0 : i32
    %dma_start3A_55 = arith.constant 0 : i32
    %dma_start3A_56 = tpu.memref_slice %arg2[%dma_start3A_54, %dma_start3A_55] : memref<10000x128xf32, #tpu.memory_space<hbm>> -> memref<10000x128xf32, #tpu.memory_space<hbm>>
    tpu.enqueue_indirect_dma source(%dma_start3A_56 : memref<10000x128xf32, #tpu.memory_space<hbm>>) target(%arg14 : memref<80x128xf32, #tpu.memory_space<vmem>>) offsets(%arg8 : memref<80xi32, #tpu.memory_space<vmem>>) semaphore(%arg24 : memref<!tpu.dma_semaphore, #tpu.memory_space<semaphore_mem>>)
    %dma_wait3A_57 = arith.constant 0 : i32
    %dma_wait3A_58 = arith.constant 0 : i32
    %dma_wait3A_59 = tpu.memref_slice %arg2[%dma_wait3A_57, %dma_wait3A_58] : memref<10000x128xf32, #tpu.memory_space<hbm>> -> memref<10000x128xf32, #tpu.memory_space<hbm>>
    tpu.wait_indirect_dma semaphore(%arg23 : memref<!tpu.dma_semaphore, #tpu.memory_space<semaphore_mem>>) src(%dma_wait3A_59 : memref<10000x128xf32, #tpu.memory_space<hbm>>) dst(%arg13 : memref<80x128xf32, #tpu.memory_space<vmem>>)
    %add3A_60 = arith.constant 240 : i32
    %add3A_61 = arith.addi %mul3A_20, %add3A_60 : i32
    %dma_start3A_62 = tpu.memref_slice %arg3[%add3A_61] : memref<640000xi32, #tpu.memory_space<hbm>> -> memref<80xi32, #tpu.memory_space<hbm>>
    %dma_start3A_63 = tpu.memref_slice %arg3[%add3A_61] : memref<640000xi32, #tpu.memory_space<hbm>> -> memref<80xi32, #tpu.memory_space<hbm>>
    tpu.enqueue_dma source(%dma_start3A_63 : memref<80xi32, #tpu.memory_space<hbm>>) target(%arg7 : memref<80xi32, #tpu.memory_space<vmem>>) target_semaphore(%arg17 : memref<!tpu.dma_semaphore, #tpu.memory_space<semaphore_mem>>)
    %dma_wait3A_64 = arith.constant 0 : i32
    %dma_wait3A_65 = tpu.memref_slice %arg3[%dma_wait3A_64] : memref<640000xi32, #tpu.memory_space<hbm>> -> memref<80xi32, #tpu.memory_space<hbm>>
    %dma_wait3A_66 = arith.constant 0 : i32
    %dma_wait3A_67 = tpu.memref_slice %arg3[%dma_wait3A_66] : memref<640000xi32, #tpu.memory_space<hbm>> -> memref<80xi32, #tpu.memory_space<hbm>>
    tpu.wait_dma2 semaphore(%arg20 : memref<!tpu.dma_semaphore, #tpu.memory_space<semaphore_mem>>) src(%dma_wait3A_67 : memref<80xi32, #tpu.memory_space<hbm>>) dst(%arg10 : memref<80xi32, #tpu.memory_space<vmem>>)
    %dma_start3A_68 = arith.constant 0 : i32
    %dma_start3A_69 = arith.constant 0 : i32
    %dma_start3A_70 = tpu.memref_slice %arg16[%dma_start3A_68, %dma_start3A_69] : memref<10240x128xf32, #tpu.memory_space<vmem_shared>> -> memref<10240x128xf32, #tpu.memory_space<vmem_shared>>
    tpu.enqueue_indirect_dma source(%arg13 : memref<80x128xf32, #tpu.memory_space<vmem>>) target(%dma_start3A_70 : memref<10240x128xf32, #tpu.memory_space<vmem_shared>>) offsets(%arg10 : memref<80xi32, #tpu.memory_space<vmem>>) semaphore(%arg26 : memref<!tpu.dma_semaphore, #tpu.memory_space<semaphore_mem>>) {add = true}
    %add3A_71 = arith.constant 320000 : i32
    %add3A_72 = arith.addi %add3A_71, %mul3A_20 : i32
    %add3A_73 = arith.constant 160 : i32
    %add3A_74 = arith.addi %add3A_72, %add3A_73 : i32
    %dma_start3A_75 = tpu.memref_slice %arg3[%add3A_74] : memref<640000xi32, #tpu.memory_space<hbm>> -> memref<80xi32, #tpu.memory_space<hbm>>
    %dma_start3A_76 = tpu.memref_slice %arg3[%add3A_74] : memref<640000xi32, #tpu.memory_space<hbm>> -> memref<80xi32, #tpu.memory_space<hbm>>
    tpu.enqueue_dma source(%dma_start3A_76 : memref<80xi32, #tpu.memory_space<hbm>>) target(%arg12 : memref<80xi32, #tpu.memory_space<vmem>>) target_semaphore(%arg22 : memref<!tpu.dma_semaphore, #tpu.memory_space<semaphore_mem>>)
    %dma_wait3A_77 = arith.constant 0 : i32
    %dma_wait3A_78 = tpu.memref_slice %arg3[%dma_wait3A_77] : memref<640000xi32, #tpu.memory_space<hbm>> -> memref<80xi32, #tpu.memory_space<hbm>>
    %dma_wait3A_79 = arith.constant 0 : i32
    %dma_wait3A_80 = tpu.memref_slice %arg3[%dma_wait3A_79] : memref<640000xi32, #tpu.memory_space<hbm>> -> memref<80xi32, #tpu.memory_space<hbm>>
    tpu.wait_dma2 semaphore(%arg19 : memref<!tpu.dma_semaphore, #tpu.memory_space<semaphore_mem>>) src(%dma_wait3A_80 : memref<80xi32, #tpu.memory_space<hbm>>) dst(%arg9 : memref<80xi32, #tpu.memory_space<vmem>>)
    %dma_start3A_81 = arith.constant 0 : i32
    %dma_start3A_82 = arith.constant 0 : i32
    %dma_start3A_83 = tpu.memref_slice %arg2[%dma_start3A_81, %dma_start3A_82] : memref<10000x128xf32, #tpu.memory_space<hbm>> -> memref<10000x128xf32, #tpu.memory_space<hbm>>
    tpu.enqueue_indirect_dma source(%dma_start3A_83 : memref<10000x128xf32, #tpu.memory_space<hbm>>) target(%arg15 : memref<80x128xf32, #tpu.memory_space<vmem>>) offsets(%arg9 : memref<80xi32, #tpu.memory_space<vmem>>) semaphore(%arg25 : memref<!tpu.dma_semaphore, #tpu.memory_space<semaphore_mem>>)
    %dma_wait3A_84 = arith.constant 0 : i32
    %dma_wait3A_85 = arith.constant 0 : i32
    %dma_wait3A_86 = tpu.memref_slice %arg2[%dma_wait3A_84, %dma_wait3A_85] : memref<10000x128xf32, #tpu.memory_space<hbm>> -> memref<10000x128xf32, #tpu.memory_space<hbm>>
    tpu.wait_indirect_dma semaphore(%arg24 : memref<!tpu.dma_semaphore, #tpu.memory_space<semaphore_mem>>) src(%dma_wait3A_86 : memref<10000x128xf32, #tpu.memory_space<hbm>>) dst(%arg14 : memref<80x128xf32, #tpu.memory_space<vmem>>)
    %add3A_87 = arith.constant 320 : i32
    %add3A_88 = arith.addi %mul3A_20, %add3A_87 : i32
    %dma_start3A_89 = tpu.memref_slice %arg3[%add3A_88] : memref<640000xi32, #tpu.memory_space<hbm>> -> memref<80xi32, #tpu.memory_space<hbm>>
    %dma_start3A_90 = tpu.memref_slice %arg3[%add3A_88] : memref<640000xi32, #tpu.memory_space<hbm>> -> memref<80xi32, #tpu.memory_space<hbm>>
    tpu.enqueue_dma source(%dma_start3A_90 : memref<80xi32, #tpu.memory_space<hbm>>) target(%arg8 : memref<80xi32, #tpu.memory_space<vmem>>) target_semaphore(%arg18 : memref<!tpu.dma_semaphore, #tpu.memory_space<semaphore_mem>>)
    %dma_wait3A_91 = arith.constant 0 : i32
    %dma_wait3A_92 = tpu.memref_slice %arg3[%dma_wait3A_91] : memref<640000xi32, #tpu.memory_space<hbm>> -> memref<80xi32, #tpu.memory_space<hbm>>
    %dma_wait3A_93 = arith.constant 0 : i32
    %dma_wait3A_94 = tpu.memref_slice %arg3[%dma_wait3A_93] : memref<640000xi32, #tpu.memory_space<hbm>> -> memref<80xi32, #tpu.memory_space<hbm>>
    tpu.wait_dma2 semaphore(%arg21 : memref<!tpu.dma_semaphore, #tpu.memory_space<semaphore_mem>>) src(%dma_wait3A_94 : memref<80xi32, #tpu.memory_space<hbm>>) dst(%arg11 : memref<80xi32, #tpu.memory_space<vmem>>)
    %dma_start3A_95 = arith.constant 0 : i32
    %dma_start3A_96 = arith.constant 0 : i32
    %dma_start3A_97 = tpu.memref_slice %arg16[%dma_start3A_95, %dma_start3A_96] : memref<10240x128xf32, #tpu.memory_space<vmem_shared>> -> memref<10240x128xf32, #tpu.memory_space<vmem_shared>>
    tpu.enqueue_indirect_dma source(%arg14 : memref<80x128xf32, #tpu.memory_space<vmem>>) target(%dma_start3A_97 : memref<10240x128xf32, #tpu.memory_space<vmem_shared>>) offsets(%arg11 : memref<80xi32, #tpu.memory_space<vmem>>) semaphore(%arg27 : memref<!tpu.dma_semaphore, #tpu.memory_space<semaphore_mem>>) {add = true}
    %dma_wait3A_98 = arith.constant 0 : i32
    %dma_wait3A_99 = arith.constant 0 : i32
    %dma_wait3A_100 = tpu.memref_slice %arg16[%dma_wait3A_98, %dma_wait3A_99] : memref<10240x128xf32, #tpu.memory_space<vmem_shared>> -> memref<10240x128xf32, #tpu.memory_space<vmem_shared>>
    tpu.wait_indirect_dma semaphore(%arg26 : memref<!tpu.dma_semaphore, #tpu.memory_space<semaphore_mem>>) src(%arg13 : memref<80x128xf32, #tpu.memory_space<vmem>>) dst(%dma_wait3A_100 : memref<10240x128xf32, #tpu.memory_space<vmem_shared>>)
    %add3A_101 = arith.constant 320000 : i32
    %add3A_102 = arith.addi %add3A_101, %mul3A_20 : i32
    %add3A_103 = arith.constant 240 : i32
    %add3A_104 = arith.addi %add3A_102, %add3A_103 : i32
    %dma_start3A_105 = tpu.memref_slice %arg3[%add3A_104] : memref<640000xi32, #tpu.memory_space<hbm>> -> memref<80xi32, #tpu.memory_space<hbm>>
    %dma_start3A_106 = tpu.memref_slice %arg3[%add3A_104] : memref<640000xi32, #tpu.memory_space<hbm>> -> memref<80xi32, #tpu.memory_space<hbm>>
    tpu.enqueue_dma source(%dma_start3A_106 : memref<80xi32, #tpu.memory_space<hbm>>) target(%arg10 : memref<80xi32, #tpu.memory_space<vmem>>) target_semaphore(%arg20 : memref<!tpu.dma_semaphore, #tpu.memory_space<semaphore_mem>>)
    %dma_wait3A_107 = arith.constant 0 : i32
    %dma_wait3A_108 = tpu.memref_slice %arg3[%dma_wait3A_107] : memref<640000xi32, #tpu.memory_space<hbm>> -> memref<80xi32, #tpu.memory_space<hbm>>
    %dma_wait3A_109 = arith.constant 0 : i32
    %dma_wait3A_110 = tpu.memref_slice %arg3[%dma_wait3A_109] : memref<640000xi32, #tpu.memory_space<hbm>> -> memref<80xi32, #tpu.memory_space<hbm>>
    tpu.wait_dma2 semaphore(%arg17 : memref<!tpu.dma_semaphore, #tpu.memory_space<semaphore_mem>>) src(%dma_wait3A_110 : memref<80xi32, #tpu.memory_space<hbm>>) dst(%arg7 : memref<80xi32, #tpu.memory_space<vmem>>)
    %dma_start3A_111 = arith.constant 0 : i32
    %dma_start3A_112 = arith.constant 0 : i32
    %dma_start3A_113 = tpu.memref_slice %arg2[%dma_start3A_111, %dma_start3A_112] : memref<10000x128xf32, #tpu.memory_space<hbm>> -> memref<10000x128xf32, #tpu.memory_space<hbm>>
    tpu.enqueue_indirect_dma source(%dma_start3A_113 : memref<10000x128xf32, #tpu.memory_space<hbm>>) target(%arg13 : memref<80x128xf32, #tpu.memory_space<vmem>>) offsets(%arg7 : memref<80xi32, #tpu.memory_space<vmem>>) semaphore(%arg23 : memref<!tpu.dma_semaphore, #tpu.memory_space<semaphore_mem>>)
    %dma_wait3A_114 = arith.constant 0 : i32
    %dma_wait3A_115 = arith.constant 0 : i32
    %dma_wait3A_116 = tpu.memref_slice %arg2[%dma_wait3A_114, %dma_wait3A_115] : memref<10000x128xf32, #tpu.memory_space<hbm>> -> memref<10000x128xf32, #tpu.memory_space<hbm>>
    tpu.wait_indirect_dma semaphore(%arg25 : memref<!tpu.dma_semaphore, #tpu.memory_space<semaphore_mem>>) src(%dma_wait3A_116 : memref<10000x128xf32, #tpu.memory_space<hbm>>) dst(%arg15 : memref<80x128xf32, #tpu.memory_space<vmem>>)
    %add3A_117 = arith.constant 400 : i32
    %add3A_118 = arith.addi %mul3A_20, %add3A_117 : i32
    %dma_start3A_119 = tpu.memref_slice %arg3[%add3A_118] : memref<640000xi32, #tpu.memory_space<hbm>> -> memref<80xi32, #tpu.memory_space<hbm>>
    %dma_start3A_120 = tpu.memref_slice %arg3[%add3A_118] : memref<640000xi32, #tpu.memory_space<hbm>> -> memref<80xi32, #tpu.memory_space<hbm>>
    tpu.enqueue_dma source(%dma_start3A_120 : memref<80xi32, #tpu.memory_space<hbm>>) target(%arg9 : memref<80xi32, #tpu.memory_space<vmem>>) target_semaphore(%arg19 : memref<!tpu.dma_semaphore, #tpu.memory_space<semaphore_mem>>)
    %dma_wait3A_121 = arith.constant 0 : i32
    %dma_wait3A_122 = tpu.memref_slice %arg3[%dma_wait3A_121] : memref<640000xi32, #tpu.memory_space<hbm>> -> memref<80xi32, #tpu.memory_space<hbm>>
    %dma_wait3A_123 = arith.constant 0 : i32
    %dma_wait3A_124 = tpu.memref_slice %arg3[%dma_wait3A_123] : memref<640000xi32, #tpu.memory_space<hbm>> -> memref<80xi32, #tpu.memory_space<hbm>>
    tpu.wait_dma2 semaphore(%arg22 : memref<!tpu.dma_semaphore, #tpu.memory_space<semaphore_mem>>) src(%dma_wait3A_124 : memref<80xi32, #tpu.memory_space<hbm>>) dst(%arg12 : memref<80xi32, #tpu.memory_space<vmem>>)
    %dma_start3A_125 = arith.constant 0 : i32
    %dma_start3A_126 = arith.constant 0 : i32
    %dma_start3A_127 = tpu.memref_slice %arg16[%dma_start3A_125, %dma_start3A_126] : memref<10240x128xf32, #tpu.memory_space<vmem_shared>> -> memref<10240x128xf32, #tpu.memory_space<vmem_shared>>
    tpu.enqueue_indirect_dma source(%arg15 : memref<80x128xf32, #tpu.memory_space<vmem>>) target(%dma_start3A_127 : memref<10240x128xf32, #tpu.memory_space<vmem_shared>>) offsets(%arg12 : memref<80xi32, #tpu.memory_space<vmem>>) semaphore(%arg28 : memref<!tpu.dma_semaphore, #tpu.memory_space<semaphore_mem>>) {add = true}
    %dma_wait3A_128 = arith.constant 0 : i32
    %dma_wait3A_129 = arith.constant 0 : i32
    %dma_wait3A_130 = tpu.memref_slice %arg16[%dma_wait3A_128, %dma_wait3A_129] : memref<10240x128xf32, #tpu.memory_space<vmem_shared>> -> memref<10240x128xf32, #tpu.memory_space<vmem_shared>>
    tpu.wait_indirect_dma semaphore(%arg27 : memref<!tpu.dma_semaphore, #tpu.memory_space<semaphore_mem>>) src(%arg14 : memref<80x128xf32, #tpu.memory_space<vmem>>) dst(%dma_wait3A_130 : memref<10240x128xf32, #tpu.memory_space<vmem_shared>>)
    %add3A_131 = arith.constant 320000 : i32
    %add3A_132 = arith.addi %add3A_131, %mul3A_20 : i32
    %add3A_133 = arith.constant 320 : i32
    %add3A_134 = arith.addi %add3A_132, %add3A_133 : i32
    %dma_start3A_135 = tpu.memref_slice %arg3[%add3A_134] : memref<640000xi32, #tpu.memory_space<hbm>> -> memref<80xi32, #tpu.memory_space<hbm>>
    %dma_start3A_136 = tpu.memref_slice %arg3[%add3A_134] : memref<640000xi32, #tpu.memory_space<hbm>> -> memref<80xi32, #tpu.memory_space<hbm>>
    tpu.enqueue_dma source(%dma_start3A_136 : memref<80xi32, #tpu.memory_space<hbm>>) target(%arg11 : memref<80xi32, #tpu.memory_space<vmem>>) target_semaphore(%arg21 : memref<!tpu.dma_semaphore, #tpu.memory_space<semaphore_mem>>)
    %dma_wait3A_137 = arith.constant 0 : i32
    %dma_wait3A_138 = tpu.memref_slice %arg3[%dma_wait3A_137] : memref<640000xi32, #tpu.memory_space<hbm>> -> memref<80xi32, #tpu.memory_space<hbm>>
    %dma_wait3A_139 = arith.constant 0 : i32
    %dma_wait3A_140 = tpu.memref_slice %arg3[%dma_wait3A_139] : memref<640000xi32, #tpu.memory_space<hbm>> -> memref<80xi32, #tpu.memory_space<hbm>>
    tpu.wait_dma2 semaphore(%arg18 : memref<!tpu.dma_semaphore, #tpu.memory_space<semaphore_mem>>) src(%dma_wait3A_140 : memref<80xi32, #tpu.memory_space<hbm>>) dst(%arg8 : memref<80xi32, #tpu.memory_space<vmem>>)
    %dma_start3A_141 = arith.constant 0 : i32
    %dma_start3A_142 = arith.constant 0 : i32
    %dma_start3A_143 = tpu.memref_slice %arg2[%dma_start3A_141, %dma_start3A_142] : memref<10000x128xf32, #tpu.memory_space<hbm>> -> memref<10000x128xf32, #tpu.memory_space<hbm>>
    tpu.enqueue_indirect_dma source(%dma_start3A_143 : memref<10000x128xf32, #tpu.memory_space<hbm>>) target(%arg14 : memref<80x128xf32, #tpu.memory_space<vmem>>) offsets(%arg8 : memref<80xi32, #tpu.memory_space<vmem>>) semaphore(%arg24 : memref<!tpu.dma_semaphore, #tpu.memory_space<semaphore_mem>>)
    %dma_wait3A_144 = arith.constant 0 : i32
    %dma_wait3A_145 = arith.constant 0 : i32
    %dma_wait3A_146 = tpu.memref_slice %arg2[%dma_wait3A_144, %dma_wait3A_145] : memref<10000x128xf32, #tpu.memory_space<hbm>> -> memref<10000x128xf32, #tpu.memory_space<hbm>>
    tpu.wait_indirect_dma semaphore(%arg23 : memref<!tpu.dma_semaphore, #tpu.memory_space<semaphore_mem>>) src(%dma_wait3A_146 : memref<10000x128xf32, #tpu.memory_space<hbm>>) dst(%arg13 : memref<80x128xf32, #tpu.memory_space<vmem>>)
    %add3A_147 = arith.constant 480 : i32
    %add3A_148 = arith.addi %mul3A_20, %add3A_147 : i32
    %dma_start3A_149 = tpu.memref_slice %arg3[%add3A_148] : memref<640000xi32, #tpu.memory_space<hbm>> -> memref<80xi32, #tpu.memory_space<hbm>>
    %dma_start3A_150 = tpu.memref_slice %arg3[%add3A_148] : memref<640000xi32, #tpu.memory_space<hbm>> -> memref<80xi32, #tpu.memory_space<hbm>>
    tpu.enqueue_dma source(%dma_start3A_150 : memref<80xi32, #tpu.memory_space<hbm>>) target(%arg7 : memref<80xi32, #tpu.memory_space<vmem>>) target_semaphore(%arg17 : memref<!tpu.dma_semaphore, #tpu.memory_space<semaphore_mem>>)
    %dma_wait3A_151 = arith.constant 0 : i32
    %dma_wait3A_152 = tpu.memref_slice %arg3[%dma_wait3A_151] : memref<640000xi32, #tpu.memory_space<hbm>> -> memref<80xi32, #tpu.memory_space<hbm>>
    %dma_wait3A_153 = arith.constant 0 : i32
    %dma_wait3A_154 = tpu.memref_slice %arg3[%dma_wait3A_153] : memref<640000xi32, #tpu.memory_space<hbm>> -> memref<80xi32, #tpu.memory_space<hbm>>
    tpu.wait_dma2 semaphore(%arg20 : memref<!tpu.dma_semaphore, #tpu.memory_space<semaphore_mem>>) src(%dma_wait3A_154 : memref<80xi32, #tpu.memory_space<hbm>>) dst(%arg10 : memref<80xi32, #tpu.memory_space<vmem>>)
    %dma_start3A_155 = arith.constant 0 : i32
    %dma_start3A_156 = arith.constant 0 : i32
    %dma_start3A_157 = tpu.memref_slice %arg16[%dma_start3A_155, %dma_start3A_156] : memref<10240x128xf32, #tpu.memory_space<vmem_shared>> -> memref<10240x128xf32, #tpu.memory_space<vmem_shared>>
    tpu.enqueue_indirect_dma source(%arg13 : memref<80x128xf32, #tpu.memory_space<vmem>>) target(%dma_start3A_157 : memref<10240x128xf32, #tpu.memory_space<vmem_shared>>) offsets(%arg10 : memref<80xi32, #tpu.memory_space<vmem>>) semaphore(%arg26 : memref<!tpu.dma_semaphore, #tpu.memory_space<semaphore_mem>>) {add = true}
    %scan3A = arith.constant 0 : i32
    %scan3A_158 = arith.constant 0 : i32
    %scan3A_159 = arith.constant 40 : i32
    %scan3A_160 = arith.addi %scan3A_158, %scan3A_159 : i32
    %scan3A_161 = arith.constant 1 : i32
    scf.for %scan3A_190 = %scan3A_158 to %scan3A_160 step %scan3A_161  : i32 {
      %mul3A_191 = arith.constant 3 : i32
      %mul3A_192 = arith.muli %mul3A_191, %scan3A_190 : i32
      %add3A_193 = arith.constant 5 : i32
      %add3A_194 = arith.addi %add3A_193, %mul3A_192 : i32
      %dma_wait3A_195 = arith.constant 0 : i32
      %dma_wait3A_196 = arith.constant 0 : i32
      %dma_wait3A_197 = tpu.memref_slice %arg16[%dma_wait3A_195, %dma_wait3A_196] : memref<10240x128xf32, #tpu.memory_space<vmem_shared>> -> memref<10240x128xf32, #tpu.memory_space<vmem_shared>>
      tpu.wait_indirect_dma semaphore(%arg28 : memref<!tpu.dma_semaphore, #tpu.memory_space<semaphore_mem>>) src(%arg15 : memref<80x128xf32, #tpu.memory_space<vmem>>) dst(%dma_wait3A_197 : memref<10240x128xf32, #tpu.memory_space<vmem_shared>>)
      %add3A_198 = arith.constant 320000 : i32
      %add3A_199 = arith.addi %add3A_198, %mul3A_20 : i32
      %mul3A_200 = arith.constant 80 : i32
      %mul3A_201 = arith.muli %add3A_194, %mul3A_200 : i32
      %add3A_202 = arith.addi %add3A_199, %mul3A_201 : i32
      %dma_start3A_203 = tpu.memref_slice %arg3[%add3A_202] : memref<640000xi32, #tpu.memory_space<hbm>> -> memref<80xi32, #tpu.memory_space<hbm>>
      %dma_start3A_204 = tpu.memref_slice %arg3[%add3A_202] : memref<640000xi32, #tpu.memory_space<hbm>> -> memref<80xi32, #tpu.memory_space<hbm>>
      tpu.enqueue_dma source(%dma_start3A_204 : memref<80xi32, #tpu.memory_space<hbm>>) target(%arg12 : memref<80xi32, #tpu.memory_space<vmem>>) target_semaphore(%arg22 : memref<!tpu.dma_semaphore, #tpu.memory_space<semaphore_mem>>)
      %dma_wait3A_205 = arith.constant 0 : i32
      %dma_wait3A_206 = tpu.memref_slice %arg3[%dma_wait3A_205] : memref<640000xi32, #tpu.memory_space<hbm>> -> memref<80xi32, #tpu.memory_space<hbm>>
      %dma_wait3A_207 = arith.constant 0 : i32
      %dma_wait3A_208 = tpu.memref_slice %arg3[%dma_wait3A_207] : memref<640000xi32, #tpu.memory_space<hbm>> -> memref<80xi32, #tpu.memory_space<hbm>>
      tpu.wait_dma2 semaphore(%arg19 : memref<!tpu.dma_semaphore, #tpu.memory_space<semaphore_mem>>) src(%dma_wait3A_208 : memref<80xi32, #tpu.memory_space<hbm>>) dst(%arg9 : memref<80xi32, #tpu.memory_space<vmem>>)
      %dma_start3A_209 = arith.constant 0 : i32
      %dma_start3A_210 = arith.constant 0 : i32
      %dma_start3A_211 = tpu.memref_slice %arg2[%dma_start3A_209, %dma_start3A_210] : memref<10000x128xf32, #tpu.memory_space<hbm>> -> memref<10000x128xf32, #tpu.memory_space<hbm>>
      tpu.enqueue_indirect_dma source(%dma_start3A_211 : memref<10000x128xf32, #tpu.memory_space<hbm>>) target(%arg15 : memref<80x128xf32, #tpu.memory_space<vmem>>) offsets(%arg9 : memref<80xi32, #tpu.memory_space<vmem>>) semaphore(%arg25 : memref<!tpu.dma_semaphore, #tpu.memory_space<semaphore_mem>>)
      %dma_wait3A_212 = arith.constant 0 : i32
      %dma_wait3A_213 = arith.constant 0 : i32
      %dma_wait3A_214 = tpu.memref_slice %arg2[%dma_wait3A_212, %dma_wait3A_213] : memref<10000x128xf32, #tpu.memory_space<hbm>> -> memref<10000x128xf32, #tpu.memory_space<hbm>>
      tpu.wait_indirect_dma semaphore(%arg24 : memref<!tpu.dma_semaphore, #tpu.memory_space<semaphore_mem>>) src(%dma_wait3A_214 : memref<10000x128xf32, #tpu.memory_space<hbm>>) dst(%arg14 : memref<80x128xf32, #tpu.memory_space<vmem>>)
      %add3A_215 = arith.constant 2 : i32
      %add3A_216 = arith.addi %add3A_194, %add3A_215 : i32
      %mul3A_217 = arith.constant 80 : i32
      %mul3A_218 = arith.muli %add3A_216, %mul3A_217 : i32
      %add3A_219 = arith.addi %mul3A_20, %mul3A_218 : i32
      %dma_start3A_220 = tpu.memref_slice %arg3[%add3A_219] : memref<640000xi32, #tpu.memory_space<hbm>> -> memref<80xi32, #tpu.memory_space<hbm>>
      %dma_start3A_221 = tpu.memref_slice %arg3[%add3A_219] : memref<640000xi32, #tpu.memory_space<hbm>> -> memref<80xi32, #tpu.memory_space<hbm>>
      tpu.enqueue_dma source(%dma_start3A_221 : memref<80xi32, #tpu.memory_space<hbm>>) target(%arg8 : memref<80xi32, #tpu.memory_space<vmem>>) target_semaphore(%arg18 : memref<!tpu.dma_semaphore, #tpu.memory_space<semaphore_mem>>)
      %dma_wait3A_222 = arith.constant 0 : i32
      %dma_wait3A_223 = tpu.memref_slice %arg3[%dma_wait3A_222] : memref<640000xi32, #tpu.memory_space<hbm>> -> memref<80xi32, #tpu.memory_space<hbm>>
      %dma_wait3A_224 = arith.constant 0 : i32
      %dma_wait3A_225 = tpu.memref_slice %arg3[%dma_wait3A_224] : memref<640000xi32, #tpu.memory_space<hbm>> -> memref<80xi32, #tpu.memory_space<hbm>>
      tpu.wait_dma2 semaphore(%arg21 : memref<!tpu.dma_semaphore, #tpu.memory_space<semaphore_mem>>) src(%dma_wait3A_225 : memref<80xi32, #tpu.memory_space<hbm>>) dst(%arg11 : memref<80xi32, #tpu.memory_space<vmem>>)
      %dma_start3A_226 = arith.constant 0 : i32
      %dma_start3A_227 = arith.constant 0 : i32
      %dma_start3A_228 = tpu.memref_slice %arg16[%dma_start3A_226, %dma_start3A_227] : memref<10240x128xf32, #tpu.memory_space<vmem_shared>> -> memref<10240x128xf32, #tpu.memory_space<vmem_shared>>
      tpu.enqueue_indirect_dma source(%arg14 : memref<80x128xf32, #tpu.memory_space<vmem>>) target(%dma_start3A_228 : memref<10240x128xf32, #tpu.memory_space<vmem_shared>>) offsets(%arg11 : memref<80xi32, #tpu.memory_space<vmem>>) semaphore(%arg27 : memref<!tpu.dma_semaphore, #tpu.memory_space<semaphore_mem>>) {add = true}
      %add3A_229 = arith.constant 1 : i32
      %add3A_230 = arith.addi %add3A_194, %add3A_229 : i32
      %lt3A = arith.constant 39 : i32
      %lt3A_231 = arith.cmpi slt, %scan3A_190, %lt3A : i32
      %dma_wait3A_232 = arith.constant 0 : i32
      %dma_wait3A_233 = arith.constant 0 : i32
      %dma_wait3A_234 = tpu.memref_slice %arg16[%dma_wait3A_232, %dma_wait3A_233] : memref<10240x128xf32, #tpu.memory_space<vmem_shared>> -> memref<10240x128xf32, #tpu.memory_space<vmem_shared>>
      tpu.wait_indirect_dma semaphore(%arg26 : memref<!tpu.dma_semaphore, #tpu.memory_space<semaphore_mem>>) src(%arg13 : memref<80x128xf32, #tpu.memory_space<vmem>>) dst(%dma_wait3A_234 : memref<10240x128xf32, #tpu.memory_space<vmem_shared>>)
      %add3A_235 = arith.constant 320000 : i32
      %add3A_236 = arith.addi %add3A_235, %mul3A_20 : i32
      %mul3A_237 = arith.constant 80 : i32
      %mul3A_238 = arith.muli %add3A_230, %mul3A_237 : i32
      %add3A_239 = arith.addi %add3A_236, %mul3A_238 : i32
      %dma_start3A_240 = tpu.memref_slice %arg3[%add3A_239] : memref<640000xi32, #tpu.memory_space<hbm>> -> memref<80xi32, #tpu.memory_space<hbm>>
      %dma_start3A_241 = tpu.memref_slice %arg3[%add3A_239] : memref<640000xi32, #tpu.memory_space<hbm>> -> memref<80xi32, #tpu.memory_space<hbm>>
      tpu.enqueue_dma source(%dma_start3A_241 : memref<80xi32, #tpu.memory_space<hbm>>) target(%arg10 : memref<80xi32, #tpu.memory_space<vmem>>) target_semaphore(%arg20 : memref<!tpu.dma_semaphore, #tpu.memory_space<semaphore_mem>>)
      %dma_wait3A_242 = arith.constant 0 : i32
      %dma_wait3A_243 = tpu.memref_slice %arg3[%dma_wait3A_242] : memref<640000xi32, #tpu.memory_space<hbm>> -> memref<80xi32, #tpu.memory_space<hbm>>
      %dma_wait3A_244 = arith.constant 0 : i32
      %dma_wait3A_245 = tpu.memref_slice %arg3[%dma_wait3A_244] : memref<640000xi32, #tpu.memory_space<hbm>> -> memref<80xi32, #tpu.memory_space<hbm>>
      tpu.wait_dma2 semaphore(%arg17 : memref<!tpu.dma_semaphore, #tpu.memory_space<semaphore_mem>>) src(%dma_wait3A_245 : memref<80xi32, #tpu.memory_space<hbm>>) dst(%arg7 : memref<80xi32, #tpu.memory_space<vmem>>)
      %dma_start3A_246 = arith.constant 0 : i32
      %dma_start3A_247 = arith.constant 0 : i32
      %dma_start3A_248 = tpu.memref_slice %arg2[%dma_start3A_246, %dma_start3A_247] : memref<10000x128xf32, #tpu.memory_space<hbm>> -> memref<10000x128xf32, #tpu.memory_space<hbm>>
      tpu.enqueue_indirect_dma source(%dma_start3A_248 : memref<10000x128xf32, #tpu.memory_space<hbm>>) target(%arg13 : memref<80x128xf32, #tpu.memory_space<vmem>>) offsets(%arg7 : memref<80xi32, #tpu.memory_space<vmem>>) semaphore(%arg23 : memref<!tpu.dma_semaphore, #tpu.memory_space<semaphore_mem>>)
      %dma_wait3A_249 = arith.constant 0 : i32
      %dma_wait3A_250 = arith.constant 0 : i32
      %dma_wait3A_251 = tpu.memref_slice %arg2[%dma_wait3A_249, %dma_wait3A_250] : memref<10000x128xf32, #tpu.memory_space<hbm>> -> memref<10000x128xf32, #tpu.memory_space<hbm>>
      tpu.wait_indirect_dma semaphore(%arg25 : memref<!tpu.dma_semaphore, #tpu.memory_space<semaphore_mem>>) src(%dma_wait3A_251 : memref<10000x128xf32, #tpu.memory_space<hbm>>) dst(%arg15 : memref<80x128xf32, #tpu.memory_space<vmem>>)
      %convert_element_type3A_252 = arith.extui %lt3A_231 : i1 to i32
      %cond3A_253 = arith.constant 0 : i32
      %cond3A_254 = arith.cmpi ne, %convert_element_type3A_252, %cond3A_253 : i32
      scf.if %cond3A_254 {
        %add3A_296 = arith.constant 2 : i32
        %add3A_297 = arith.addi %add3A_230, %add3A_296 : i32
        %mul3A_298 = arith.constant 80 : i32
        %mul3A_299 = arith.muli %add3A_297, %mul3A_298 : i32
        %add3A_300 = arith.addi %mul3A_20, %mul3A_299 : i32
        %dma_start3A_301 = tpu.memref_slice %arg3[%add3A_300] : memref<640000xi32, #tpu.memory_space<hbm>> -> memref<80xi32, #tpu.memory_space<hbm>>
        %dma_start3A_302 = tpu.memref_slice %arg3[%add3A_300] : memref<640000xi32, #tpu.memory_space<hbm>> -> memref<80xi32, #tpu.memory_space<hbm>>
        tpu.enqueue_dma source(%dma_start3A_302 : memref<80xi32, #tpu.memory_space<hbm>>) target(%arg9 : memref<80xi32, #tpu.memory_space<vmem>>) target_semaphore(%arg19 : memref<!tpu.dma_semaphore, #tpu.memory_space<semaphore_mem>>)
      } else {
      }
      %dma_wait3A_255 = arith.constant 0 : i32
      %dma_wait3A_256 = tpu.memref_slice %arg3[%dma_wait3A_255] : memref<640000xi32, #tpu.memory_space<hbm>> -> memref<80xi32, #tpu.memory_space<hbm>>
      %dma_wait3A_257 = arith.constant 0 : i32
      %dma_wait3A_258 = tpu.memref_slice %arg3[%dma_wait3A_257] : memref<640000xi32, #tpu.memory_space<hbm>> -> memref<80xi32, #tpu.memory_space<hbm>>
      tpu.wait_dma2 semaphore(%arg22 : memref<!tpu.dma_semaphore, #tpu.memory_space<semaphore_mem>>) src(%dma_wait3A_258 : memref<80xi32, #tpu.memory_space<hbm>>) dst(%arg12 : memref<80xi32, #tpu.memory_space<vmem>>)
      %dma_start3A_259 = arith.constant 0 : i32
      %dma_start3A_260 = arith.constant 0 : i32
      %dma_start3A_261 = tpu.memref_slice %arg16[%dma_start3A_259, %dma_start3A_260] : memref<10240x128xf32, #tpu.memory_space<vmem_shared>> -> memref<10240x128xf32, #tpu.memory_space<vmem_shared>>
      tpu.enqueue_indirect_dma source(%arg15 : memref<80x128xf32, #tpu.memory_space<vmem>>) target(%dma_start3A_261 : memref<10240x128xf32, #tpu.memory_space<vmem_shared>>) offsets(%arg12 : memref<80xi32, #tpu.memory_space<vmem>>) semaphore(%arg28 : memref<!tpu.dma_semaphore, #tpu.memory_space<semaphore_mem>>) {add = true}
      %add3A_262 = arith.constant 2 : i32
      %add3A_263 = arith.addi %add3A_194, %add3A_262 : i32
      %lt3A_264 = arith.constant 39 : i32
      %lt3A_265 = arith.cmpi slt, %scan3A_190, %lt3A_264 : i32
      %dma_wait3A_266 = arith.constant 0 : i32
      %dma_wait3A_267 = arith.constant 0 : i32
      %dma_wait3A_268 = tpu.memref_slice %arg16[%dma_wait3A_266, %dma_wait3A_267] : memref<10240x128xf32, #tpu.memory_space<vmem_shared>> -> memref<10240x128xf32, #tpu.memory_space<vmem_shared>>
      tpu.wait_indirect_dma semaphore(%arg27 : memref<!tpu.dma_semaphore, #tpu.memory_space<semaphore_mem>>) src(%arg14 : memref<80x128xf32, #tpu.memory_space<vmem>>) dst(%dma_wait3A_268 : memref<10240x128xf32, #tpu.memory_space<vmem_shared>>)
      %add3A_269 = arith.constant 320000 : i32
      %add3A_270 = arith.addi %add3A_269, %mul3A_20 : i32
      %mul3A_271 = arith.constant 80 : i32
      %mul3A_272 = arith.muli %add3A_263, %mul3A_271 : i32
      %add3A_273 = arith.addi %add3A_270, %mul3A_272 : i32
      %dma_start3A_274 = tpu.memref_slice %arg3[%add3A_273] : memref<640000xi32, #tpu.memory_space<hbm>> -> memref<80xi32, #tpu.memory_space<hbm>>
      %dma_start3A_275 = tpu.memref_slice %arg3[%add3A_273] : memref<640000xi32, #tpu.memory_space<hbm>> -> memref<80xi32, #tpu.memory_space<hbm>>
      tpu.enqueue_dma source(%dma_start3A_275 : memref<80xi32, #tpu.memory_space<hbm>>) target(%arg11 : memref<80xi32, #tpu.memory_space<vmem>>) target_semaphore(%arg21 : memref<!tpu.dma_semaphore, #tpu.memory_space<semaphore_mem>>)
      %dma_wait3A_276 = arith.constant 0 : i32
      %dma_wait3A_277 = tpu.memref_slice %arg3[%dma_wait3A_276] : memref<640000xi32, #tpu.memory_space<hbm>> -> memref<80xi32, #tpu.memory_space<hbm>>
      %dma_wait3A_278 = arith.constant 0 : i32
      %dma_wait3A_279 = tpu.memref_slice %arg3[%dma_wait3A_278] : memref<640000xi32, #tpu.memory_space<hbm>> -> memref<80xi32, #tpu.memory_space<hbm>>
      tpu.wait_dma2 semaphore(%arg18 : memref<!tpu.dma_semaphore, #tpu.memory_space<semaphore_mem>>) src(%dma_wait3A_279 : memref<80xi32, #tpu.memory_space<hbm>>) dst(%arg8 : memref<80xi32, #tpu.memory_space<vmem>>)
      %dma_start3A_280 = arith.constant 0 : i32
      %dma_start3A_281 = arith.constant 0 : i32
      %dma_start3A_282 = tpu.memref_slice %arg2[%dma_start3A_280, %dma_start3A_281] : memref<10000x128xf32, #tpu.memory_space<hbm>> -> memref<10000x128xf32, #tpu.memory_space<hbm>>
      tpu.enqueue_indirect_dma source(%dma_start3A_282 : memref<10000x128xf32, #tpu.memory_space<hbm>>) target(%arg14 : memref<80x128xf32, #tpu.memory_space<vmem>>) offsets(%arg8 : memref<80xi32, #tpu.memory_space<vmem>>) semaphore(%arg24 : memref<!tpu.dma_semaphore, #tpu.memory_space<semaphore_mem>>)
      %dma_wait3A_283 = arith.constant 0 : i32
      %dma_wait3A_284 = arith.constant 0 : i32
      %dma_wait3A_285 = tpu.memref_slice %arg2[%dma_wait3A_283, %dma_wait3A_284] : memref<10000x128xf32, #tpu.memory_space<hbm>> -> memref<10000x128xf32, #tpu.memory_space<hbm>>
      tpu.wait_indirect_dma semaphore(%arg23 : memref<!tpu.dma_semaphore, #tpu.memory_space<semaphore_mem>>) src(%dma_wait3A_285 : memref<10000x128xf32, #tpu.memory_space<hbm>>) dst(%arg13 : memref<80x128xf32, #tpu.memory_space<vmem>>)
      %convert_element_type3A_286 = arith.extui %lt3A_265 : i1 to i32
      %cond3A_287 = arith.constant 0 : i32
      %cond3A_288 = arith.cmpi ne, %convert_element_type3A_286, %cond3A_287 : i32
      scf.if %cond3A_288 {
        %add3A_296 = arith.constant 2 : i32
        %add3A_297 = arith.addi %add3A_263, %add3A_296 : i32
        %mul3A_298 = arith.constant 80 : i32
        %mul3A_299 = arith.muli %add3A_297, %mul3A_298 : i32
        %add3A_300 = arith.addi %mul3A_20, %mul3A_299 : i32
        %dma_start3A_301 = tpu.memref_slice %arg3[%add3A_300] : memref<640000xi32, #tpu.memory_space<hbm>> -> memref<80xi32, #tpu.memory_space<hbm>>
        %dma_start3A_302 = tpu.memref_slice %arg3[%add3A_300] : memref<640000xi32, #tpu.memory_space<hbm>> -> memref<80xi32, #tpu.memory_space<hbm>>
        tpu.enqueue_dma source(%dma_start3A_302 : memref<80xi32, #tpu.memory_space<hbm>>) target(%arg7 : memref<80xi32, #tpu.memory_space<vmem>>) target_semaphore(%arg17 : memref<!tpu.dma_semaphore, #tpu.memory_space<semaphore_mem>>)
      } else {
      }
      %dma_wait3A_289 = arith.constant 0 : i32
      %dma_wait3A_290 = tpu.memref_slice %arg3[%dma_wait3A_289] : memref<640000xi32, #tpu.memory_space<hbm>> -> memref<80xi32, #tpu.memory_space<hbm>>
      %dma_wait3A_291 = arith.constant 0 : i32
      %dma_wait3A_292 = tpu.memref_slice %arg3[%dma_wait3A_291] : memref<640000xi32, #tpu.memory_space<hbm>> -> memref<80xi32, #tpu.memory_space<hbm>>
      tpu.wait_dma2 semaphore(%arg20 : memref<!tpu.dma_semaphore, #tpu.memory_space<semaphore_mem>>) src(%dma_wait3A_292 : memref<80xi32, #tpu.memory_space<hbm>>) dst(%arg10 : memref<80xi32, #tpu.memory_space<vmem>>)
      %dma_start3A_293 = arith.constant 0 : i32
      %dma_start3A_294 = arith.constant 0 : i32
      %dma_start3A_295 = tpu.memref_slice %arg16[%dma_start3A_293, %dma_start3A_294] : memref<10240x128xf32, #tpu.memory_space<vmem_shared>> -> memref<10240x128xf32, #tpu.memory_space<vmem_shared>>
      tpu.enqueue_indirect_dma source(%arg13 : memref<80x128xf32, #tpu.memory_space<vmem>>) target(%dma_start3A_295 : memref<10240x128xf32, #tpu.memory_space<vmem_shared>>) offsets(%arg10 : memref<80xi32, #tpu.memory_space<vmem>>) semaphore(%arg26 : memref<!tpu.dma_semaphore, #tpu.memory_space<semaphore_mem>>) {add = true}
    }
    %scan3A_162 = arith.constant 40 : i32
    %dma_wait3A_163 = arith.constant 0 : i32
    %dma_wait3A_164 = arith.constant 0 : i32
    %dma_wait3A_165 = tpu.memref_slice %arg2[%dma_wait3A_163, %dma_wait3A_164] : memref<10000x128xf32, #tpu.memory_space<hbm>> -> memref<10000x128xf32, #tpu.memory_space<hbm>>
    tpu.wait_indirect_dma semaphore(%arg24 : memref<!tpu.dma_semaphore, #tpu.memory_space<semaphore_mem>>) src(%dma_wait3A_165 : memref<10000x128xf32, #tpu.memory_space<hbm>>) dst(%arg14 : memref<80x128xf32, #tpu.memory_space<vmem>>)
    %dma_wait3A_166 = arith.constant 0 : i32
    %dma_wait3A_167 = tpu.memref_slice %arg3[%dma_wait3A_166] : memref<640000xi32, #tpu.memory_space<hbm>> -> memref<80xi32, #tpu.memory_space<hbm>>
    %dma_wait3A_168 = arith.constant 0 : i32
    %dma_wait3A_169 = tpu.memref_slice %arg3[%dma_wait3A_168] : memref<640000xi32, #tpu.memory_space<hbm>> -> memref<80xi32, #tpu.memory_space<hbm>>
    tpu.wait_dma2 semaphore(%arg21 : memref<!tpu.dma_semaphore, #tpu.memory_space<semaphore_mem>>) src(%dma_wait3A_169 : memref<80xi32, #tpu.memory_space<hbm>>) dst(%arg11 : memref<80xi32, #tpu.memory_space<vmem>>)
    %dma_start3A_170 = arith.constant 0 : i32
    %dma_start3A_171 = arith.constant 0 : i32
    %dma_start3A_172 = tpu.memref_slice %arg16[%dma_start3A_170, %dma_start3A_171] : memref<10240x128xf32, #tpu.memory_space<vmem_shared>> -> memref<10240x128xf32, #tpu.memory_space<vmem_shared>>
    tpu.enqueue_indirect_dma source(%arg14 : memref<80x128xf32, #tpu.memory_space<vmem>>) target(%dma_start3A_172 : memref<10240x128xf32, #tpu.memory_space<vmem_shared>>) offsets(%arg11 : memref<80xi32, #tpu.memory_space<vmem>>) semaphore(%arg27 : memref<!tpu.dma_semaphore, #tpu.memory_space<semaphore_mem>>) {add = true}
    %dma_wait3A_173 = arith.constant 0 : i32
    %dma_wait3A_174 = arith.constant 0 : i32
    %dma_wait3A_175 = tpu.memref_slice %arg16[%dma_wait3A_173, %dma_wait3A_174] : memref<10240x128xf32, #tpu.memory_space<vmem_shared>> -> memref<10240x128xf32, #tpu.memory_space<vmem_shared>>
    tpu.wait_indirect_dma semaphore(%arg28 : memref<!tpu.dma_semaphore, #tpu.memory_space<semaphore_mem>>) src(%arg15 : memref<80x128xf32, #tpu.memory_space<vmem>>) dst(%dma_wait3A_175 : memref<10240x128xf32, #tpu.memory_space<vmem_shared>>)
    %dma_wait3A_176 = arith.constant 0 : i32
    %dma_wait3A_177 = arith.constant 0 : i32
    %dma_wait3A_178 = tpu.memref_slice %arg16[%dma_wait3A_176, %dma_wait3A_177] : memref<10240x128xf32, #tpu.memory_space<vmem_shared>> -> memref<10240x128xf32, #tpu.memory_space<vmem_shared>>
    tpu.wait_indirect_dma semaphore(%arg26 : memref<!tpu.dma_semaphore, #tpu.memory_space<semaphore_mem>>) src(%arg13 : memref<80x128xf32, #tpu.memory_space<vmem>>) dst(%dma_wait3A_178 : memref<10240x128xf32, #tpu.memory_space<vmem_shared>>)
    %dma_wait3A_179 = arith.constant 0 : i32
    %dma_wait3A_180 = arith.constant 0 : i32
    %dma_wait3A_181 = tpu.memref_slice %arg16[%dma_wait3A_179, %dma_wait3A_180] : memref<10240x128xf32, #tpu.memory_space<vmem_shared>> -> memref<10240x128xf32, #tpu.memory_space<vmem_shared>>
    tpu.wait_indirect_dma semaphore(%arg27 : memref<!tpu.dma_semaphore, #tpu.memory_space<semaphore_mem>>) src(%arg14 : memref<80x128xf32, #tpu.memory_space<vmem>>) dst(%dma_wait3A_181 : memref<10240x128xf32, #tpu.memory_space<vmem_shared>>)
    %barrier3A_182 = arith.constant 0 : index
    tpu.barrier barrier_id(%barrier3A_182)
    %eq3A = arith.constant 0 : i32
    %eq3A_183 = arith.cmpi eq, %arg0, %eq3A : i32
    %convert_element_type3A = arith.extui %eq3A_183 : i1 to i32
    %cond3A = arith.constant 0 : i32
    %cond3A_184 = arith.cmpi ne, %convert_element_type3A, %cond3A : i32
    scf.if %cond3A_184 {
      "tpu.region"() ({
        %run_scoped3A = tpu.sem_alloc : memref<!tpu.dma_semaphore, #tpu.memory_space<semaphore_mem>>
        %dma_start3A_190 = arith.constant 0 : i32
        %dma_start3A_191 = tpu.memref_slice %arg5[%mul3A_2, %dma_start3A_190] : memref<10240x128xf32, #tpu.memory_space<hbm>> -> memref<640x128xf32, #tpu.memory_space<hbm>>
        %dma_start3A_192 = arith.constant 0 : i32
        %dma_start3A_193 = tpu.memref_slice %arg16[%mul3A_2, %dma_start3A_192] : memref<10240x128xf32, #tpu.memory_space<vmem_shared>> -> memref<640x128xf32, #tpu.memory_space<vmem_shared>>
        tpu.enqueue_dma source(%dma_start3A_193 : memref<640x128xf32, #tpu.memory_space<vmem_shared>>) target(%dma_start3A_191 : memref<640x128xf32, #tpu.memory_space<hbm>>) target_semaphore(%run_scoped3A : memref<!tpu.dma_semaphore, #tpu.memory_space<semaphore_mem>>)
        %dma_wait3A_194 = arith.constant 0 : i32
        %dma_wait3A_195 = tpu.memref_slice %arg5[%mul3A_2, %dma_wait3A_194] : memref<10240x128xf32, #tpu.memory_space<hbm>> -> memref<640x128xf32, #tpu.memory_space<hbm>>
        %dma_wait3A_196 = arith.constant 0 : i32
        %dma_wait3A_197 = tpu.memref_slice %arg16[%mul3A_2, %dma_wait3A_196] : memref<10240x128xf32, #tpu.memory_space<vmem_shared>> -> memref<640x128xf32, #tpu.memory_space<vmem_shared>>
        tpu.wait_dma2 semaphore(%run_scoped3A : memref<!tpu.dma_semaphore, #tpu.memory_space<semaphore_mem>>) src(%dma_wait3A_197 : memref<640x128xf32, #tpu.memory_space<vmem_shared>>) dst(%dma_wait3A_195 : memref<640x128xf32, #tpu.memory_space<hbm>>)
        tpu.yield
      }) : () -> ()
    } else {
    }
    %eq3A_185 = arith.constant 1 : i32
    %eq3A_186 = arith.cmpi eq, %arg0, %eq3A_185 : i32
    %convert_element_type3A_187 = arith.extui %eq3A_186 : i1 to i32
    %cond3A_188 = arith.constant 0 : i32
    %cond3A_189 = arith.cmpi ne, %convert_element_type3A_187, %cond3A_188 : i32
    scf.if %cond3A_189 {
      "tpu.region"() ({
        %run_scoped3A = tpu.sem_alloc : memref<!tpu.dma_semaphore, #tpu.memory_space<semaphore_mem>>
        %dma_start3A_190 = arith.constant 0 : i32
        %dma_start3A_191 = tpu.memref_slice %arg6[%mul3A_2, %dma_start3A_190] : memref<10240x128xf32, #tpu.memory_space<hbm>> -> memref<640x128xf32, #tpu.memory_space<hbm>>
        %dma_start3A_192 = arith.constant 0 : i32
        %dma_start3A_193 = tpu.memref_slice %arg16[%mul3A_2, %dma_start3A_192] : memref<10240x128xf32, #tpu.memory_space<vmem_shared>> -> memref<640x128xf32, #tpu.memory_space<vmem_shared>>
        tpu.enqueue_dma source(%dma_start3A_193 : memref<640x128xf32, #tpu.memory_space<vmem_shared>>) target(%dma_start3A_191 : memref<640x128xf32, #tpu.memory_space<hbm>>) target_semaphore(%run_scoped3A : memref<!tpu.dma_semaphore, #tpu.memory_space<semaphore_mem>>)
        %dma_wait3A_194 = arith.constant 0 : i32
        %dma_wait3A_195 = tpu.memref_slice %arg6[%mul3A_2, %dma_wait3A_194] : memref<10240x128xf32, #tpu.memory_space<hbm>> -> memref<640x128xf32, #tpu.memory_space<hbm>>
        %dma_wait3A_196 = arith.constant 0 : i32
        %dma_wait3A_197 = tpu.memref_slice %arg16[%mul3A_2, %dma_wait3A_196] : memref<10240x128xf32, #tpu.memory_space<vmem_shared>> -> memref<640x128xf32, #tpu.memory_space<vmem_shared>>
        tpu.wait_dma2 semaphore(%run_scoped3A : memref<!tpu.dma_semaphore, #tpu.memory_space<semaphore_mem>>) src(%dma_wait3A_197 : memref<640x128xf32, #tpu.memory_space<vmem_shared>>) dst(%dma_wait3A_195 : memref<640x128xf32, #tpu.memory_space<hbm>>)
        tpu.yield
      }) : () -> ()
    } else {
    }
    return
  }
}

module attributes {stable_mosaic.version = 14 : i64} {
  func.func @body(%arg0: i32, %arg1: memref<2000x128xf32, #tpu.memory_space<vmem>>, %arg2: memref<2000x128xf32, #tpu.memory_space<vmem>>, %arg3: memref<2000x128xf32, #tpu.memory_space<vmem>>, %arg4: memref<128x128xf32, #tpu.memory_space<vmem>>, %arg5: memref<128x128xf32, #tpu.memory_space<vmem>>, %arg6: memref<1x128xf32, #tpu.memory_space<vmem>>, %arg7: memref<2000x128xf32, #tpu.memory_space<vmem>>) attributes {dimension_semantics = [#tpu.dimension_semantics<arbitrary>], iteration_bounds = array<i64: 5>, scalar_prefetch = 0 : i64, scratch_operands = 0 : i64, tpu.core_type = #tpu.core_type<tc>, window_params = [{transform_indices = @transform_0, window_bounds = array<i64: 2000, 128>}, {transform_indices = @transform_1, window_bounds = array<i64: 2000, 128>}, {transform_indices = @transform_2, window_bounds = array<i64: 2000, 128>}, {pipeline_mode = #tpu.pipeline_mode<synchronous>, transform_indices = @transform_3, window_bounds = array<i64: 128, 128>}, {pipeline_mode = #tpu.pipeline_mode<synchronous>, transform_indices = @transform_4, window_bounds = array<i64: 128, 128>}, {pipeline_mode = #tpu.pipeline_mode<synchronous>, transform_indices = @transform_5, window_bounds = array<i64: 1, 128>}, {transform_indices = @transform_6, window_bounds = array<i64: 2000, 128>}]} {
    %get3A = arith.constant 0 : index
    %get3A_0 = arith.constant 0 : index
    %get3A_1 = vector.load %arg2[%get3A, %get3A_0] : memref<2000x128xf32, #tpu.memory_space<vmem>>, vector<2000x128xf32>
    %get3A_2 = arith.constant 0 : index
    %get3A_3 = arith.constant 0 : index
    %get3A_4 = vector.load %arg3[%get3A_2, %get3A_3] : memref<2000x128xf32, #tpu.memory_space<vmem>>, vector<2000x128xf32>
    %add3A = arith.addf %get3A_1, %get3A_4 : vector<2000x128xf32>
    %get3A_5 = arith.constant 0 : index
    %get3A_6 = arith.constant 0 : index
    %get3A_7 = vector.load %arg1[%get3A_5, %get3A_6] : memref<2000x128xf32, #tpu.memory_space<vmem>>, vector<2000x128xf32>
    %get3A_8 = arith.constant 0 : index
    %get3A_9 = arith.constant 0 : index
    %get3A_10 = vector.load %arg4[%get3A_8, %get3A_9] : memref<128x128xf32, #tpu.memory_space<vmem>>, vector<128x128xf32>
    %dot_general3A = arith.constant dense<0.000000e+00> : vector<2000x128xf32>
    %dot_general3A_11 = tpu.matmul %get3A_7, %get3A_10, %dot_general3A {dimension_numbers = #tpu.dot_dimension_numbers<[1], [0], [0], [1], [0, 0, 1, 1], [], []>, transpose_lhs_hint = false} : vector<2000x128xf32>, vector<128x128xf32>, vector<2000x128xf32> -> vector<2000x128xf32>
    %get3A_12 = arith.constant 0 : index
    %get3A_13 = arith.constant 0 : index
    %get3A_14 = vector.load %arg5[%get3A_12, %get3A_13] : memref<128x128xf32, #tpu.memory_space<vmem>>, vector<128x128xf32>
    %dot_general3A_15 = arith.constant dense<0.000000e+00> : vector<2000x128xf32>
    %dot_general3A_16 = tpu.matmul %add3A, %get3A_14, %dot_general3A_15 {dimension_numbers = #tpu.dot_dimension_numbers<[1], [0], [0], [1], [0, 0, 1, 1], [], []>, transpose_lhs_hint = false} : vector<2000x128xf32>, vector<128x128xf32>, vector<2000x128xf32> -> vector<2000x128xf32>
    %add3A_17 = arith.addf %dot_general3A_11, %dot_general3A_16 : vector<2000x128xf32>
    %get3A_18 = arith.constant 0 : index
    %get3A_19 = arith.constant 0 : index
    %get3A_20 = vector.load %arg6[%get3A_18, %get3A_19] : memref<1x128xf32, #tpu.memory_space<vmem>>, vector<1x128xf32>
    %add3A_21 = vector.broadcast %get3A_20 : vector<1x128xf32> to vector<2000x128xf32>
    %add3A_22 = arith.addf %add3A_17, %add3A_21 : vector<2000x128xf32>
    %max3A = arith.constant 0.000000e+00 : f32
    %max3A_23 = vector.broadcast %max3A : f32 to vector<2000x128xf32>
    %max3A_24 = arith.maximumf %add3A_22, %max3A_23 : vector<2000x128xf32>
    %swap3A = arith.constant 0 : index
    %swap3A_25 = arith.constant 0 : index
    %swap3A_26 = vector.load %arg7[%swap3A, %swap3A_25] : memref<2000x128xf32, #tpu.memory_space<vmem>>, vector<2000x128xf32>
    tpu.vector_store %arg7[%swap3A, %swap3A_25], %max3A_24 {strides = array<i32>} : memref<2000x128xf32, #tpu.memory_space<vmem>>, vector<2000x128xf32>,
    return
  }
  func.func @transform_0(%arg0: i32) -> (i32, i32) {
    %c0_i32 = arith.constant 0 : i32
    %c0_i32_0 = arith.constant 0 : i32
    return %arg0, %c0_i32 : i32, i32
  }
  func.func @transform_1(%arg0: i32) -> (i32, i32) {
    %c0_i32 = arith.constant 0 : i32
    %c0_i32_0 = arith.constant 0 : i32
    return %arg0, %c0_i32 : i32, i32
  }
  func.func @transform_2(%arg0: i32) -> (i32, i32) {
    %c0_i32 = arith.constant 0 : i32
    %c0_i32_0 = arith.constant 0 : i32
    return %arg0, %c0_i32 : i32, i32
  }
  func.func @transform_3(%arg0: i32) -> (i32, i32) {
    %c0_i32 = arith.constant 0 : i32
    %c0_i32_0 = arith.constant 0 : i32
    %c0_i32_1 = arith.constant 0 : i32
    return %c0_i32, %c0_i32_0 : i32, i32
  }
  func.func @transform_4(%arg0: i32) -> (i32, i32) {
    %c0_i32 = arith.constant 0 : i32
    %c0_i32_0 = arith.constant 0 : i32
    %c0_i32_1 = arith.constant 0 : i32
    return %c0_i32, %c0_i32_0 : i32, i32
  }
  func.func @transform_5(%arg0: i32) -> (i32, i32) {
    %c0_i32 = arith.constant 0 : i32
    %c0_i32_0 = arith.constant 0 : i32
    %c0_i32_1 = arith.constant 0 : i32
    return %c0_i32, %c0_i32_0 : i32, i32
  }
  func.func @transform_6(%arg0: i32) -> (i32, i32) {
    %c0_i32 = arith.constant 0 : i32
    %c0_i32_0 = arith.constant 0 : i32
    return %arg0, %c0_i32 : i32, i32
  }
}

module attributes {stable_mosaic.version = 14 : i64} {
  func.func @body(%arg0: i32, %arg1: memref<2000x128xf32, #tpu.memory_space<vmem>>, %arg2: memref<2000x128xf32, #tpu.memory_space<vmem>>, %arg3: memref<2000x128xf32, #tpu.memory_space<vmem>>, %arg4: memref<128x128xf32, #tpu.memory_space<vmem>>, %arg5: memref<128x128xf32, #tpu.memory_space<vmem>>, %arg6: memref<1x128xf32, #tpu.memory_space<vmem>>, %arg7: memref<2000x128xf32, #tpu.memory_space<vmem>>, %arg8: memref<2000x128xf32, #tpu.memory_space<vmem>>) attributes {dimension_semantics = [#tpu.dimension_semantics<arbitrary>], iteration_bounds = array<i64: 5>, scalar_prefetch = 0 : i64, scratch_operands = 0 : i64, tpu.core_type = #tpu.core_type<tc>, window_params = [{transform_indices = @transform_0, window_bounds = array<i64: 2000, 128>}, {transform_indices = @transform_1, window_bounds = array<i64: 2000, 128>}, {transform_indices = @transform_2, window_bounds = array<i64: 2000, 128>}, {pipeline_mode = #tpu.pipeline_mode<synchronous>, transform_indices = @transform_3, window_bounds = array<i64: 128, 128>}, {pipeline_mode = #tpu.pipeline_mode<synchronous>, transform_indices = @transform_4, window_bounds = array<i64: 128, 128>}, {pipeline_mode = #tpu.pipeline_mode<synchronous>, transform_indices = @transform_5, window_bounds = array<i64: 1, 128>}, {transform_indices = @transform_6, window_bounds = array<i64: 2000, 128>}, {transform_indices = @transform_7, window_bounds = array<i64: 2000, 128>}]} {
    %get3A = arith.constant 0 : index
    %get3A_0 = arith.constant 0 : index
    %get3A_1 = vector.load %arg2[%get3A, %get3A_0] : memref<2000x128xf32, #tpu.memory_space<vmem>>, vector<2000x128xf32>
    %get3A_2 = arith.constant 0 : index
    %get3A_3 = arith.constant 0 : index
    %get3A_4 = vector.load %arg3[%get3A_2, %get3A_3] : memref<2000x128xf32, #tpu.memory_space<vmem>>, vector<2000x128xf32>
    %add3A = arith.addf %get3A_1, %get3A_4 : vector<2000x128xf32>
    %get3A_5 = arith.constant 0 : index
    %get3A_6 = arith.constant 0 : index
    %get3A_7 = vector.load %arg1[%get3A_5, %get3A_6] : memref<2000x128xf32, #tpu.memory_space<vmem>>, vector<2000x128xf32>
    %get3A_8 = arith.constant 0 : index
    %get3A_9 = arith.constant 0 : index
    %get3A_10 = vector.load %arg4[%get3A_8, %get3A_9] : memref<128x128xf32, #tpu.memory_space<vmem>>, vector<128x128xf32>
    %dot_general3A = arith.constant dense<0.000000e+00> : vector<2000x128xf32>
    %dot_general3A_11 = tpu.matmul %get3A_7, %get3A_10, %dot_general3A {dimension_numbers = #tpu.dot_dimension_numbers<[1], [0], [0], [1], [0, 0, 1, 1], [], []>, transpose_lhs_hint = false} : vector<2000x128xf32>, vector<128x128xf32>, vector<2000x128xf32> -> vector<2000x128xf32>
    %get3A_12 = arith.constant 0 : index
    %get3A_13 = arith.constant 0 : index
    %get3A_14 = vector.load %arg5[%get3A_12, %get3A_13] : memref<128x128xf32, #tpu.memory_space<vmem>>, vector<128x128xf32>
    %dot_general3A_15 = arith.constant dense<0.000000e+00> : vector<2000x128xf32>
    %dot_general3A_16 = tpu.matmul %add3A, %get3A_14, %dot_general3A_15 {dimension_numbers = #tpu.dot_dimension_numbers<[1], [0], [0], [1], [0, 0, 1, 1], [], []>, transpose_lhs_hint = false} : vector<2000x128xf32>, vector<128x128xf32>, vector<2000x128xf32> -> vector<2000x128xf32>
    %add3A_17 = arith.addf %dot_general3A_11, %dot_general3A_16 : vector<2000x128xf32>
    %get3A_18 = arith.constant 0 : index
    %get3A_19 = arith.constant 0 : index
    %get3A_20 = vector.load %arg6[%get3A_18, %get3A_19] : memref<1x128xf32, #tpu.memory_space<vmem>>, vector<1x128xf32>
    %add3A_21 = vector.broadcast %get3A_20 : vector<1x128xf32> to vector<2000x128xf32>
    %add3A_22 = arith.addf %add3A_17, %add3A_21 : vector<2000x128xf32>
    %max3A = arith.constant 0.000000e+00 : f32
    %max3A_23 = vector.broadcast %max3A : f32 to vector<2000x128xf32>
    %max3A_24 = arith.maximumf %add3A_22, %max3A_23 : vector<2000x128xf32>
    %get3A_25 = arith.constant 0 : index
    %get3A_26 = arith.constant 0 : index
    %get3A_27 = vector.load %arg7[%get3A_25, %get3A_26] : memref<2000x128xf32, #tpu.memory_space<vmem>>, vector<2000x128xf32>
    %add3A_28 = arith.addf %max3A_24, %get3A_27 : vector<2000x128xf32>
    %swap3A = arith.constant 0 : index
    %swap3A_29 = arith.constant 0 : index
    %swap3A_30 = vector.load %arg8[%swap3A, %swap3A_29] : memref<2000x128xf32, #tpu.memory_space<vmem>>, vector<2000x128xf32>
    tpu.vector_store %arg8[%swap3A, %swap3A_29], %add3A_28 {strides = array<i32>} : memref<2000x128xf32, #tpu.memory_space<vmem>>, vector<2000x128xf32>,
    return
  }
  func.func @transform_0(%arg0: i32) -> (i32, i32) {
    %c0_i32 = arith.constant 0 : i32
    %c0_i32_0 = arith.constant 0 : i32
    return %arg0, %c0_i32 : i32, i32
  }
  func.func @transform_1(%arg0: i32) -> (i32, i32) {
    %c0_i32 = arith.constant 0 : i32
    %c0_i32_0 = arith.constant 0 : i32
    return %arg0, %c0_i32 : i32, i32
  }
  func.func @transform_2(%arg0: i32) -> (i32, i32) {
    %c0_i32 = arith.constant 0 : i32
    %c0_i32_0 = arith.constant 0 : i32
    return %arg0, %c0_i32 : i32, i32
  }
  func.func @transform_3(%arg0: i32) -> (i32, i32) {
    %c0_i32 = arith.constant 0 : i32
    %c0_i32_0 = arith.constant 0 : i32
    %c0_i32_1 = arith.constant 0 : i32
    return %c0_i32, %c0_i32_0 : i32, i32
  }
  func.func @transform_4(%arg0: i32) -> (i32, i32) {
    %c0_i32 = arith.constant 0 : i32
    %c0_i32_0 = arith.constant 0 : i32
    %c0_i32_1 = arith.constant 0 : i32
    return %c0_i32, %c0_i32_0 : i32, i32
  }
  func.func @transform_5(%arg0: i32) -> (i32, i32) {
    %c0_i32 = arith.constant 0 : i32
    %c0_i32_0 = arith.constant 0 : i32
    %c0_i32_1 = arith.constant 0 : i32
    return %c0_i32, %c0_i32_0 : i32, i32
  }
  func.func @transform_6(%arg0: i32) -> (i32, i32) {
    %c0_i32 = arith.constant 0 : i32
    %c0_i32_0 = arith.constant 0 : i32
    return %arg0, %c0_i32 : i32, i32
  }
  func.func @transform_7(%arg0: i32) -> (i32, i32) {
    %c0_i32 = arith.constant 0 : i32
    %c0_i32_0 = arith.constant 0 : i32
    return %arg0, %c0_i32 : i32, i32
  }
}

</mosaic_0001>

<sc_bundles>
// kernel: kernel.6.cloned.1.call-start
scs
__scs_entry_jumppad:
0x0: {  	(pc) =	sbr.rel $0x88, $3  }
0x1: {  	(tag) =	ssettag $0x0;
	lr =	simm.s32 $0x1  }
0x2: {  	[smem:$0x3F98] =	sst lr;
	_ =	strace $0xD0000000  }
0x3: {  	_ = 	snop  }
0x4: {  	_ = 	snop  }
0x5: {  	_ = 	snop  }
0x6: {  	_ = 	snop  }
0x7: {  	_ = 	snop  }
__scs_overlays_trampoline_lowered:
0x8: {  	[smem:$0x3FA7] =	sst s0  }
0x9: {  	[smem:$0x3FA8] =	sst s1  }
0xa: {  	[smem:$0x3FA9] =	sst s2  }
0xb: {  	[smem:$0x3FAA] =	sst s3  }
0xc: {  	[smem:$0x3FAB] =	sst s4  }
0xd: {  	[smem:$0x3FAC] =	sst s5  }
0xe: {  	[smem:$0x3FAD] =	sst s6  }
0xf: {  	[smem:$0x3FAE] =	sst s7  }
0x10: {  	[smem:$0x3FAF] =	sst s8  }
0x11: {  	[smem:$0x3FB0] =	sst s9;
	s0 =	simm.s32 @!p0 $0x0  }
0x12: {  	s1 =	sld [smem:$0x3F96];
	s0 =	simm.s32 @p0 $0x1  }
0x13: {  	[smem:$0x3FB1] =	sst s0;
	s0 =	simm.s32 @!p1 $0x0  }
0x14: {  	s2 =	sld [smem:$0x3F95];
	s0 =	simm.s32 @p1 $0x1  }
0x15: {  	[smem:$0x3FB2] =	sst s0;
	s0 =	simm.s32 @!p2 $0x0  }
0x16: {  	s3 =	sld [smem:$0x3FDB];
	s0 =	simm.s32 @p2 $0x1  }
0x17: {  	s4 =	simm.s32 $0x1BF5;
	[smem:$0x3FB4] =	sst s0  }
0x18: {  	s0 =	sld [smem:$0x3F97];
	_ =	swait.ge [sflag:s4], $0x0  }
0x19: {  	s7 =	sld [smem:$0x3F98]  }
0x1a: {  	s8 =	sadd.s32 $0xFFFFE003, lr  }
0x1b: {  	s9 =	sadd.s32 $0xFFFFFEF7, lr;
	s5 =	simm.s32 $0xFFFFFFFF;
	p2 =	slt.u32 s8, $0xFFFFF086  }
0x1c: {  	p1 =	slt.u32 s9, $0xF7A;
	s5 =	simm.s32 @!p2 $0x0  }
0x1d: {  	s5 =	simm.s32 @p1 $0x1;
	p0 =	seq.s32 s7, s2  }
0x1e: {  	s7 =	smul.u32 @!p0 $0xF7A, s2;
	p2 =	seq.s32 @!p0 s5, $0x0  }
0x1f: {  	s9 =	smul.u32 $0xF7A, s1;
	s8 =	simm.s32 @!p0 $0x1BF5;
	p2 =	por !p2, p0  }
0x20: {  	[sflag:s8] =	ssyncset.s32 @!p0 $0xFFFFF086;
	s6 =	sadd.s32 @!p0 s3, s7;
	s7 =	simm.s32 @!p0 $0x108  }
0x21: {  	s3 =	sadd.s32 s3, s9;
	s6 =	sadd.s32 @!p0 $0x88, s6;
	s7 =	simm.s32 @p2 $0x1082  }
0x22: {  	[simem:s7], [sflag:s8] =	dma.local @!p0 [hbm:s6], $0xF7A  }
0x23: {  	s9 =	sor.u32 $0xD0000000, s2;
	s6 =	simm.s32 $0x108;
	_ =	swait.ge @!p0 [sflag:s8], $0x0  }
0x24: {  	s3 =	sadd.s32 $0x88, s3;
	s6 =	simm.s32 @!p1 $0x1082;
	[sflag:s4] =	ssyncset.s32 $0xFFFFF086  }
0x25: {  	[simem:s6], [sflag:s4] =	dma.local [hbm:s3], $0xF7A  }
0x26: {  	[smem:$0x3F98] =	sst s1;
	(tag) =	ssettag s2;
	_ =	strace s9  }
0x27: {  	s1 =	sld [smem:$0x3FA8]  }
0x28: {  	s2 =	sld [smem:$0x3FA9]  }
0x29: {  	s4 =	sld [smem:$0x3FAB]  }
0x2a: {  	p0 =	seq.s32 s5, $0x0;
	s5 =	sld [smem:$0x3FAC]  }
0x2b: {  	s6 =	sld [smem:$0x3FAD]  }
0x2c: {  	s7 =	sld [smem:$0x3FAE]  }
0x2d: {  	s3 =	simm.s32 $0x108;
	s8 =	sld [smem:$0x3FAF]  }
0x2e: {  	s3 =	simm.s32 @!p0 $0x1082;
	s9 =	sld [smem:$0x3FB0]  }
0x2f: {  	lr =	sadd.s32 s0, s3;
	s0 =	sld [smem:$0x3FA7]  }
0x30: {  	s3 =	sld [smem:$0x3FAA]  }
0x31: {  	[smem:$0x3FB3] =	sst s10  }
0x32: {  	s10 =	sld [smem:$0x3FB1];
	_ =	sdelay $0x3  }
0x33: {  	p0 =	seq.s32 s10, $0x1;
	s10 =	sld [smem:$0x3FB3];
	_ =	sdelay $0x3  }
0x34: {  	[smem:$0x3FB3] =	sst s10  }
0x35: {  	s10 =	sld [smem:$0x3FB2];
	_ =	sdelay $0x3  }
0x36: {  	p1 =	seq.s32 s10, $0x1;
	s10 =	sld [smem:$0x3FB3];
	_ =	sdelay $0x3  }
0x37: {  	[smem:$0x3FB3] =	sst s10  }
0x38: {  	s10 =	sld [smem:$0x3FB4]  }
0x39: {  	_ = 	snop;
	(pc) =	sbr.ind lr, $3  }
0x3a: {  	_ = 	snop  }
0x3b: {  	_ = 	snop  }
0x3c: {  	p2 =	seq.s32 s10, $0x1;
	s10 =	sld [smem:$0x3FB3]  }
0x3d: {  	_ =	shalt  }
0x3e: {  	_ =	shalt  }
0x3f: {  	_ =	shalt  }
0x40: {  	_ =	shalt  }
0x41: {  	_ =	shalt  }
0x42: {  	_ =	shalt  }
0x43: {  	_ =	shalt  }
0x44: {  	_ =	shalt  }
0x45: {  	_ =	shalt  }
0x46: {  	_ =	shalt  }
0x47: {  	_ =	shalt  }
0x48: {  	_ =	shalt  }
0x49: {  	_ =	shalt  }
0x4a: {  	_ =	shalt  }
0x4b: {  	_ =	shalt  }
0x4c: {  	_ =	shalt  }
0x4d: {  	_ =	shalt  }
0x4e: {  	_ =	shalt  }
0x4f: {  	_ =	shalt  }
0x50: {  	_ =	shalt  }
0x51: {  	_ =	shalt  }
0x52: {  	_ =	shalt  }
0x53: {  	_ =	shalt  }
0x54: {  	_ =	shalt  }
0x55: {  	_ =	shalt  }
0x56: {  	_ =	shalt  }
0x57: {  	_ =	shalt  }
0x58: {  	_ =	shalt  }
0x59: {  	_ =	shalt  }
0x5a: {  	_ =	shalt  }
0x5b: {  	_ =	shalt  }
0x5c: {  	_ =	shalt  }
0x5d: {  	_ =	shalt  }
0x5e: {  	_ =	shalt  }
0x5f: {  	_ =	shalt  }
0x60: {  	_ =	shalt  }
0x61: {  	_ =	shalt  }
0x62: {  	_ =	shalt  }
0x63: {  	_ =	shalt  }
0x64: {  	_ =	shalt  }
0x65: {  	_ =	shalt  }
0x66: {  	_ =	shalt  }
0x67: {  	_ =	shalt  }
0x68: {  	_ =	shalt  }
0x69: {  	_ =	shalt  }
0x6a: {  	_ =	shalt  }
0x6b: {  	_ =	shalt  }
0x6c: {  	_ =	shalt  }
0x6d: {  	_ =	shalt  }
0x6e: {  	_ =	shalt  }
0x6f: {  	_ =	shalt  }
0x70: {  	_ =	shalt  }
0x71: {  	_ =	shalt  }
0x72: {  	_ =	shalt  }
0x73: {  	_ =	shalt  }
0x74: {  	_ =	shalt  }
0x75: {  	_ =	shalt  }
0x76: {  	_ =	shalt  }
0x77: {  	_ =	shalt  }
0x78: {  	_ =	shalt  }
0x79: {  	_ =	shalt  }
0x7a: {  	_ =	shalt  }
0x7b: {  	_ =	shalt  }
0x7c: {  	_ =	shalt  }
0x7d: {  	_ =	shalt  }
0x7e: {  	_ =	shalt  }
0x7f: {  	_ =	shalt  }
0x80: {  	_ =	shalt  }
0x81: {  	_ =	shalt  }
0x82: {  	_ =	shalt  }
0x83: {  	_ =	shalt  }
0x84: {  	_ =	shalt  }
0x85: {  	_ =	shalt  }
0x86: {  	_ =	shalt  }
0x87: {  	_ =	shalt  }
.Lfunc_end0:
.L_simem_size_0:
called_computation_lowered:
.L_overlay_start_0:
0x88: {  	s2 =	sld [smem:$0x3FD9]  }
0x89: {  	s3 =	sld [smem:$0x3FFE];
	_ =	sdelay $0x1  }
0x8a: {  	s1 =	srdreg.scid  }
0x8b: {  	s0 =	sand.u32 $0x1, s1  }
0x8c: {  	s17 =	sshll.u32 s0, $0xA;
	s2 =	sadd.s32 s3, s2  }
0x8d: {  	s2 =	sadd.s32 s2, s17  }
0x8e: {  	[smem:$0x3FBF] =	sst s2  }
0x8f: {  	_ = 	snop  }
0x90: {  	s2 =	sld [smem:$0x3FC9]  }
0x91: {  	s18 =	sld [smem:$0x3FD0];
	(tm) =	ssettm $0x1  }
0x92: {  	s4 =	sld [smem:$0x3FFB];
	_ =	sdelay $0x3  }
0x93: {  	_ =	strace s4  }
0x94: {  	s4 =	sld [smem:$0x3FFC];
	_ =	sdelay $0x3  }
0x95: {  	_ =	strace s4  }
0x96: {  	s4 =	sld [smem:$0x3FFD];
	_ =	sdelay $0x3  }
0x97: {  	_ =	strace s4  }
0x98: {  	_ =	strace $0x8FFFFFFF  }
0x99: {  	s19 =	sld [smem:$0x3FDB];
	_ =	sdelay $0x1  }
0x9a: {  	s5 =	simm.s32 $_scs_section_size  }
0x9b: {  	s6 =	simm.s32 $_size__tile_overlayer_lowered;
	s7 =	simm.s32 $_tile_overlayer_lowered  }
0x9c: {  	s22 =	simm.s32 $0x1BFF;
	s21 =	sshll.u32 s7, $0x1;
	s4 =	sadd.s32 s5, s19  }
0x9d: {  	s8 =	simm.s32 $0x0;
	s20 =	sshll.u32 s6, $0x1;
	s6 =	sadd.s32 s21, s4  }
0x9e: {  	[timem:s8], [sflag:s22] =	dma.local [hbm:s6], s20  }
0x9f: {  	_ =	swait.ge [sflag:s22], s20  }
0xa0: {  	s5 =	ssub.s32 $0x0, s20;
	[sflag:s22] =	ssyncset.done $0x0  }
0xa1: {  	[sflag:s22] =	ssyncadd.s32 s5;
	_ =	sdelay $0x1  }
0xa2: {  	s23 =	simm.s32 $0x1B8B  }
0xa3: {  	_ =	swait.ge [sflag:s23], $0x1  }
0xa4: {  	[sflag:s23] =	ssyncset.done $0x0  }
0xa5: {  	s25 =	simm.s32 $0x1B8E;
	s24 =	sld [smem:$0x3FFE];
	[sflag:s23] =	ssyncadd.s32 $0xFFFFFFFF  }
0xa6: {  	s26 =	simm.s32 $execute0_lowered;
	[smem:$0x3FD2] =	sst s25  }
0xa7: {  	s6 =	sshll.u32 s26, $0x1;
	_ =	strace $0x80000046;
	[dreg:$0x1] =	wrdreg $0xFFFFFFFF  }
0xa8: {  	s28 =	simm.s32 $_size_execute0_lowered;
	s4 =	sadd.s32 s4, s6;
	[dreg:$0x0] =	wrdreg $0x0  }
0xa9: {  	s6 =	sshll.u32 s28, $0x1;
	[dreg:$0x2] =	wrdreg s4  }
0xaa: {  	[dreg:$0x3] =	wrdreg s6  }
0xab: {  	[dreg:$0x4] =	wrdreg $0xC0  }
0xac: {  	_ =	task [dreg:s8], $0x5FFFF  }
0xad: {  	[dreg:$0x1] =	wrdreg $0xFFFFFFFF  }
0xae: {  	[dreg:$0x0] =	wrdreg $0x60  }
0xaf: {  	[dreg:$0x2] =	wrdreg s2  }
0xb0: {  	[dreg:$0x3] =	wrdreg s18  }
0xb1: {  	[dreg:$0x4] =	wrdreg s24  }
0xb2: {  	[dreg:$0x5] =	wrdreg $0x7B000  }
0xb3: {  	[dreg:$0x6] =	wrdreg $0x9  }
0xb4: {  	_ =	task.clear_ibuf [dreg:s8], $0x7FFFF;
	_ =	strace $0x90000046  }
0xb5: {  	s29 =	simm.s32 $0x9;
	_ =	strace $0x80000048  }
0xb6: {  	_ =	swait.ge [sflag:s29], $0x1  }
0xb7: {  	[sflag:s29] =	ssyncadd.s32 $0xFFFFFFFF  }
0xb8: {  	_ =	strace $0x90000048  }
0xb9: {  	_ =	sfence  }
0xba: {  	s30 =	sld [smem:$0x0];
	_ =	sdelay $0x2  }
0xbb: {  	s31 =	sshll.u32 s1, $0xD;
	s1 =	sshrl.u32 s1, $0x2  }
0xbc: {  	s3 =	sand.u32 $0x4000, s31;
	s1 =	sadd.s32 s1, s30  }
0xbd: {  	s0 =	sor.u32 s3, s0;
	s1 =	sshll.u32 s1, $0x11  }
0xbe: {  	s0 =	sor.u32 s1, s0  }
0xbf: {  	s0 =	sadd.s32 $0x8F2B, s0  }
0xc0: {  	[sflag:s0] =	ssyncadd.remote.s32 $0x1  }
0xc1: {  	_ =	sfence.sel $0xFFFF  }
0xc2: {  	[dreg:$0x0] =	wrdreg $0xFFFFFFFF;
	(pc) =	sbr.abs _section_cstart, $3  }
0xc3: {  	[dreg:$0x1] =	wrdreg $0xFFFFFFFF  }
0xc4: {  	_ =	task.clear_ibuf [dreg:s8], $0x2FFFF;
	_ =	strace $0x9FFFFFFF  }
0xc5: {  	(tm) =	ssettm $0x7FFFFFFF  }
tec
execute0_lowered:
.L_overlay_start_1:
0x0: {  	(tag) =	ssettag $0x1  }
0x1: {  	s1 =	rddreg [dreg:$0x0]  }
0x2: {  	s0 =	rddreg [dreg:$0x1]  }
0x3: {  	s2 =	rddreg [dreg:$0x2]  }
0x4: {  	s3 =	rddreg [dreg:$0x3];
	s4 =	simm.s32 $0x0;
	s5 =	srdreg.scid  }
0x5: {  	s11 =	stileid.u32;
	s29 =	simm.s32 $0x300;
	s30 =	simm.s32 $0xD  }
0x6: {  	s31 =	simm.s32 $0x180;
	[smem:$0x7FF] =	sst s4;
	s6 =	smul.u32 $0x50000, s11  }
0x7: {  	s5 =	sand.u32 $0x1, s5;
	s7 =	sadd.s32 $0x3200, s2;
	s19 =	smul.u32 $0x2710, s11  }
0x8: {  	_ =	strace $0x80000047;
	[dreg:$0xb] =	wrdreg s7;
	s28 =	ssub.s32 $0x2, s5  }
0x9: {  	s9 =	sshll.u32 s5, $0x4;
	s17 =	smul.u32 $0x27100, s5;
	s6 =	sshrl.u32 s6, $0x2  }
0xa: {  	p0 =	seq.s32 s5, $0x1;
	s5 =	simm.s32 $0x2B800;
	s25 =	sadd.s32 s6, s3  }
0xb: {  	s8 =	sshrl.u32 s28, $0x1;
	s6 =	sadd.s32 $0x2800, s25;
	[dreg:$0xc] =	wrdreg s25  }
0xc: {  	s10 =	sor.u32 s11, s9;
	s12 =	sadd.s32 $0x5000, s25;
	[dreg:$0xd] =	wrdreg s6  }
0xd: {  	s5 =	simm.s32 @!p0 $0x3800;
	s13 =	sadd.s32 $0x7800, s25;
	[dreg:$0xe] =	wrdreg s12  }
0xe: {  	s7 =	ssub.s32 s28, s8;
	s14 =	sadd.s32 $0xA000, s25;
	[dreg:$0xf] =	wrdreg s13  }
0xf: {  	s8 =	smul.u32 $0x2710, s10;
	s15 =	sadd.s32 $0xC800, s25;
	[dreg:$0x10] =	wrdreg s14  }
0x10: {  	s2 =	sadd.s32 s5, s2;
	s16 =	sadd.s32 $0xF000, s25;
	[dreg:$0x11] =	wrdreg s15  }
0x11: {  	s18 =	sadd.s32 $0x11800, s25;
	[dreg:$0x12] =	wrdreg s16;
	s8 =	sshrl.u32 s8, $0x3  }
0x12: {  	[dreg:$0x13] =	wrdreg s18;
	s18 =	smul.u32 $0x2800, s11;
	s6 =	sadd.s32 s0, s8  }
0x13: {  	s11 =	simm.s32 $0x7;
	s8 =	sadd.s32 s19, s17;
	s10 =	sadd.s32 $0x9C40, s6  }
0x14: {  	s20 =	sadd.s32 $0xA, s6;
	s21 =	sadd.s32 $0x9C4A, s6;
	s22 =	sadd.s32 $0x14, s6  }
0x15: {  	s23 =	sadd.s32 $0x2D0, s8;
	s26 =	sadd.s32 $0x280, s8;
	[dreg:$0x14] =	wrdreg s6  }
0x16: {  	s28 =	sadd.s32 $0x4E3E0, s8;
	s13 =	sadd.s32 $0x4E390, s8;
	[dreg:$0x15] =	wrdreg s10  }
0x17: {  	s15 =	sadd.s32 $0x230, s8;
	s16 =	sadd.s32 $0x1E, s6;
	[dreg:$0x16] =	wrdreg s20  }
0x18: {  	s8 =	sadd.s32 $0x4E430, s8;
	s2 =	sadd.s32 s2, s18;
	[dreg:$0x17] =	wrdreg s21  }
0x19: {  	s18 =	simm.s32 $0x5;
	[dreg:$0x18] =	wrdreg s22;
	s24 =	sshrl.u32 s23, $0x3  }
0x1a: {  	s9 =	sshrl.u32 s26, $0x3;
	s10 =	sshrl.u32 s28, $0x3;
	s14 =	sshrl.u32 s13, $0x3  }
0x1b: {  	[dreg:$0x19] =	wrdreg s16;
	s19 =	sshrl.u32 s8, $0x3;
	s20 =	sadd.s32 $0x9C54, s6  }
0x1c: {  	s21 =	sadd.s32 $0x28, s6;
	[dreg:$0x1c] =	wrdreg s2;
	s22 =	sadd.s32 $0x9C5E, s6  }
0x1d: {  	s23 =	sadd.s32 $0x32, s6;
	s26 =	sadd.s32 $0x9C68, s6;
	[dreg:$0x1a] =	wrdreg s20  }
0x1e: {  	s28 =	sadd.s32 $0x3C, s6;
	s2 =	simm.s32 $0x200;
	[dreg:$0x1b] =	wrdreg s21  }
0x1f: {  	s8 =	simm.s32 $0x50;
	s13 =	simm.s32 $0x280;
	[dreg:$0x1d] =	wrdreg s22  }
0x20: {  	s16 =	simm.s32 $0x5300;
	s5 =	sadd.s32 s24, s0;
	[dreg:$0x1e] =	wrdreg s23  }
0x21: {  	s9 =	sadd.s32 s9, s0;
	s12 =	sadd.s32 s10, s0;
	[smem:$0x7FC] =	sst s26  }
0x22: {  	s24 =	smax.u32 s7, $0x1;
	[smem:$0x7FD] =	sst s28;
	s7 =	simm.s32 $0x1  }
0x23: {  	s10 =	simm.s32 $0x2B00;
	s20 =	simm.s32 $0x9;
	[dreg:$0x5] =	wrdreg s5  }
0x24: {  	s21 =	simm.s32 $0x6;
	s22 =	simm.s32 $0xB;
	[dreg:$0x6] =	wrdreg s9  }
0x25: {  	s23 =	simm.s32 $0xC;
	[dreg:$0x7] =	wrdreg s12;
	s5 =	sadd.s32 s14, s0  }
0x26: {  	s9 =	sshrl.u32 s15, $0x3;
	[dreg:$0x1f] =	wrdreg s24;
	s12 =	simm.s32 $0x4  }
0x27: {  	s15 =	simm.s32 $0x3;
	s24 =	simm.s32 $0x0;
	[dreg:$0x8] =	wrdreg s5  }
0x28: {  	s17 =	sadd.s32 s9, s0;
	s0 =	sadd.s32 s19, s0;
	s5 =	simm.s32 $0x100  }
0x29: {  	s9 =	simm.s32 $0x2;
	s19 =	simm.s32 $0xA;
	[dreg:$0x9] =	wrdreg s17  }
0x2a: {  	[dreg:$0xa] =	wrdreg s0;
	s0 =	simm.s32 $0x80;
	s17 =	simm.s32 $0x8  }
.LBB2_1:
0x2b: {  	s6 =	rddreg [dreg:$0xb]  }
0x2c: {  	[tilespmem:s29], [sflag:$0xD] =	stream.linear.gather [hbm4b:s6+s4], $0x2800, $0x38;
	[tilespmem:$0x1BB00] =	vst v63  }
0x2d: {  	_ =	swait.ge [sflag:s30], $0x2800  }
0x2e: {  	[sflag:s30] =	ssyncset.done $0x0  }
0x2f: {  	[sflag:s30] =	ssyncadd.s32 $0xFFFFD800  }
0x30: {  	[spmem:s25] =	stream.linear.scatter [tilespmem:s29], [sflag:$0xD], $0x2800, $0x38;
	[tilespmem:$0x1BB00] =	vst v63  }
0x31: {  	_ =	swait.ge [sflag:s30], $0x2800  }
0x32: {  	[sflag:s30] =	ssyncset.done $0x0  }
0x33: {  	s25 =	rddreg [dreg:$0xd];
	[sflag:s30] =	ssyncadd.s32 $0xFFFFD800  }
0x34: {  	[spmem:s25] =	stream.linear.scatter [tilespmem:s29], [sflag:$0xD], $0x2800, $0x38;
	[tilespmem:$0x1BB00] =	vst v63  }
0x35: {  	_ =	swait.ge [sflag:s30], $0x2800  }
0x36: {  	[sflag:s30] =	ssyncset.done $0x0  }
0x37: {  	s26 =	rddreg [dreg:$0xe];
	[sflag:s30] =	ssyncadd.s32 $0xFFFFD800  }
0x38: {  	[spmem:s26] =	stream.linear.scatter [tilespmem:s29], [sflag:$0xD], $0x2800, $0x38;
	[tilespmem:$0x1BB00] =	vst v63  }
0x39: {  	_ =	swait.ge [sflag:s30], $0x2800  }
0x3a: {  	[sflag:s30] =	ssyncset.done $0x0  }
0x3b: {  	s28 =	rddreg [dreg:$0xf];
	[sflag:s30] =	ssyncadd.s32 $0xFFFFD800  }
0x3c: {  	[spmem:s28] =	stream.linear.scatter [tilespmem:s29], [sflag:$0xD], $0x2800, $0x38;
	[tilespmem:$0x1BB00] =	vst v63  }
0x3d: {  	_ =	swait.ge [sflag:s30], $0x2800  }
0x3e: {  	[sflag:s30] =	ssyncset.done $0x0  }
0x3f: {  	s14 =	rddreg [dreg:$0x10];
	[sflag:s30] =	ssyncadd.s32 $0xFFFFD800  }
0x40: {  	[spmem:s14] =	stream.linear.scatter [tilespmem:s29], [sflag:$0xD], $0x2800, $0x38;
	[tilespmem:$0x1BB00] =	vst v63  }
0x41: {  	_ =	swait.ge [sflag:s30], $0x2800  }
0x42: {  	[sflag:s30] =	ssyncset.done $0x0  }
0x43: {  	s25 =	rddreg [dreg:$0x11];
	[sflag:s30] =	ssyncadd.s32 $0xFFFFD800  }
0x44: {  	[spmem:s25] =	stream.linear.scatter [tilespmem:s29], [sflag:$0xD], $0x2800, $0x38;
	[tilespmem:$0x1BB00] =	vst v63  }
0x45: {  	_ =	swait.ge [sflag:s30], $0x2800  }
0x46: {  	[sflag:s30] =	ssyncset.done $0x0  }
0x47: {  	s26 =	rddreg [dreg:$0x12];
	[sflag:s30] =	ssyncadd.s32 $0xFFFFD800  }
0x48: {  	[spmem:s26] =	stream.linear.scatter [tilespmem:s29], [sflag:$0xD], $0x2800, $0x38;
	[tilespmem:$0x1BB00] =	vst v63  }
0x49: {  	_ =	swait.ge [sflag:s30], $0x2800  }
0x4a: {  	[sflag:s30] =	ssyncset.done $0x0  }
0x4b: {  	s28 =	rddreg [dreg:$0x13];
	[sflag:s30] =	ssyncadd.s32 $0xFFFFD800  }
0x4c: {  	[spmem:s28] =	stream.linear.scatter [tilespmem:s29], [sflag:$0xD], $0x2800, $0x38;
	[tilespmem:$0x1BB00] =	vst v63  }
0x4d: {  	_ =	swait.ge [sflag:s30], $0x2800  }
0x4e: {  	[sflag:s30] =	ssyncset.done $0x0  }
0x4f: {  	[sflag:s30] =	ssyncadd.s32 $0xFFFFD800  }
0x50: {  	[bflag:$0x0] =	sbarrier.arrive $0xFFFF  }
0x51: {  	s14 =	rddreg [dreg:$0x14]  }
0x52: {  	[tilespmem:s4], [sflag:$0x1] =	stream.linear.gather [hbm4b:s14+s4], $0x50, $0x38;
	[tilespmem:$0x1BB00] =	vst v63  }
0x53: {  	s25 =	rddreg [dreg:$0x15]  }
0x54: {  	[tilespmem:s31], [sflag:$0x4] =	stream.linear.gather [hbm4b:s25+s4], $0x50, $0x38;
	[tilespmem:$0x1BB00] =	vst v63  }
0x55: {  	s26 =	rddreg [dreg:$0x16]  }
0x56: {  	[tilespmem:s0], [sflag:$0x2] =	stream.linear.gather [hbm4b:s26+s4], $0x50, $0x38;
	[tilespmem:$0x1BB00] =	vst v63  }
0x57: {  	s28 =	rddreg [dreg:$0x17]  }
0x58: {  	[tilespmem:s2], [sflag:$0x5] =	stream.linear.gather [hbm4b:s28+s4], $0x50, $0x38;
	[tilespmem:$0x1BB00] =	vst v63  }
0x59: {  	s14 =	rddreg [dreg:$0x18]  }
0x5a: {  	[tilespmem:s5], [sflag:$0x3] =	stream.linear.gather [hbm4b:s14+s4], $0x50, $0x38;
	[tilespmem:$0x1BB00] =	vst v63  }
0x5b: {  	_ =	swait.ge [sflag:s7], $0x50  }
0x5c: {  	[sflag:s7] =	ssyncset.done $0x0  }
0x5d: {  	[sflag:s7] =	ssyncadd.s32 $0xFFFFFFB0  }
0x5e: {  	[tilespmem:s29], [sflag:$0x7] =	stream.indirect.gather [hbm4b:s1+s8], $0x80, s4, s8, $0xb8;
	[tilespmem:$0x1BB00] =	vst v63  }
0x5f: {  	_ =	swait.ge [sflag:s9], $0x50  }
0x60: {  	[sflag:s9] =	ssyncset.done $0x0  }
0x61: {  	[sflag:s9] =	ssyncadd.s32 $0xFFFFFFB0  }
0x62: {  	[tilespmem:s10], [sflag:$0x8] =	stream.indirect.gather [hbm4b:s1+s8], $0x80, s0, s8, $0xb8;
	[tilespmem:$0x1BB00] =	vst v63  }
0x63: {  	_ =	swait.ge [sflag:s11], $0x2800  }
0x64: {  	[sflag:s11] =	ssyncset.done $0x0  }
0x65: {  	s25 =	rddreg [dreg:$0x19];
	[sflag:s11] =	ssyncadd.s32 $0xFFFFD800  }
0x66: {  	[tilespmem:s4], [sflag:$0x1] =	stream.linear.gather [hbm4b:s25+s4], $0x50, $0x38;
	[tilespmem:$0x1BB00] =	vst v63  }
0x67: {  	_ =	swait.ge [sflag:s12], $0x50  }
0x68: {  	[sflag:s12] =	ssyncset.done $0x0  }
0x69: {  	[sflag:s12] =	ssyncadd.s32 $0xFFFFFFB0  }
0x6a: {  	[spmem:s3] =	stream.indirect.scatter.add.f32 [tilespmem:s29], [sflag:$0xA], $0x80, s31, s8, $0xb8;
	[tilespmem:$0x1BB00] =	vst v63  }
0x6b: {  	s26 =	rddreg [dreg:$0x1a]  }
0x6c: {  	[tilespmem:s13], [sflag:$0x6] =	stream.linear.gather [hbm4b:s26+s4], $0x50, $0x38;
	[tilespmem:$0x1BB00] =	vst v63  }
0x6d: {  	_ =	swait.ge [sflag:s15], $0x50  }
0x6e: {  	[sflag:s15] =	ssyncset.done $0x0  }
0x6f: {  	[sflag:s15] =	ssyncadd.s32 $0xFFFFFFB0  }
0x70: {  	[tilespmem:s16], [sflag:$0x9] =	stream.indirect.gather [hbm4b:s1+s8], $0x80, s5, s8, $0xb8;
	[tilespmem:$0x1BB00] =	vst v63  }
0x71: {  	_ =	swait.ge [sflag:s17], $0x2800  }
0x72: {  	[sflag:s17] =	ssyncset.done $0x0  }
0x73: {  	s28 =	rddreg [dreg:$0x1b];
	[sflag:s17] =	ssyncadd.s32 $0xFFFFD800  }
0x74: {  	[tilespmem:s0], [sflag:$0x2] =	stream.linear.gather [hbm4b:s28+s4], $0x50, $0x38;
	[tilespmem:$0x1BB00] =	vst v63  }
0x75: {  	_ =	swait.ge [sflag:s18], $0x50  }
0x76: {  	[sflag:s18] =	ssyncset.done $0x0  }
0x77: {  	[sflag:s18] =	ssyncadd.s32 $0xFFFFFFB0  }
0x78: {  	[spmem:s3] =	stream.indirect.scatter.add.f32 [tilespmem:s10], [sflag:$0xB], $0x80, s2, s8, $0xb8;
	[tilespmem:$0x1BB00] =	vst v63  }
0x79: {  	_ =	swait.ge [sflag:s19], $0x2800  }
0x7a: {  	[sflag:s19] =	ssyncset.done $0x0  }
0x7b: {  	s14 =	rddreg [dreg:$0x1d];
	[sflag:s19] =	ssyncadd.s32 $0xFFFFD800  }
0x7c: {  	[tilespmem:s31], [sflag:$0x4] =	stream.linear.gather [hbm4b:s14+s4], $0x50, $0x38;
	[tilespmem:$0x1BB00] =	vst v63  }
0x7d: {  	_ =	swait.ge [sflag:s7], $0x50  }
0x7e: {  	[sflag:s7] =	ssyncset.done $0x0  }
0x7f: {  	[sflag:s7] =	ssyncadd.s32 $0xFFFFFFB0  }
0x80: {  	[tilespmem:s29], [sflag:$0x7] =	stream.indirect.gather [hbm4b:s1+s8], $0x80, s4, s8, $0xb8;
	[tilespmem:$0x1BB00] =	vst v63  }
0x81: {  	_ =	swait.ge [sflag:s20], $0x2800  }
0x82: {  	[sflag:s20] =	ssyncset.done $0x0  }
0x83: {  	s25 =	rddreg [dreg:$0x1e];
	[sflag:s20] =	ssyncadd.s32 $0xFFFFD800  }
0x84: {  	[tilespmem:s5], [sflag:$0x3] =	stream.linear.gather [hbm4b:s25+s4], $0x50, $0x38;
	[tilespmem:$0x1BB00] =	vst v63  }
0x85: {  	_ =	swait.ge [sflag:s21], $0x50  }
0x86: {  	[sflag:s21] =	ssyncset.done $0x0  }
0x87: {  	[sflag:s21] =	ssyncadd.s32 $0xFFFFFFB0  }
0x88: {  	[spmem:s3] =	stream.indirect.scatter.add.f32 [tilespmem:s16], [sflag:$0xC], $0x80, s13, s8, $0xb8;
	[tilespmem:$0x1BB00] =	vst v63  }
0x89: {  	_ =	swait.ge [sflag:s22], $0x2800  }
0x8a: {  	s26 =	sld [smem:$0x7FC]  }
0x8b: {  	[sflag:s22] =	ssyncset.done $0x0  }
0x8c: {  	[sflag:s22] =	ssyncadd.s32 $0xFFFFD800  }
0x8d: {  	[tilespmem:s2], [sflag:$0x5] =	stream.linear.gather [hbm4b:s26+s4], $0x50, $0x38;
	[tilespmem:$0x1BB00] =	vst v63  }
0x8e: {  	_ =	swait.ge [sflag:s9], $0x50  }
0x8f: {  	[sflag:s9] =	ssyncset.done $0x0  }
0x90: {  	[sflag:s9] =	ssyncadd.s32 $0xFFFFFFB0  }
0x91: {  	[tilespmem:s10], [sflag:$0x8] =	stream.indirect.gather [hbm4b:s1+s8], $0x80, s0, s8, $0xb8;
	[tilespmem:$0x1BB00] =	vst v63  }
0x92: {  	_ =	swait.ge [sflag:s11], $0x2800  }
0x93: {  	s28 =	sld [smem:$0x7FD]  }
0x94: {  	[sflag:s11] =	ssyncset.done $0x0  }
0x95: {  	[sflag:s11] =	ssyncadd.s32 $0xFFFFD800  }
0x96: {  	[tilespmem:s4], [sflag:$0x1] =	stream.linear.gather [hbm4b:s28+s4], $0x50, $0x38;
	[tilespmem:$0x1BB00] =	vst v63  }
0x97: {  	_ =	swait.ge [sflag:s12], $0x50  }
0x98: {  	[sflag:s12] =	ssyncset.done $0x0  }
0x99: {  	[sflag:s12] =	ssyncadd.s32 $0xFFFFFFB0  }
0x9a: {  	[spmem:s3] =	stream.indirect.scatter.add.f32 [tilespmem:s29], [sflag:$0xA], $0x80, s31, s8, $0xb8;
	[tilespmem:$0x1BB00] =	vst v63  }
0x9b: {  	_ =	swait.ge [sflag:s23], $0x2800  }
0x9c: {  	s6 =	rddreg [dreg:$0x8];
	[sflag:s23] =	ssyncset.done $0x0  }
0x9d: {  	[sflag:s23] =	ssyncadd.s32 $0xFFFFD800;
	s25 =	sadd.s32 $0x0, s6  }
0x9e: {  	[tilespmem:s13], [sflag:$0x6] =	stream.linear.gather [hbm4b:s25+s4], $0x50, $0x38;
	[tilespmem:$0x1BB00] =	vst v63  }
0x9f: {  	_ =	swait.ge [sflag:s15], $0x50  }
0xa0: {  	[sflag:s15] =	ssyncset.done $0x0  }
0xa1: {  	[sflag:s15] =	ssyncadd.s32 $0xFFFFFFB0  }
0xa2: {  	[tilespmem:s16], [sflag:$0x9] =	stream.indirect.gather [hbm4b:s1+s8], $0x80, s5, s8, $0xb8;
	[tilespmem:$0x1BB00] =	vst v63  }
0xa3: {  	_ =	swait.ge [sflag:s17], $0x2800  }
0xa4: {  	s14 =	rddreg [dreg:$0x9];
	[sflag:s17] =	ssyncset.done $0x0  }
0xa5: {  	[sflag:s17] =	ssyncadd.s32 $0xFFFFD800;
	s25 =	sadd.s32 $0x0, s14  }
0xa6: {  	[tilespmem:s0], [sflag:$0x2] =	stream.linear.gather [hbm4b:s25+s4], $0x50, $0x38;
	[tilespmem:$0x1BB00] =	vst v63  }
0xa7: {  	_ =	swait.ge [sflag:s18], $0x50  }
0xa8: {  	[sflag:s18] =	ssyncset.done $0x0  }
0xa9: {  	[sflag:s18] =	ssyncadd.s32 $0xFFFFFFB0  }
0xaa: {  	[spmem:s3] =	stream.indirect.scatter.add.f32 [tilespmem:s10], [sflag:$0xB], $0x80, s2, s8, $0xb8;
	[tilespmem:$0x1BB00] =	vst v63  }
0xab: {  	_ =	swait.ge [sflag:s19], $0x2800  }
0xac: {  	s26 =	rddreg [dreg:$0x7];
	[sflag:s19] =	ssyncset.done $0x0  }
0xad: {  	[sflag:s19] =	ssyncadd.s32 $0xFFFFD800;
	s25 =	sadd.s32 $0x0, s26  }
0xae: {  	[tilespmem:s31], [sflag:$0x4] =	stream.linear.gather [hbm4b:s25+s4], $0x50, $0x38;
	[tilespmem:$0x1BB00] =	vst v63  }
0xaf: {  	_ =	swait.ge [sflag:s7], $0x50  }
0xb0: {  	[sflag:s7] =	ssyncset.done $0x0  }
0xb1: {  	[sflag:s7] =	ssyncadd.s32 $0xFFFFFFB0  }
0xb2: {  	[tilespmem:s29], [sflag:$0x7] =	stream.indirect.gather [hbm4b:s1+s8], $0x80, s4, s8, $0xb8;
	[tilespmem:$0x1BB00] =	vst v63  }
0xb3: {  	p0 =	por $0x0, $0x0;
	_ =	swait.ge [sflag:s20], $0x2800  }
0xb4: {  	s28 =	simm.s32 @!p0 $0x100;
	s25 =	rddreg [dreg:$0x6];
	[sflag:s20] =	ssyncset.done $0x0  }
0xb5: {  	s26 =	simm.s32 @!p0 $0x0;
	[sflag:s20] =	ssyncadd.s32 $0xFFFFD800;
	s25 =	sadd.s32 @!p0 $0x0, s25  }
0xb6: {  	[tilespmem:s28], [sflag:$0x3] =	stream.linear.gather @!p0 [hbm4b:s25+s26], $0x50, $0x38;
	[tilespmem:$0x1BB00] =	vst v63  }
0xb7: {  	_ =	swait.ge [sflag:s21], $0x50  }
0xb8: {  	[sflag:s21] =	ssyncset.done $0x0  }
0xb9: {  	[sflag:s21] =	ssyncadd.s32 $0xFFFFFFB0  }
0xba: {  	[spmem:s3] =	stream.indirect.scatter.add.f32 [tilespmem:s16], [sflag:$0xC], $0x80, s13, s8, $0xb8;
	[tilespmem:$0x1BB00] =	vst v63  }
0xbb: {  	_ =	swait.ge [sflag:s22], $0x2800  }
0xbc: {  	s28 =	rddreg [dreg:$0xa];
	[sflag:s22] =	ssyncset.done $0x0  }
0xbd: {  	[sflag:s22] =	ssyncadd.s32 $0xFFFFD800;
	s25 =	sadd.s32 $0x0, s28  }
0xbe: {  	[tilespmem:s2], [sflag:$0x5] =	stream.linear.gather [hbm4b:s25+s4], $0x50, $0x38;
	[tilespmem:$0x1BB00] =	vst v63  }
0xbf: {  	_ =	swait.ge [sflag:s9], $0x50  }
0xc0: {  	[sflag:s9] =	ssyncset.done $0x0  }
0xc1: {  	[sflag:s9] =	ssyncadd.s32 $0xFFFFFFB0  }
0xc2: {  	[tilespmem:s10], [sflag:$0x8] =	stream.indirect.gather [hbm4b:s1+s8], $0x80, s0, s8, $0xb8;
	[tilespmem:$0x1BB00] =	vst v63  }
0xc3: {  	_ =	swait.ge [sflag:s11], $0x2800  }
0xc4: {  	s25 =	rddreg [dreg:$0x5];
	[sflag:s11] =	ssyncset.done $0x0  }
0xc5: {  	[sflag:s11] =	ssyncadd.s32 $0xFFFFD800;
	s25 =	sadd.s32 @!p0 $0x0, s25  }
0xc6: {  	[tilespmem:s26], [sflag:$0x1] =	stream.linear.gather @!p0 [hbm4b:s25+s26], $0x50, $0x38;
	[tilespmem:$0x1BB00] =	vst v63  }
0xc7: {  	_ =	swait.ge [sflag:s12], $0x50  }
0xc8: {  	s25 =	simm.s32 $0x1E;
	[sflag:s12] =	ssyncset.done $0x0  }
.LBB2_2:
0xc9: {  	[sflag:s12] =	ssyncadd.s32 $0xFFFFFFB0  }
0xca: {  	[spmem:s3] =	stream.indirect.scatter.add.f32 [tilespmem:s29], [sflag:$0xA], $0x80, s31, s8, $0xb8;
	[tilespmem:$0x1BB00] =	vst v63  }
0xcb: {  	_ =	swait.ge [sflag:s23], $0x2800  }
0xcc: {  	s26 =	smov.u32 s25;
	s28 =	rddreg [dreg:$0x8];
	[sflag:s23] =	ssyncset.done $0x0  }
0xcd: {  	[sflag:s23] =	ssyncadd.s32 $0xFFFFD800;
	s28 =	sadd.s32 s26, s28  }
0xce: {  	[tilespmem:s13], [sflag:$0x6] =	stream.linear.gather [hbm4b:s28+s4], $0x50, $0x38;
	[tilespmem:$0x1BB00] =	vst v63  }
0xcf: {  	_ =	swait.ge [sflag:s15], $0x50  }
0xd0: {  	[sflag:s15] =	ssyncset.done $0x0  }
0xd1: {  	[sflag:s15] =	ssyncadd.s32 $0xFFFFFFB0  }
0xd2: {  	[tilespmem:s16], [sflag:$0x9] =	stream.indirect.gather [hbm4b:s1+s8], $0x80, s5, s8, $0xb8;
	[tilespmem:$0x1BB00] =	vst v63  }
0xd3: {  	_ =	swait.ge [sflag:s17], $0x2800  }
0xd4: {  	s6 =	rddreg [dreg:$0x9];
	[sflag:s17] =	ssyncset.done $0x0  }
0xd5: {  	[sflag:s17] =	ssyncadd.s32 $0xFFFFD800;
	s28 =	sadd.s32 s26, s6  }
0xd6: {  	[tilespmem:s0], [sflag:$0x2] =	stream.linear.gather [hbm4b:s28+s4], $0x50, $0x38;
	[tilespmem:$0x1BB00] =	vst v63  }
0xd7: {  	_ =	swait.ge [sflag:s18], $0x50  }
0xd8: {  	[sflag:s18] =	ssyncset.done $0x0  }
0xd9: {  	[sflag:s18] =	ssyncadd.s32 $0xFFFFFFB0  }
0xda: {  	[spmem:s3] =	stream.indirect.scatter.add.f32 [tilespmem:s10], [sflag:$0xB], $0x80, s2, s8, $0xb8;
	[tilespmem:$0x1BB00] =	vst v63  }
0xdb: {  	_ =	swait.ge [sflag:s19], $0x2800  }
0xdc: {  	s14 =	rddreg [dreg:$0x7];
	[sflag:s19] =	ssyncset.done $0x0  }
0xdd: {  	[sflag:s19] =	ssyncadd.s32 $0xFFFFD800;
	s28 =	sadd.s32 s26, s14  }
0xde: {  	[tilespmem:s31], [sflag:$0x4] =	stream.linear.gather [hbm4b:s28+s4], $0x50, $0x38;
	[tilespmem:$0x1BB00] =	vst v63  }
0xdf: {  	_ =	swait.ge [sflag:s7], $0x50  }
0xe0: {  	[sflag:s7] =	ssyncset.done $0x0  }
0xe1: {  	[sflag:s7] =	ssyncadd.s32 $0xFFFFFFB0  }
0xe2: {  	[tilespmem:s29], [sflag:$0x7] =	stream.indirect.gather [hbm4b:s1+s8], $0x80, s4, s8, $0xb8;
	[tilespmem:$0x1BB00] =	vst v63  }
0xe3: {  	p1 =	seq.s32 s26, $0x492;
	_ =	swait.ge [sflag:s20], $0x2800  }
0xe4: {  	s6 =	simm.s32 @!p1 $0x100;
	s28 =	rddreg [dreg:$0x6];
	[sflag:s20] =	ssyncset.done $0x0  }
0xe5: {  	s14 =	simm.s32 @!p1 $0x0;
	[sflag:s20] =	ssyncadd.s32 $0xFFFFD800;
	s28 =	sadd.s32 @!p1 s26, s28  }
0xe6: {  	[tilespmem:s6], [sflag:$0x3] =	stream.linear.gather @!p1 [hbm4b:s28+s14], $0x50, $0x38;
	[tilespmem:$0x1BB00] =	vst v63  }
0xe7: {  	_ =	swait.ge [sflag:s21], $0x50  }
0xe8: {  	[sflag:s21] =	ssyncset.done $0x0  }
0xe9: {  	[sflag:s21] =	ssyncadd.s32 $0xFFFFFFB0  }
0xea: {  	[spmem:s3] =	stream.indirect.scatter.add.f32 [tilespmem:s16], [sflag:$0xC], $0x80, s13, s8, $0xb8;
	[tilespmem:$0x1BB00] =	vst v63  }
0xeb: {  	_ =	swait.ge [sflag:s22], $0x2800  }
0xec: {  	s28 =	rddreg [dreg:$0xa];
	[sflag:s22] =	ssyncset.done $0x0  }
0xed: {  	[sflag:s22] =	ssyncadd.s32 $0xFFFFD800;
	s6 =	sadd.s32 s26, s28  }
0xee: {  	[tilespmem:s2], [sflag:$0x5] =	stream.linear.gather [hbm4b:s6+s4], $0x50, $0x38;
	[tilespmem:$0x1BB00] =	vst v63  }
0xef: {  	_ =	swait.ge [sflag:s9], $0x50  }
0xf0: {  	[sflag:s9] =	ssyncset.done $0x0  }
0xf1: {  	s25 =	sadd.s32 $0x1E, s25;
	[sflag:s9] =	ssyncadd.s32 $0xFFFFFFB0  }
0xf2: {  	[tilespmem:s10], [sflag:$0x8] =	stream.indirect.gather [hbm4b:s1+s8], $0x80, s0, s8, $0xb8;
	[tilespmem:$0x1BB00] =	vst v63  }
0xf3: {  	p0 =	sne.s32 s25, $0x4B0;
	_ =	swait.ge [sflag:s11], $0x2800  }
.Ltmp0:
0xf4: {  	s6 =	rddreg [dreg:$0x5];
	[sflag:s11] =	ssyncset.done $0x0;
	(pc) =	sbr.rel @p0 .LBB2_2-.Ltmp0, $4  }
0xf5: {  	[sflag:s11] =	ssyncadd.s32 $0xFFFFD800;
	s6 =	sadd.s32 @!p1 s26, s6  }
0xf6: {  	[tilespmem:s14], [sflag:$0x1] =	stream.linear.gather @!p1 [hbm4b:s6+s14], $0x50, $0x38;
	[tilespmem:$0x1BB00] =	vst v63  }
0xf7: {  	_ =	swait.ge [sflag:s12], $0x50  }
0xf8: {  	[sflag:s12] =	ssyncset.done $0x0  }
0xf9: {  	[sflag:s12] =	ssyncadd.s32 $0xFFFFFFB0  }
0xfa: {  	[spmem:s3] =	stream.indirect.scatter.add.f32 [tilespmem:s29], [sflag:$0xA], $0x80, s31, s8, $0xb8;
	[tilespmem:$0x1BB00] =	vst v63  }
0xfb: {  	_ =	swait.ge [sflag:s17], $0x2800  }
0xfc: {  	[sflag:s17] =	ssyncset.done $0x0  }
0xfd: {  	[sflag:s17] =	ssyncadd.s32 $0xFFFFD800  }
0xfe: {  	_ =	swait.ge [sflag:s18], $0x50  }
0xff: {  	[sflag:s18] =	ssyncset.done $0x0  }
0x100: {  	[sflag:s18] =	ssyncadd.s32 $0xFFFFFFB0  }
0x101: {  	[spmem:s3] =	stream.indirect.scatter.add.f32 [tilespmem:s10], [sflag:$0xB], $0x80, s2, s8, $0xb8;
	[tilespmem:$0x1BB00] =	vst v63  }
0x102: {  	_ =	swait.ge [sflag:s23], $0x2800  }
0x103: {  	[sflag:s23] =	ssyncset.done $0x0  }
0x104: {  	[sflag:s23] =	ssyncadd.s32 $0xFFFFD800  }
0x105: {  	_ =	swait.ge [sflag:s19], $0x2800  }
0x106: {  	[sflag:s19] =	ssyncset.done $0x0  }
0x107: {  	[sflag:s19] =	ssyncadd.s32 $0xFFFFD800  }
0x108: {  	_ =	swait.ge [sflag:s22], $0x2800  }
0x109: {  	[sflag:s22] =	ssyncset.done $0x0  }
0x10a: {  	[sflag:s22] =	ssyncadd.s32 $0xFFFFD800  }
0x10b: {  	s6 =	stileid.u32;
	[bflag:$0x0] =	sbarrier.arrive $0xFFFF  }
0x10c: {  	s6 =	sshll.u32 s6, $0x6;
	s25 =	rddreg [dreg:$0xc]  }
0x10d: {  	s6 =	sor.u32 $0x1C0D, s6;
	s26 =	rddreg [dreg:$0x1c];
	s14 =	sshrl.u32 s25, $0x3  }
0x10e: {  	[hbm:s26], [sflag:s6] =	dma.local [spmem:s14], $0x2800  }
0x10f: {  	_ =	swait.ge [sflag:s30], $0x2800  }
0x110: {  	s24 =	sadd.s32 $0x1, s24;
	s28 =	rddreg [dreg:$0x1f]  }
0x111: {  	p0 =	sne.s32 s24, s28  }
.Ltmp1:
0x112: {  	_ = 	snop;
	(pc) =	sbr.rel @p0 .LBB2_1-.Ltmp1, $3  }
0x113: {  	_ =	sdelay $0x1  }
0x114: {  	[sflag:s30] =	ssyncset.done $0x0  }
0x115: {  	[sflag:s30] =	ssyncadd.s32 $0xFFFFD800  }
0x116: {  	_ =	sfence.sel $0x180000  }
0x117: {  	[bflag:$0x0] =	sbarrier.arrive $0xFFFF  }
0x118: {  	_ =	strace $0x90000047  }
0x119: {  	s0 =	stileid.u32;
	[bflag:$0x2] =	sbarrier.arrive $0xFFFF  }
0x11a: {  	p0 =	sne.s32 s0, $0x0;
	s0 =	rddreg [dreg:$0x4]  }
0x11b: {  	s0 =	sadd.s32 @!p0 $0x100000, s0  }
0x11c: {  	[sflag:s0] =	ssyncadd.tile.s32 @!p0 $0x1;
	_ =	shalt  }
.Lfunc_end2:
_tile_overlayer_lowered:
.L_overlay_start_2:
0x11d: {  	(tag) =	ssettag $0x2  }
0x11e: {  	s0 =	rddreg [dreg:$0x0];
	s2 =	stileid.u32  }
0x11f: {  	s1 =	rddreg [dreg:$0x1];
	p0 =	sne.s32 s2, $0x0  }
0x120: {  	s3 =	rddreg [dreg:$0x2];
	[bflag:$0x3] =	sbarrier.arrive $0xFFFF;
	s2 =	simm.s32 @!p0 $0x1C0D  }
0x121: {  	[timem:s3], [sflag:s2] =	dma.local @!p0 [hbm:s0], s1  }
0x122: {  	s0 =	simm.s32 @!p0 $0xD  }
0x123: {  	_ =	swait.ge @!p0 [sflag:s0], s1  }
0x124: {  	s1 =	ssub.s32 @!p0 $0x0, s1;
	[sflag:s0] =	ssyncset.done @!p0 $0x0  }
0x125: {  	[sflag:s0] =	ssyncadd.s32 @!p0 s1  }
0x126: {  	[bflag:$0x3] =	sbarrier.arrive $0xFFFF  }
0x127: {  	_ =	shalt  }

// kernel: kernel.9.cloned.1.call-start
scs
__scs_entry_jumppad:
0x0: {  	(pc) =	sbr.rel $0x88, $3  }
0x1: {  	(tag) =	ssettag $0x0;
	lr =	simm.s32 $0x1  }
0x2: {  	[smem:$0x3F98] =	sst lr;
	_ =	strace $0xD0000000  }
0x3: {  	_ = 	snop  }
0x4: {  	_ = 	snop  }
0x5: {  	_ = 	snop  }
0x6: {  	_ = 	snop  }
0x7: {  	_ = 	snop  }
__scs_overlays_trampoline_lowered:
0x8: {  	[smem:$0x3FA7] =	sst s0  }
0x9: {  	[smem:$0x3FA8] =	sst s1  }
0xa: {  	[smem:$0x3FA9] =	sst s2  }
0xb: {  	[smem:$0x3FAA] =	sst s3  }
0xc: {  	[smem:$0x3FAB] =	sst s4  }
0xd: {  	[smem:$0x3FAC] =	sst s5  }
0xe: {  	[smem:$0x3FAD] =	sst s6  }
0xf: {  	[smem:$0x3FAE] =	sst s7  }
0x10: {  	[smem:$0x3FAF] =	sst s8  }
0x11: {  	[smem:$0x3FB0] =	sst s9;
	s0 =	simm.s32 @!p0 $0x0  }
0x12: {  	s1 =	sld [smem:$0x3F96];
	s0 =	simm.s32 @p0 $0x1  }
0x13: {  	[smem:$0x3FB1] =	sst s0;
	s0 =	simm.s32 @!p1 $0x0  }
0x14: {  	s2 =	sld [smem:$0x3F95];
	s0 =	simm.s32 @p1 $0x1  }
0x15: {  	[smem:$0x3FB2] =	sst s0;
	s0 =	simm.s32 @!p2 $0x0  }
0x16: {  	s3 =	sld [smem:$0x3FDB];
	s0 =	simm.s32 @p2 $0x1  }
0x17: {  	s4 =	simm.s32 $0x1BF5;
	[smem:$0x3FB4] =	sst s0  }
0x18: {  	s0 =	sld [smem:$0x3F97];
	_ =	swait.ge [sflag:s4], $0x0  }
0x19: {  	s7 =	sld [smem:$0x3F98]  }
0x1a: {  	s8 =	sadd.s32 $0xFFFFE003, lr  }
0x1b: {  	s9 =	sadd.s32 $0xFFFFFEF7, lr;
	s5 =	simm.s32 $0xFFFFFFFF;
	p2 =	slt.u32 s8, $0xFFFFF086  }
0x1c: {  	p1 =	slt.u32 s9, $0xF7A;
	s5 =	simm.s32 @!p2 $0x0  }
0x1d: {  	s5 =	simm.s32 @p1 $0x1;
	p0 =	seq.s32 s7, s2  }
0x1e: {  	s7 =	smul.u32 @!p0 $0xF7A, s2;
	p2 =	seq.s32 @!p0 s5, $0x0  }
0x1f: {  	s9 =	smul.u32 $0xF7A, s1;
	s8 =	simm.s32 @!p0 $0x1BF5;
	p2 =	por !p2, p0  }
0x20: {  	[sflag:s8] =	ssyncset.s32 @!p0 $0xFFFFF086;
	s6 =	sadd.s32 @!p0 s3, s7;
	s7 =	simm.s32 @!p0 $0x108  }
0x21: {  	s3 =	sadd.s32 s3, s9;
	s6 =	sadd.s32 @!p0 $0x88, s6;
	s7 =	simm.s32 @p2 $0x1082  }
0x22: {  	[simem:s7], [sflag:s8] =	dma.local @!p0 [hbm:s6], $0xF7A  }
0x23: {  	s9 =	sor.u32 $0xD0000000, s2;
	s6 =	simm.s32 $0x108;
	_ =	swait.ge @!p0 [sflag:s8], $0x0  }
0x24: {  	s3 =	sadd.s32 $0x88, s3;
	s6 =	simm.s32 @!p1 $0x1082;
	[sflag:s4] =	ssyncset.s32 $0xFFFFF086  }
0x25: {  	[simem:s6], [sflag:s4] =	dma.local [hbm:s3], $0xF7A  }
0x26: {  	[smem:$0x3F98] =	sst s1;
	(tag) =	ssettag s2;
	_ =	strace s9  }
0x27: {  	s1 =	sld [smem:$0x3FA8]  }
0x28: {  	s2 =	sld [smem:$0x3FA9]  }
0x29: {  	s4 =	sld [smem:$0x3FAB]  }
0x2a: {  	p0 =	seq.s32 s5, $0x0;
	s5 =	sld [smem:$0x3FAC]  }
0x2b: {  	s6 =	sld [smem:$0x3FAD]  }
0x2c: {  	s7 =	sld [smem:$0x3FAE]  }
0x2d: {  	s3 =	simm.s32 $0x108;
	s8 =	sld [smem:$0x3FAF]  }
0x2e: {  	s3 =	simm.s32 @!p0 $0x1082;
	s9 =	sld [smem:$0x3FB0]  }
0x2f: {  	lr =	sadd.s32 s0, s3;
	s0 =	sld [smem:$0x3FA7]  }
0x30: {  	s3 =	sld [smem:$0x3FAA]  }
0x31: {  	[smem:$0x3FB3] =	sst s10  }
0x32: {  	s10 =	sld [smem:$0x3FB1];
	_ =	sdelay $0x3  }
0x33: {  	p0 =	seq.s32 s10, $0x1;
	s10 =	sld [smem:$0x3FB3];
	_ =	sdelay $0x3  }
0x34: {  	[smem:$0x3FB3] =	sst s10  }
0x35: {  	s10 =	sld [smem:$0x3FB2];
	_ =	sdelay $0x3  }
0x36: {  	p1 =	seq.s32 s10, $0x1;
	s10 =	sld [smem:$0x3FB3];
	_ =	sdelay $0x3  }
0x37: {  	[smem:$0x3FB3] =	sst s10  }
0x38: {  	s10 =	sld [smem:$0x3FB4]  }
0x39: {  	_ = 	snop;
	(pc) =	sbr.ind lr, $3  }
0x3a: {  	_ = 	snop  }
0x3b: {  	_ = 	snop  }
0x3c: {  	p2 =	seq.s32 s10, $0x1;
	s10 =	sld [smem:$0x3FB3]  }
0x3d: {  	_ =	shalt  }
0x3e: {  	_ =	shalt  }
0x3f: {  	_ =	shalt  }
0x40: {  	_ =	shalt  }
0x41: {  	_ =	shalt  }
0x42: {  	_ =	shalt  }
0x43: {  	_ =	shalt  }
0x44: {  	_ =	shalt  }
0x45: {  	_ =	shalt  }
0x46: {  	_ =	shalt  }
0x47: {  	_ =	shalt  }
0x48: {  	_ =	shalt  }
0x49: {  	_ =	shalt  }
0x4a: {  	_ =	shalt  }
0x4b: {  	_ =	shalt  }
0x4c: {  	_ =	shalt  }
0x4d: {  	_ =	shalt  }
0x4e: {  	_ =	shalt  }
0x4f: {  	_ =	shalt  }
0x50: {  	_ =	shalt  }
0x51: {  	_ =	shalt  }
0x52: {  	_ =	shalt  }
0x53: {  	_ =	shalt  }
0x54: {  	_ =	shalt  }
0x55: {  	_ =	shalt  }
0x56: {  	_ =	shalt  }
0x57: {  	_ =	shalt  }
0x58: {  	_ =	shalt  }
0x59: {  	_ =	shalt  }
0x5a: {  	_ =	shalt  }
0x5b: {  	_ =	shalt  }
0x5c: {  	_ =	shalt  }
0x5d: {  	_ =	shalt  }
0x5e: {  	_ =	shalt  }
0x5f: {  	_ =	shalt  }
0x60: {  	_ =	shalt  }
0x61: {  	_ =	shalt  }
0x62: {  	_ =	shalt  }
0x63: {  	_ =	shalt  }
0x64: {  	_ =	shalt  }
0x65: {  	_ =	shalt  }
0x66: {  	_ =	shalt  }
0x67: {  	_ =	shalt  }
0x68: {  	_ =	shalt  }
0x69: {  	_ =	shalt  }
0x6a: {  	_ =	shalt  }
0x6b: {  	_ =	shalt  }
0x6c: {  	_ =	shalt  }
0x6d: {  	_ =	shalt  }
0x6e: {  	_ =	shalt  }
0x6f: {  	_ =	shalt  }
0x70: {  	_ =	shalt  }
0x71: {  	_ =	shalt  }
0x72: {  	_ =	shalt  }
0x73: {  	_ =	shalt  }
0x74: {  	_ =	shalt  }
0x75: {  	_ =	shalt  }
0x76: {  	_ =	shalt  }
0x77: {  	_ =	shalt  }
0x78: {  	_ =	shalt  }
0x79: {  	_ =	shalt  }
0x7a: {  	_ =	shalt  }
0x7b: {  	_ =	shalt  }
0x7c: {  	_ =	shalt  }
0x7d: {  	_ =	shalt  }
0x7e: {  	_ =	shalt  }
0x7f: {  	_ =	shalt  }
0x80: {  	_ =	shalt  }
0x81: {  	_ =	shalt  }
0x82: {  	_ =	shalt  }
0x83: {  	_ =	shalt  }
0x84: {  	_ =	shalt  }
0x85: {  	_ =	shalt  }
0x86: {  	_ =	shalt  }
0x87: {  	_ =	shalt  }
.Lfunc_end0:
.L_simem_size_0:
called_computation.1_lowered:
.L_overlay_start_0:
0x88: {  	s2 =	sld [smem:$0x3FD9]  }
0x89: {  	s3 =	sld [smem:$0x3FFE];
	_ =	sdelay $0x1  }
0x8a: {  	s1 =	srdreg.scid  }
0x8b: {  	s0 =	sand.u32 $0x1, s1  }
0x8c: {  	s17 =	sshll.u32 s0, $0xA;
	s2 =	sadd.s32 s3, s2  }
0x8d: {  	s2 =	sadd.s32 s2, s17  }
0x8e: {  	[smem:$0x3FBF] =	sst s2  }
0x8f: {  	_ = 	snop  }
0x90: {  	s2 =	sld [smem:$0x3FD0];
	(tm) =	ssettm $0x1  }
0x91: {  	s18 =	sld [smem:$0x3FFB];
	_ =	sdelay $0x3  }
0x92: {  	_ =	strace s18  }
0x93: {  	s3 =	sld [smem:$0x3FFC];
	_ =	sdelay $0x3  }
0x94: {  	_ =	strace s3  }
0x95: {  	s3 =	sld [smem:$0x3FFD];
	_ =	sdelay $0x3  }
0x96: {  	_ =	strace s3  }
0x97: {  	_ =	strace $0x8FFFFFFF  }
0x98: {  	s19 =	sld [smem:$0x3FDB];
	_ =	sdelay $0x1  }
0x99: {  	s4 =	simm.s32 $_scs_section_size  }
0x9a: {  	s5 =	simm.s32 $_size__tile_overlayer_lowered;
	s6 =	simm.s32 $_tile_overlayer_lowered  }
0x9b: {  	s22 =	simm.s32 $0x1BFF;
	s21 =	sshll.u32 s6, $0x1;
	s3 =	sadd.s32 s4, s19  }
0x9c: {  	s7 =	simm.s32 $0x0;
	s20 =	sshll.u32 s5, $0x1;
	s5 =	sadd.s32 s21, s3  }
0x9d: {  	[timem:s7], [sflag:s22] =	dma.local [hbm:s5], s20  }
0x9e: {  	_ =	swait.ge [sflag:s22], s20  }
0x9f: {  	s4 =	ssub.s32 $0x0, s20;
	[sflag:s22] =	ssyncset.done $0x0  }
0xa0: {  	[sflag:s22] =	ssyncadd.s32 s4;
	_ =	sdelay $0x1  }
0xa1: {  	s23 =	simm.s32 $0x1B8B  }
0xa2: {  	_ =	swait.ge [sflag:s23], $0x1  }
0xa3: {  	[sflag:s23] =	ssyncset.done $0x0  }
0xa4: {  	s25 =	simm.s32 $0x1B8E;
	s24 =	sld [smem:$0x3FFE];
	[sflag:s23] =	ssyncadd.s32 $0xFFFFFFFF  }
0xa5: {  	s26 =	simm.s32 $execute0_lowered;
	[smem:$0x3FD2] =	sst s25  }
0xa6: {  	s5 =	sshll.u32 s26, $0x1;
	_ =	strace $0x80000049;
	[dreg:$0x1] =	wrdreg $0xFFFFFFFF  }
0xa7: {  	s28 =	simm.s32 $_size_execute0_lowered;
	s3 =	sadd.s32 s3, s5;
	[dreg:$0x0] =	wrdreg $0x0  }
0xa8: {  	s5 =	sshll.u32 s28, $0x1;
	[dreg:$0x2] =	wrdreg s3  }
0xa9: {  	[dreg:$0x3] =	wrdreg s5  }
0xaa: {  	[dreg:$0x4] =	wrdreg $0xC0  }
0xab: {  	_ =	task [dreg:s7], $0x5FFFF  }
0xac: {  	[dreg:$0x1] =	wrdreg $0xFFFFFFFF  }
0xad: {  	[dreg:$0x0] =	wrdreg $0x60  }
0xae: {  	[dreg:$0x2] =	wrdreg s2  }
0xaf: {  	[dreg:$0x3] =	wrdreg s24  }
0xb0: {  	[dreg:$0x4] =	wrdreg $0x7B000  }
0xb1: {  	[dreg:$0x5] =	wrdreg $0x9  }
0xb2: {  	_ =	task.clear_ibuf [dreg:s7], $0x6FFFF;
	_ =	strace $0x90000049  }
0xb3: {  	s29 =	simm.s32 $0x9;
	_ =	strace $0x8000004B  }
0xb4: {  	_ =	swait.ge [sflag:s29], $0x1  }
0xb5: {  	[sflag:s29] =	ssyncadd.s32 $0xFFFFFFFF  }
0xb6: {  	_ =	strace $0x9000004B  }
0xb7: {  	_ =	sfence  }
0xb8: {  	s30 =	sld [smem:$0x0];
	_ =	sdelay $0x2  }
0xb9: {  	s31 =	sshll.u32 s1, $0xD;
	s1 =	sshrl.u32 s1, $0x2  }
0xba: {  	s3 =	sand.u32 $0x4000, s31;
	s1 =	sadd.s32 s1, s30  }
0xbb: {  	s0 =	sor.u32 s3, s0;
	s1 =	sshll.u32 s1, $0x11  }
0xbc: {  	s0 =	sor.u32 s1, s0  }
0xbd: {  	s0 =	sadd.s32 $0x8F2B, s0  }
0xbe: {  	[sflag:s0] =	ssyncadd.remote.s32 $0x1  }
0xbf: {  	_ =	sfence.sel $0xFFFF  }
0xc0: {  	[dreg:$0x0] =	wrdreg $0xFFFFFFFF;
	(pc) =	sbr.abs _section_cstart, $3  }
0xc1: {  	[dreg:$0x1] =	wrdreg $0xFFFFFFFF  }
0xc2: {  	_ =	task.clear_ibuf [dreg:s7], $0x2FFFF;
	_ =	strace $0x9FFFFFFF  }
0xc3: {  	(tm) =	ssettm $0x7FFFFFFF  }
tec
execute0_lowered:
.L_overlay_start_1:
0x0: {  	(tag) =	ssettag $0x1  }
0x1: {  	s1 =	rddreg [dreg:$0x0]  }
0x2: {  	s0 =	rddreg [dreg:$0x1]  }
0x3: {  	s2 =	rddreg [dreg:$0x2]  }
0x4: {  	s4 =	simm.s32 $0x0;
	s3 =	srdreg.scid;
	s11 =	stileid.u32  }
0x5: {  	s29 =	simm.s32 $0x300;
	s30 =	simm.s32 $0xD;
	s31 =	simm.s32 $0x180  }
0x6: {  	[smem:$0x7FF] =	sst s4;
	s3 =	sand.u32 $0x1, s3;
	s5 =	smul.u32 $0x50000, s11  }
0x7: {  	s7 =	sadd.s32 $0x53800, s0;
	s6 =	sadd.s32 $0x3200, s0;
	s19 =	smul.u32 $0x2710, s11  }
0x8: {  	_ =	strace $0x8000004A;
	[dreg:$0xa] =	wrdreg s6;
	s28 =	ssub.s32 $0x2, s3  }
0x9: {  	s9 =	sshll.u32 s3, $0x4;
	s17 =	smul.u32 $0x27100, s3;
	s5 =	sshrl.u32 s5, $0x2  }
0xa: {  	p0 =	seq.s32 s3, $0x1;
	s3 =	simm.s32 $0x2B800;
	s25 =	sadd.s32 s5, s2  }
0xb: {  	s8 =	sshrl.u32 s28, $0x1;
	s5 =	sadd.s32 $0x2800, s25;
	[dreg:$0xb] =	wrdreg s25  }
0xc: {  	s9 =	sor.u32 s11, s9;
	s10 =	sadd.s32 $0x5000, s25;
	[dreg:$0xc] =	wrdreg s5  }
0xd: {  	s3 =	simm.s32 @!p0 $0x3800;
	s13 =	sadd.s32 $0x7800, s25;
	[dreg:$0xd] =	wrdreg s10  }
0xe: {  	s8 =	ssub.s32 s28, s8;
	s14 =	sadd.s32 $0xA000, s25;
	[dreg:$0xe] =	wrdreg s13  }
0xf: {  	s12 =	smul.u32 $0x2710, s9;
	s15 =	sadd.s32 $0xC800, s25;
	[dreg:$0xf] =	wrdreg s14  }
0x10: {  	s0 =	sadd.s32 s3, s0;
	s16 =	sadd.s32 $0xF000, s25;
	[dreg:$0x10] =	wrdreg s15  }
0x11: {  	s18 =	sadd.s32 $0x11800, s25;
	[dreg:$0x11] =	wrdreg s16;
	s5 =	sshrl.u32 s12, $0x3  }
0x12: {  	[dreg:$0x12] =	wrdreg s18;
	s18 =	smul.u32 $0x2800, s11;
	s6 =	sadd.s32 s7, s5  }
0x13: {  	s11 =	simm.s32 $0x7;
	s5 =	sadd.s32 s19, s17;
	s10 =	sadd.s32 $0x9C40, s6  }
0x14: {  	s20 =	sadd.s32 $0xA, s6;
	s21 =	sadd.s32 $0x9C4A, s6;
	s22 =	sadd.s32 $0x14, s6  }
0x15: {  	s23 =	sadd.s32 $0x2D0, s5;
	s26 =	sadd.s32 $0x280, s5;
	[dreg:$0x13] =	wrdreg s6  }
0x16: {  	s28 =	sadd.s32 $0x4E3E0, s5;
	s13 =	sadd.s32 $0x4E390, s5;
	[dreg:$0x14] =	wrdreg s10  }
0x17: {  	s15 =	sadd.s32 $0x230, s5;
	s16 =	sadd.s32 $0x1E, s6;
	[dreg:$0x15] =	wrdreg s20  }
0x18: {  	s5 =	sadd.s32 $0x4E430, s5;
	s0 =	sadd.s32 s0, s18;
	[dreg:$0x16] =	wrdreg s21  }
0x19: {  	s18 =	simm.s32 $0x5;
	[dreg:$0x17] =	wrdreg s22;
	s24 =	sshrl.u32 s23, $0x3  }
0x1a: {  	s9 =	sshrl.u32 s26, $0x3;
	s10 =	sshrl.u32 s28, $0x3;
	s14 =	sshrl.u32 s13, $0x3  }
0x1b: {  	[dreg:$0x18] =	wrdreg s16;
	s19 =	sshrl.u32 s5, $0x3;
	s20 =	sadd.s32 $0x9C54, s6  }
0x1c: {  	s21 =	sadd.s32 $0x28, s6;
	[dreg:$0x1b] =	wrdreg s0;
	s22 =	sadd.s32 $0x9C5E, s6  }
0x1d: {  	s23 =	sadd.s32 $0x32, s6;
	s26 =	sadd.s32 $0x9C68, s6;
	[dreg:$0x19] =	wrdreg s20  }
0x1e: {  	s28 =	sadd.s32 $0x3C, s6;
	s0 =	simm.s32 $0x80;
	[dreg:$0x1a] =	wrdreg s21  }
0x1f: {  	s5 =	simm.s32 $0x100;
	s13 =	simm.s32 $0x280;
	[dreg:$0x1c] =	wrdreg s22  }
0x20: {  	s16 =	simm.s32 $0x5300;
	s3 =	sadd.s32 s24, s7;
	[dreg:$0x1d] =	wrdreg s23  }
0x21: {  	s9 =	sadd.s32 s9, s7;
	s12 =	sadd.s32 s10, s7;
	[dreg:$0x1f] =	wrdreg s26  }
0x22: {  	s24 =	smax.u32 s8, $0x1;
	[smem:$0x7FD] =	sst s28;
	s8 =	simm.s32 $0x50  }
0x23: {  	s10 =	simm.s32 $0x2B00;
	s20 =	simm.s32 $0x9;
	[dreg:$0x4] =	wrdreg s3  }
0x24: {  	s21 =	simm.s32 $0x6;
	s22 =	simm.s32 $0xB;
	[dreg:$0x5] =	wrdreg s9  }
0x25: {  	s23 =	simm.s32 $0xC;
	[dreg:$0x6] =	wrdreg s12;
	s3 =	sadd.s32 s14, s7  }
0x26: {  	s9 =	sshrl.u32 s15, $0x3;
	[dreg:$0x1e] =	wrdreg s24;
	s12 =	simm.s32 $0x4  }
0x27: {  	s15 =	simm.s32 $0x3;
	s24 =	simm.s32 $0x0;
	[dreg:$0x7] =	wrdreg s3  }
0x28: {  	s17 =	sadd.s32 s9, s7;
	s3 =	sadd.s32 s19, s7;
	s7 =	simm.s32 $0x1  }
0x29: {  	s9 =	simm.s32 $0x2;
	s19 =	simm.s32 $0xA;
	[dreg:$0x8] =	wrdreg s17  }
0x2a: {  	[dreg:$0x9] =	wrdreg s3;
	s3 =	simm.s32 $0x200;
	s17 =	simm.s32 $0x8  }
.LBB2_1:
0x2b: {  	s6 =	rddreg [dreg:$0xa]  }
0x2c: {  	[tilespmem:s29], [sflag:$0xD] =	stream.linear.gather [hbm4b:s6+s4], $0x2800, $0x38;
	[tilespmem:$0x1BB00] =	vst v63  }
0x2d: {  	_ =	swait.ge [sflag:s30], $0x2800  }
0x2e: {  	[sflag:s30] =	ssyncset.done $0x0  }
0x2f: {  	[sflag:s30] =	ssyncadd.s32 $0xFFFFD800  }
0x30: {  	[spmem:s25] =	stream.linear.scatter [tilespmem:s29], [sflag:$0xD], $0x2800, $0x38;
	[tilespmem:$0x1BB00] =	vst v63  }
0x31: {  	_ =	swait.ge [sflag:s30], $0x2800  }
0x32: {  	[sflag:s30] =	ssyncset.done $0x0  }
0x33: {  	s25 =	rddreg [dreg:$0xc];
	[sflag:s30] =	ssyncadd.s32 $0xFFFFD800  }
0x34: {  	[spmem:s25] =	stream.linear.scatter [tilespmem:s29], [sflag:$0xD], $0x2800, $0x38;
	[tilespmem:$0x1BB00] =	vst v63  }
0x35: {  	_ =	swait.ge [sflag:s30], $0x2800  }
0x36: {  	[sflag:s30] =	ssyncset.done $0x0  }
0x37: {  	s26 =	rddreg [dreg:$0xd];
	[sflag:s30] =	ssyncadd.s32 $0xFFFFD800  }
0x38: {  	[spmem:s26] =	stream.linear.scatter [tilespmem:s29], [sflag:$0xD], $0x2800, $0x38;
	[tilespmem:$0x1BB00] =	vst v63  }
0x39: {  	_ =	swait.ge [sflag:s30], $0x2800  }
0x3a: {  	[sflag:s30] =	ssyncset.done $0x0  }
0x3b: {  	s28 =	rddreg [dreg:$0xe];
	[sflag:s30] =	ssyncadd.s32 $0xFFFFD800  }
0x3c: {  	[spmem:s28] =	stream.linear.scatter [tilespmem:s29], [sflag:$0xD], $0x2800, $0x38;
	[tilespmem:$0x1BB00] =	vst v63  }
0x3d: {  	_ =	swait.ge [sflag:s30], $0x2800  }
0x3e: {  	[sflag:s30] =	ssyncset.done $0x0  }
0x3f: {  	s14 =	rddreg [dreg:$0xf];
	[sflag:s30] =	ssyncadd.s32 $0xFFFFD800  }
0x40: {  	[spmem:s14] =	stream.linear.scatter [tilespmem:s29], [sflag:$0xD], $0x2800, $0x38;
	[tilespmem:$0x1BB00] =	vst v63  }
0x41: {  	_ =	swait.ge [sflag:s30], $0x2800  }
0x42: {  	[sflag:s30] =	ssyncset.done $0x0  }
0x43: {  	s25 =	rddreg [dreg:$0x10];
	[sflag:s30] =	ssyncadd.s32 $0xFFFFD800  }
0x44: {  	[spmem:s25] =	stream.linear.scatter [tilespmem:s29], [sflag:$0xD], $0x2800, $0x38;
	[tilespmem:$0x1BB00] =	vst v63  }
0x45: {  	_ =	swait.ge [sflag:s30], $0x2800  }
0x46: {  	[sflag:s30] =	ssyncset.done $0x0  }
0x47: {  	s26 =	rddreg [dreg:$0x11];
	[sflag:s30] =	ssyncadd.s32 $0xFFFFD800  }
0x48: {  	[spmem:s26] =	stream.linear.scatter [tilespmem:s29], [sflag:$0xD], $0x2800, $0x38;
	[tilespmem:$0x1BB00] =	vst v63  }
0x49: {  	_ =	swait.ge [sflag:s30], $0x2800  }
0x4a: {  	[sflag:s30] =	ssyncset.done $0x0  }
0x4b: {  	s28 =	rddreg [dreg:$0x12];
	[sflag:s30] =	ssyncadd.s32 $0xFFFFD800  }
0x4c: {  	[spmem:s28] =	stream.linear.scatter [tilespmem:s29], [sflag:$0xD], $0x2800, $0x38;
	[tilespmem:$0x1BB00] =	vst v63  }
0x4d: {  	_ =	swait.ge [sflag:s30], $0x2800  }
0x4e: {  	[sflag:s30] =	ssyncset.done $0x0  }
0x4f: {  	[sflag:s30] =	ssyncadd.s32 $0xFFFFD800  }
0x50: {  	[bflag:$0x0] =	sbarrier.arrive $0xFFFF  }
0x51: {  	s14 =	rddreg [dreg:$0x13]  }
0x52: {  	[tilespmem:s4], [sflag:$0x1] =	stream.linear.gather [hbm4b:s14+s4], $0x50, $0x38;
	[tilespmem:$0x1BB00] =	vst v63  }
0x53: {  	s25 =	rddreg [dreg:$0x14]  }
0x54: {  	[tilespmem:s31], [sflag:$0x4] =	stream.linear.gather [hbm4b:s25+s4], $0x50, $0x38;
	[tilespmem:$0x1BB00] =	vst v63  }
0x55: {  	s26 =	rddreg [dreg:$0x15]  }
0x56: {  	[tilespmem:s0], [sflag:$0x2] =	stream.linear.gather [hbm4b:s26+s4], $0x50, $0x38;
	[tilespmem:$0x1BB00] =	vst v63  }
0x57: {  	s28 =	rddreg [dreg:$0x16]  }
0x58: {  	[tilespmem:s3], [sflag:$0x5] =	stream.linear.gather [hbm4b:s28+s4], $0x50, $0x38;
	[tilespmem:$0x1BB00] =	vst v63  }
0x59: {  	s14 =	rddreg [dreg:$0x17]  }
0x5a: {  	[tilespmem:s5], [sflag:$0x3] =	stream.linear.gather [hbm4b:s14+s4], $0x50, $0x38;
	[tilespmem:$0x1BB00] =	vst v63  }
0x5b: {  	_ =	swait.ge [sflag:s7], $0x50  }
0x5c: {  	[sflag:s7] =	ssyncset.done $0x0  }
0x5d: {  	[sflag:s7] =	ssyncadd.s32 $0xFFFFFFB0  }
0x5e: {  	[tilespmem:s29], [sflag:$0x7] =	stream.indirect.gather [hbm4b:s1+s8], $0x80, s4, s8, $0xb8;
	[tilespmem:$0x1BB00] =	vst v63  }
0x5f: {  	_ =	swait.ge [sflag:s9], $0x50  }
0x60: {  	[sflag:s9] =	ssyncset.done $0x0  }
0x61: {  	[sflag:s9] =	ssyncadd.s32 $0xFFFFFFB0  }
0x62: {  	[tilespmem:s10], [sflag:$0x8] =	stream.indirect.gather [hbm4b:s1+s8], $0x80, s0, s8, $0xb8;
	[tilespmem:$0x1BB00] =	vst v63  }
0x63: {  	_ =	swait.ge [sflag:s11], $0x2800  }
0x64: {  	[sflag:s11] =	ssyncset.done $0x0  }
0x65: {  	s25 =	rddreg [dreg:$0x18];
	[sflag:s11] =	ssyncadd.s32 $0xFFFFD800  }
0x66: {  	[tilespmem:s4], [sflag:$0x1] =	stream.linear.gather [hbm4b:s25+s4], $0x50, $0x38;
	[tilespmem:$0x1BB00] =	vst v63  }
0x67: {  	_ =	swait.ge [sflag:s12], $0x50  }
0x68: {  	[sflag:s12] =	ssyncset.done $0x0  }
0x69: {  	[sflag:s12] =	ssyncadd.s32 $0xFFFFFFB0  }
0x6a: {  	[spmem:s2] =	stream.indirect.scatter.add.f32 [tilespmem:s29], [sflag:$0xA], $0x80, s31, s8, $0xb8;
	[tilespmem:$0x1BB00] =	vst v63  }
0x6b: {  	s26 =	rddreg [dreg:$0x19]  }
0x6c: {  	[tilespmem:s13], [sflag:$0x6] =	stream.linear.gather [hbm4b:s26+s4], $0x50, $0x38;
	[tilespmem:$0x1BB00] =	vst v63  }
0x6d: {  	_ =	swait.ge [sflag:s15], $0x50  }
0x6e: {  	[sflag:s15] =	ssyncset.done $0x0  }
0x6f: {  	[sflag:s15] =	ssyncadd.s32 $0xFFFFFFB0  }
0x70: {  	[tilespmem:s16], [sflag:$0x9] =	stream.indirect.gather [hbm4b:s1+s8], $0x80, s5, s8, $0xb8;
	[tilespmem:$0x1BB00] =	vst v63  }
0x71: {  	_ =	swait.ge [sflag:s17], $0x2800  }
0x72: {  	[sflag:s17] =	ssyncset.done $0x0  }
0x73: {  	s28 =	rddreg [dreg:$0x1a];
	[sflag:s17] =	ssyncadd.s32 $0xFFFFD800  }
0x74: {  	[tilespmem:s0], [sflag:$0x2] =	stream.linear.gather [hbm4b:s28+s4], $0x50, $0x38;
	[tilespmem:$0x1BB00] =	vst v63  }
0x75: {  	_ =	swait.ge [sflag:s18], $0x50  }
0x76: {  	[sflag:s18] =	ssyncset.done $0x0  }
0x77: {  	[sflag:s18] =	ssyncadd.s32 $0xFFFFFFB0  }
0x78: {  	[spmem:s2] =	stream.indirect.scatter.add.f32 [tilespmem:s10], [sflag:$0xB], $0x80, s3, s8, $0xb8;
	[tilespmem:$0x1BB00] =	vst v63  }
0x79: {  	_ =	swait.ge [sflag:s19], $0x2800  }
0x7a: {  	[sflag:s19] =	ssyncset.done $0x0  }
0x7b: {  	s14 =	rddreg [dreg:$0x1c];
	[sflag:s19] =	ssyncadd.s32 $0xFFFFD800  }
0x7c: {  	[tilespmem:s31], [sflag:$0x4] =	stream.linear.gather [hbm4b:s14+s4], $0x50, $0x38;
	[tilespmem:$0x1BB00] =	vst v63  }
0x7d: {  	_ =	swait.ge [sflag:s7], $0x50  }
0x7e: {  	[sflag:s7] =	ssyncset.done $0x0  }
0x7f: {  	[sflag:s7] =	ssyncadd.s32 $0xFFFFFFB0  }
0x80: {  	[tilespmem:s29], [sflag:$0x7] =	stream.indirect.gather [hbm4b:s1+s8], $0x80, s4, s8, $0xb8;
	[tilespmem:$0x1BB00] =	vst v63  }
0x81: {  	_ =	swait.ge [sflag:s20], $0x2800  }
0x82: {  	[sflag:s20] =	ssyncset.done $0x0  }
0x83: {  	s25 =	rddreg [dreg:$0x1d];
	[sflag:s20] =	ssyncadd.s32 $0xFFFFD800  }
0x84: {  	[tilespmem:s5], [sflag:$0x3] =	stream.linear.gather [hbm4b:s25+s4], $0x50, $0x38;
	[tilespmem:$0x1BB00] =	vst v63  }
0x85: {  	_ =	swait.ge [sflag:s21], $0x50  }
0x86: {  	[sflag:s21] =	ssyncset.done $0x0  }
0x87: {  	[sflag:s21] =	ssyncadd.s32 $0xFFFFFFB0  }
0x88: {  	[spmem:s2] =	stream.indirect.scatter.add.f32 [tilespmem:s16], [sflag:$0xC], $0x80, s13, s8, $0xb8;
	[tilespmem:$0x1BB00] =	vst v63  }
0x89: {  	_ =	swait.ge [sflag:s22], $0x2800  }
0x8a: {  	[sflag:s22] =	ssyncset.done $0x0  }
0x8b: {  	s26 =	rddreg [dreg:$0x1f];
	[sflag:s22] =	ssyncadd.s32 $0xFFFFD800  }
0x8c: {  	[tilespmem:s3], [sflag:$0x5] =	stream.linear.gather [hbm4b:s26+s4], $0x50, $0x38;
	[tilespmem:$0x1BB00] =	vst v63  }
0x8d: {  	_ =	swait.ge [sflag:s9], $0x50  }
0x8e: {  	[sflag:s9] =	ssyncset.done $0x0  }
0x8f: {  	[sflag:s9] =	ssyncadd.s32 $0xFFFFFFB0  }
0x90: {  	[tilespmem:s10], [sflag:$0x8] =	stream.indirect.gather [hbm4b:s1+s8], $0x80, s0, s8, $0xb8;
	[tilespmem:$0x1BB00] =	vst v63  }
0x91: {  	_ =	swait.ge [sflag:s11], $0x2800  }
0x92: {  	s28 =	sld [smem:$0x7FD]  }
0x93: {  	[sflag:s11] =	ssyncset.done $0x0  }
0x94: {  	[sflag:s11] =	ssyncadd.s32 $0xFFFFD800  }
0x95: {  	[tilespmem:s4], [sflag:$0x1] =	stream.linear.gather [hbm4b:s28+s4], $0x50, $0x38;
	[tilespmem:$0x1BB00] =	vst v63  }
0x96: {  	_ =	swait.ge [sflag:s12], $0x50  }
0x97: {  	[sflag:s12] =	ssyncset.done $0x0  }
0x98: {  	[sflag:s12] =	ssyncadd.s32 $0xFFFFFFB0  }
0x99: {  	[spmem:s2] =	stream.indirect.scatter.add.f32 [tilespmem:s29], [sflag:$0xA], $0x80, s31, s8, $0xb8;
	[tilespmem:$0x1BB00] =	vst v63  }
0x9a: {  	_ =	swait.ge [sflag:s23], $0x2800  }
0x9b: {  	s6 =	rddreg [dreg:$0x7];
	[sflag:s23] =	ssyncset.done $0x0  }
0x9c: {  	[sflag:s23] =	ssyncadd.s32 $0xFFFFD800;
	s25 =	sadd.s32 $0x0, s6  }
0x9d: {  	[tilespmem:s13], [sflag:$0x6] =	stream.linear.gather [hbm4b:s25+s4], $0x50, $0x38;
	[tilespmem:$0x1BB00] =	vst v63  }
0x9e: {  	_ =	swait.ge [sflag:s15], $0x50  }
0x9f: {  	[sflag:s15] =	ssyncset.done $0x0  }
0xa0: {  	[sflag:s15] =	ssyncadd.s32 $0xFFFFFFB0  }
0xa1: {  	[tilespmem:s16], [sflag:$0x9] =	stream.indirect.gather [hbm4b:s1+s8], $0x80, s5, s8, $0xb8;
	[tilespmem:$0x1BB00] =	vst v63  }
0xa2: {  	_ =	swait.ge [sflag:s17], $0x2800  }
0xa3: {  	s14 =	rddreg [dreg:$0x8];
	[sflag:s17] =	ssyncset.done $0x0  }
0xa4: {  	[sflag:s17] =	ssyncadd.s32 $0xFFFFD800;
	s25 =	sadd.s32 $0x0, s14  }
0xa5: {  	[tilespmem:s0], [sflag:$0x2] =	stream.linear.gather [hbm4b:s25+s4], $0x50, $0x38;
	[tilespmem:$0x1BB00] =	vst v63  }
0xa6: {  	_ =	swait.ge [sflag:s18], $0x50  }
0xa7: {  	[sflag:s18] =	ssyncset.done $0x0  }
0xa8: {  	[sflag:s18] =	ssyncadd.s32 $0xFFFFFFB0  }
0xa9: {  	[spmem:s2] =	stream.indirect.scatter.add.f32 [tilespmem:s10], [sflag:$0xB], $0x80, s3, s8, $0xb8;
	[tilespmem:$0x1BB00] =	vst v63  }
0xaa: {  	_ =	swait.ge [sflag:s19], $0x2800  }
0xab: {  	s26 =	rddreg [dreg:$0x6];
	[sflag:s19] =	ssyncset.done $0x0  }
0xac: {  	[sflag:s19] =	ssyncadd.s32 $0xFFFFD800;
	s25 =	sadd.s32 $0x0, s26  }
0xad: {  	[tilespmem:s31], [sflag:$0x4] =	stream.linear.gather [hbm4b:s25+s4], $0x50, $0x38;
	[tilespmem:$0x1BB00] =	vst v63  }
0xae: {  	_ =	swait.ge [sflag:s7], $0x50  }
0xaf: {  	[sflag:s7] =	ssyncset.done $0x0  }
0xb0: {  	[sflag:s7] =	ssyncadd.s32 $0xFFFFFFB0  }
0xb1: {  	[tilespmem:s29], [sflag:$0x7] =	stream.indirect.gather [hbm4b:s1+s8], $0x80, s4, s8, $0xb8;
	[tilespmem:$0x1BB00] =	vst v63  }
0xb2: {  	p0 =	por $0x0, $0x0;
	_ =	swait.ge [sflag:s20], $0x2800  }
0xb3: {  	s28 =	simm.s32 @!p0 $0x100;
	s25 =	rddreg [dreg:$0x5];
	[sflag:s20] =	ssyncset.done $0x0  }
0xb4: {  	s26 =	simm.s32 @!p0 $0x0;
	[sflag:s20] =	ssyncadd.s32 $0xFFFFD800;
	s25 =	sadd.s32 @!p0 $0x0, s25  }
0xb5: {  	[tilespmem:s28], [sflag:$0x3] =	stream.linear.gather @!p0 [hbm4b:s25+s26], $0x50, $0x38;
	[tilespmem:$0x1BB00] =	vst v63  }
0xb6: {  	_ =	swait.ge [sflag:s21], $0x50  }
0xb7: {  	[sflag:s21] =	ssyncset.done $0x0  }
0xb8: {  	[sflag:s21] =	ssyncadd.s32 $0xFFFFFFB0  }
0xb9: {  	[spmem:s2] =	stream.indirect.scatter.add.f32 [tilespmem:s16], [sflag:$0xC], $0x80, s13, s8, $0xb8;
	[tilespmem:$0x1BB00] =	vst v63  }
0xba: {  	_ =	swait.ge [sflag:s22], $0x2800  }
0xbb: {  	s28 =	rddreg [dreg:$0x9];
	[sflag:s22] =	ssyncset.done $0x0  }
0xbc: {  	[sflag:s22] =	ssyncadd.s32 $0xFFFFD800;
	s25 =	sadd.s32 $0x0, s28  }
0xbd: {  	[tilespmem:s3], [sflag:$0x5] =	stream.linear.gather [hbm4b:s25+s4], $0x50, $0x38;
	[tilespmem:$0x1BB00] =	vst v63  }
0xbe: {  	_ =	swait.ge [sflag:s9], $0x50  }
0xbf: {  	[sflag:s9] =	ssyncset.done $0x0  }
0xc0: {  	[sflag:s9] =	ssyncadd.s32 $0xFFFFFFB0  }
0xc1: {  	[tilespmem:s10], [sflag:$0x8] =	stream.indirect.gather [hbm4b:s1+s8], $0x80, s0, s8, $0xb8;
	[tilespmem:$0x1BB00] =	vst v63  }
0xc2: {  	_ =	swait.ge [sflag:s11], $0x2800  }
0xc3: {  	s25 =	rddreg [dreg:$0x4];
	[sflag:s11] =	ssyncset.done $0x0  }
0xc4: {  	[sflag:s11] =	ssyncadd.s32 $0xFFFFD800;
	s25 =	sadd.s32 @!p0 $0x0, s25  }
0xc5: {  	[tilespmem:s26], [sflag:$0x1] =	stream.linear.gather @!p0 [hbm4b:s25+s26], $0x50, $0x38;
	[tilespmem:$0x1BB00] =	vst v63  }
0xc6: {  	_ =	swait.ge [sflag:s12], $0x50  }
0xc7: {  	s25 =	simm.s32 $0x1E;
	[sflag:s12] =	ssyncset.done $0x0  }
.LBB2_2:
0xc8: {  	[sflag:s12] =	ssyncadd.s32 $0xFFFFFFB0  }
0xc9: {  	[spmem:s2] =	stream.indirect.scatter.add.f32 [tilespmem:s29], [sflag:$0xA], $0x80, s31, s8, $0xb8;
	[tilespmem:$0x1BB00] =	vst v63  }
0xca: {  	_ =	swait.ge [sflag:s23], $0x2800  }
0xcb: {  	s26 =	smov.u32 s25;
	s28 =	rddreg [dreg:$0x7];
	[sflag:s23] =	ssyncset.done $0x0  }
0xcc: {  	[sflag:s23] =	ssyncadd.s32 $0xFFFFD800;
	s28 =	sadd.s32 s26, s28  }
0xcd: {  	[tilespmem:s13], [sflag:$0x6] =	stream.linear.gather [hbm4b:s28+s4], $0x50, $0x38;
	[tilespmem:$0x1BB00] =	vst v63  }
0xce: {  	_ =	swait.ge [sflag:s15], $0x50  }
0xcf: {  	[sflag:s15] =	ssyncset.done $0x0  }
0xd0: {  	[sflag:s15] =	ssyncadd.s32 $0xFFFFFFB0  }
0xd1: {  	[tilespmem:s16], [sflag:$0x9] =	stream.indirect.gather [hbm4b:s1+s8], $0x80, s5, s8, $0xb8;
	[tilespmem:$0x1BB00] =	vst v63  }
0xd2: {  	_ =	swait.ge [sflag:s17], $0x2800  }
0xd3: {  	s6 =	rddreg [dreg:$0x8];
	[sflag:s17] =	ssyncset.done $0x0  }
0xd4: {  	[sflag:s17] =	ssyncadd.s32 $0xFFFFD800;
	s28 =	sadd.s32 s26, s6  }
0xd5: {  	[tilespmem:s0], [sflag:$0x2] =	stream.linear.gather [hbm4b:s28+s4], $0x50, $0x38;
	[tilespmem:$0x1BB00] =	vst v63  }
0xd6: {  	_ =	swait.ge [sflag:s18], $0x50  }
0xd7: {  	[sflag:s18] =	ssyncset.done $0x0  }
0xd8: {  	[sflag:s18] =	ssyncadd.s32 $0xFFFFFFB0  }
0xd9: {  	[spmem:s2] =	stream.indirect.scatter.add.f32 [tilespmem:s10], [sflag:$0xB], $0x80, s3, s8, $0xb8;
	[tilespmem:$0x1BB00] =	vst v63  }
0xda: {  	_ =	swait.ge [sflag:s19], $0x2800  }
0xdb: {  	s14 =	rddreg [dreg:$0x6];
	[sflag:s19] =	ssyncset.done $0x0  }
0xdc: {  	[sflag:s19] =	ssyncadd.s32 $0xFFFFD800;
	s28 =	sadd.s32 s26, s14  }
0xdd: {  	[tilespmem:s31], [sflag:$0x4] =	stream.linear.gather [hbm4b:s28+s4], $0x50, $0x38;
	[tilespmem:$0x1BB00] =	vst v63  }
0xde: {  	_ =	swait.ge [sflag:s7], $0x50  }
0xdf: {  	[sflag:s7] =	ssyncset.done $0x0  }
0xe0: {  	[sflag:s7] =	ssyncadd.s32 $0xFFFFFFB0  }
0xe1: {  	[tilespmem:s29], [sflag:$0x7] =	stream.indirect.gather [hbm4b:s1+s8], $0x80, s4, s8, $0xb8;
	[tilespmem:$0x1BB00] =	vst v63  }
0xe2: {  	p1 =	seq.s32 s26, $0x492;
	_ =	swait.ge [sflag:s20], $0x2800  }
0xe3: {  	s6 =	simm.s32 @!p1 $0x100;
	s28 =	rddreg [dreg:$0x5];
	[sflag:s20] =	ssyncset.done $0x0  }
0xe4: {  	s14 =	simm.s32 @!p1 $0x0;
	[sflag:s20] =	ssyncadd.s32 $0xFFFFD800;
	s28 =	sadd.s32 @!p1 s26, s28  }
0xe5: {  	[tilespmem:s6], [sflag:$0x3] =	stream.linear.gather @!p1 [hbm4b:s28+s14], $0x50, $0x38;
	[tilespmem:$0x1BB00] =	vst v63  }
0xe6: {  	_ =	swait.ge [sflag:s21], $0x50  }
0xe7: {  	[sflag:s21] =	ssyncset.done $0x0  }
0xe8: {  	[sflag:s21] =	ssyncadd.s32 $0xFFFFFFB0  }
0xe9: {  	[spmem:s2] =	stream.indirect.scatter.add.f32 [tilespmem:s16], [sflag:$0xC], $0x80, s13, s8, $0xb8;
	[tilespmem:$0x1BB00] =	vst v63  }
0xea: {  	_ =	swait.ge [sflag:s22], $0x2800  }
0xeb: {  	s28 =	rddreg [dreg:$0x9];
	[sflag:s22] =	ssyncset.done $0x0  }
0xec: {  	[sflag:s22] =	ssyncadd.s32 $0xFFFFD800;
	s6 =	sadd.s32 s26, s28  }
0xed: {  	[tilespmem:s3], [sflag:$0x5] =	stream.linear.gather [hbm4b:s6+s4], $0x50, $0x38;
	[tilespmem:$0x1BB00] =	vst v63  }
0xee: {  	_ =	swait.ge [sflag:s9], $0x50  }
0xef: {  	[sflag:s9] =	ssyncset.done $0x0  }
0xf0: {  	s25 =	sadd.s32 $0x1E, s25;
	[sflag:s9] =	ssyncadd.s32 $0xFFFFFFB0  }
0xf1: {  	[tilespmem:s10], [sflag:$0x8] =	stream.indirect.gather [hbm4b:s1+s8], $0x80, s0, s8, $0xb8;
	[tilespmem:$0x1BB00] =	vst v63  }
0xf2: {  	p0 =	sne.s32 s25, $0x4B0;
	_ =	swait.ge [sflag:s11], $0x2800  }
.Ltmp0:
0xf3: {  	s6 =	rddreg [dreg:$0x4];
	[sflag:s11] =	ssyncset.done $0x0;
	(pc) =	sbr.rel @p0 .LBB2_2-.Ltmp0, $4  }
0xf4: {  	[sflag:s11] =	ssyncadd.s32 $0xFFFFD800;
	s6 =	sadd.s32 @!p1 s26, s6  }
0xf5: {  	[tilespmem:s14], [sflag:$0x1] =	stream.linear.gather @!p1 [hbm4b:s6+s14], $0x50, $0x38;
	[tilespmem:$0x1BB00] =	vst v63  }
0xf6: {  	_ =	swait.ge [sflag:s12], $0x50  }
0xf7: {  	[sflag:s12] =	ssyncset.done $0x0  }
0xf8: {  	[sflag:s12] =	ssyncadd.s32 $0xFFFFFFB0  }
0xf9: {  	[spmem:s2] =	stream.indirect.scatter.add.f32 [tilespmem:s29], [sflag:$0xA], $0x80, s31, s8, $0xb8;
	[tilespmem:$0x1BB00] =	vst v63  }
0xfa: {  	_ =	swait.ge [sflag:s17], $0x2800  }
0xfb: {  	[sflag:s17] =	ssyncset.done $0x0  }
0xfc: {  	[sflag:s17] =	ssyncadd.s32 $0xFFFFD800  }
0xfd: {  	_ =	swait.ge [sflag:s18], $0x50  }
0xfe: {  	[sflag:s18] =	ssyncset.done $0x0  }
0xff: {  	[sflag:s18] =	ssyncadd.s32 $0xFFFFFFB0  }
0x100: {  	[spmem:s2] =	stream.indirect.scatter.add.f32 [tilespmem:s10], [sflag:$0xB], $0x80, s3, s8, $0xb8;
	[tilespmem:$0x1BB00] =	vst v63  }
0x101: {  	_ =	swait.ge [sflag:s23], $0x2800  }
0x102: {  	[sflag:s23] =	ssyncset.done $0x0  }
0x103: {  	[sflag:s23] =	ssyncadd.s32 $0xFFFFD800  }
0x104: {  	_ =	swait.ge [sflag:s19], $0x2800  }
0x105: {  	[sflag:s19] =	ssyncset.done $0x0  }
0x106: {  	[sflag:s19] =	ssyncadd.s32 $0xFFFFD800  }
0x107: {  	_ =	swait.ge [sflag:s22], $0x2800  }
0x108: {  	[sflag:s22] =	ssyncset.done $0x0  }
0x109: {  	[sflag:s22] =	ssyncadd.s32 $0xFFFFD800  }
0x10a: {  	s6 =	stileid.u32;
	[bflag:$0x0] =	sbarrier.arrive $0xFFFF  }
0x10b: {  	s6 =	sshll.u32 s6, $0x6;
	s25 =	rddreg [dreg:$0xb]  }
0x10c: {  	s6 =	sor.u32 $0x1C0D, s6;
	s26 =	rddreg [dreg:$0x1b];
	s14 =	sshrl.u32 s25, $0x3  }
0x10d: {  	[hbm:s26], [sflag:s6] =	dma.local [spmem:s14], $0x2800  }
0x10e: {  	_ =	swait.ge [sflag:s30], $0x2800  }
0x10f: {  	s24 =	sadd.s32 $0x1, s24;
	s28 =	rddreg [dreg:$0x1e]  }
0x110: {  	p0 =	sne.s32 s24, s28  }
.Ltmp1:
0x111: {  	_ = 	snop;
	(pc) =	sbr.rel @p0 .LBB2_1-.Ltmp1, $3  }
0x112: {  	_ =	sdelay $0x1  }
0x113: {  	[sflag:s30] =	ssyncset.done $0x0  }
0x114: {  	[sflag:s30] =	ssyncadd.s32 $0xFFFFD800  }
0x115: {  	_ =	sfence.sel $0x180000  }
0x116: {  	[bflag:$0x0] =	sbarrier.arrive $0xFFFF  }
0x117: {  	_ =	strace $0x9000004A  }
0x118: {  	s0 =	stileid.u32;
	[bflag:$0x2] =	sbarrier.arrive $0xFFFF  }
0x119: {  	p0 =	sne.s32 s0, $0x0;
	s0 =	rddreg [dreg:$0x3]  }
0x11a: {  	s0 =	sadd.s32 @!p0 $0x100000, s0  }
0x11b: {  	[sflag:s0] =	ssyncadd.tile.s32 @!p0 $0x1;
	_ =	shalt  }
.Lfunc_end2:
_tile_overlayer_lowered:
.L_overlay_start_2:
0x11c: {  	(tag) =	ssettag $0x2  }
0x11d: {  	s0 =	rddreg [dreg:$0x0];
	s2 =	stileid.u32  }
0x11e: {  	s1 =	rddreg [dreg:$0x1];
	p0 =	sne.s32 s2, $0x0  }
0x11f: {  	s3 =	rddreg [dreg:$0x2];
	[bflag:$0x3] =	sbarrier.arrive $0xFFFF;
	s2 =	simm.s32 @!p0 $0x1C0D  }
0x120: {  	[timem:s3], [sflag:s2] =	dma.local @!p0 [hbm:s0], s1  }
0x121: {  	s0 =	simm.s32 @!p0 $0xD  }
0x122: {  	_ =	swait.ge @!p0 [sflag:s0], s1  }
0x123: {  	s1 =	ssub.s32 @!p0 $0x0, s1;
	[sflag:s0] =	ssyncset.done @!p0 $0x0  }
0x124: {  	[sflag:s0] =	ssyncadd.s32 @!p0 s1  }
0x125: {  	[bflag:$0x3] =	sbarrier.arrive $0xFFFF  }
0x126: {  	_ =	shalt  }

</sc_bundles>
